<compile_context>
chip_gen: v7x
topology: tpu7x:2x2x1
jax: 0.10.2.dev20260603
libtpu: 0.0.44.dev20260713+nightly
codegen_flags: <defaults>
</compile_context>

<pallas_src>
import functools

import jax
import jax.numpy as jnp
from jax import lax
from jax.experimental import pallas as pl
from jax.experimental.pallas import tpu as pltpu
from jax.experimental.pallas import tpu_sc as plsc

_TEMP = 0.05
_M = 100000
_F = 128
_C = 1000
_CP = 1024
_B = 1024
_NC = 2
_NS = 16
_NW = _NC * _NS
_CH = 128
_NFULL = _M // _CH
_TAIL = _M - _NFULL * _CH
_TAIL_BASE = _NFULL * _CH
_KMAX = (_NFULL + _NW - 1) // _NW
_RPW = _B // _NW
_SLICE = _CP // _NS
_MPAD = ((_M + _F - 1) // _F) * _F


def _sc_segment_sum(features, labels, labels2d, indexes, zeros_cf, ones_hbm):
    mesh = plsc.VectorSubcoreMesh(
        core_axis_name="c", subcore_axis_name="s",
        num_cores=_NC, num_subcores=_NS)

    @functools.partial(
        pl.kernel,
        out_type=(
            jax.ShapeDtypeStruct((_NC, _CP, _F), jnp.float32),
            jax.ShapeDtypeStruct((_NC, _CP, _F), jnp.float32),
            jax.ShapeDtypeStruct((_B, _F), jnp.int32),
        ),
        mesh=mesh,
        scratch_types=[
            pltpu.VMEM((_CH, _F), jnp.float32),
            pltpu.VMEM((_CH, _F), jnp.float32),
            pltpu.VMEM((_CH,), jnp.int32),
            pltpu.VMEM((_CH,), jnp.int32),
            pltpu.VMEM((_TAIL, _F), jnp.float32),
            pltpu.VMEM((_TAIL,), jnp.int32),
            pltpu.VMEM((_CH, _F), jnp.float32),
            pltpu.VMEM((_TAIL, _F), jnp.float32),
            pltpu.VMEM((_RPW,), jnp.int32),
            pltpu.VMEM((_RPW, _F), jnp.int32),
            pltpu.VMEM_SHARED((_CP, _F), jnp.float32),
            pltpu.VMEM_SHARED((_CP, _F), jnp.float32),
            pltpu.SemaphoreType.DMA,
            pltpu.SemaphoreType.DMA,
            pltpu.SemaphoreType.DMA,
        ],
    )
    def k(features_h, labels_h, labels2d_h, indexes_h, zeros_cf_h, ones_hbm_h,
          cf_out, nums_out, tgt_out,
          fbuf0, fbuf1, lbuf0, lbuf1, fbuf_t, lbuf_t, ones_v, ones_t,
          idxb, gbuf, cf_acc, nums_acc, sem_r0, sem_r1, sem_t):
        cid = lax.axis_index("c")
        sid = lax.axis_index("s")
        w = cid * _NS + sid
        fbufs = (fbuf0, fbuf1)
        lbufs = (lbuf0, lbuf1)
        sem_r = (sem_r0, sem_r1)

        def issue_read(k_slot):
            b = k_slot % 2
            c = w + k_slot * _NW
            c = jnp.where(c < _NFULL, c, 0)
            off = pl.multiple_of(c * _CH, _CH)
            rf = pltpu.async_copy(
                features_h.at[pl.ds(off, _CH)], fbufs[b], sem_r[b])
            rl = pltpu.async_copy(
                labels_h.at[pl.ds(off, _CH)], lbufs[b], sem_r[b])
            return rf, rl

        rd = [None, None]
        rd[0] = issue_read(0)

        tb = w * _RPW
        pltpu.async_copy(indexes_h.at[pl.ds(tb, _RPW)], idxb, sem_t).wait()
        for j in range(_RPW // 16):
            v = idxb[pl.ds(j * 16, 16)]
            rows16 = lax.shift_right_logical(v, 7)
            pltpu.async_copy(
                labels2d_h.at[rows16], gbuf.at[pl.ds(j * 16, 16)],
                sem_t).wait()
        pltpu.sync_copy(gbuf, tgt_out.at[pl.ds(tb, _RPW)])

        pltpu.sync_copy(ones_hbm_h, ones_v)
        pltpu.sync_copy(ones_hbm_h.at[pl.ds(0, _TAIL)], ones_t)
        base = sid * _SLICE
        pltpu.sync_copy(zeros_cf_h, cf_acc.at[pl.ds(base, _SLICE)])
        pltpu.sync_copy(zeros_cf_h, nums_acc.at[pl.ds(base, _SLICE)])
        plsc.subcore_barrier()

        for ks in range(_KMAX - 1):
            b = ks % 2
            rd[1 - b] = issue_read(ks + 1)
            rd[b][0].wait()
            rd[b][1].wait()
            pltpu.sync_copy(fbufs[b], cf_acc.at[lbufs[b]], add=True)
            pltpu.sync_copy(ones_v, nums_acc.at[lbufs[b]], add=True)

        lb = (_KMAX - 1) % 2
        rd[lb][0].wait()
        rd[lb][1].wait()

        @pl.when(w + (_KMAX - 1) * _NW < _NFULL)
        def _():
            pltpu.sync_copy(fbufs[lb], cf_acc.at[lbufs[lb]], add=True)
            pltpu.sync_copy(ones_v, nums_acc.at[lbufs[lb]], add=True)

        @pl.when(w == _NW - 1)
        def _():
            pltpu.sync_copy(features_h.at[pl.ds(_TAIL_BASE, _TAIL)], fbuf_t)
            pltpu.sync_copy(labels_h.at[pl.ds(_TAIL_BASE, _TAIL)], lbuf_t)
            pltpu.sync_copy(fbuf_t, cf_acc.at[lbuf_t], add=True)
            pltpu.sync_copy(ones_t, nums_acc.at[lbuf_t], add=True)

        plsc.subcore_barrier()
        pltpu.sync_copy(cf_acc.at[pl.ds(base, _SLICE)],
                        cf_out.at[cid, pl.ds(base, _SLICE)])
        pltpu.sync_copy(nums_acc.at[pl.ds(base, _SLICE)],
                        nums_out.at[cid, pl.ds(base, _SLICE)])

    return k(features, labels, labels2d, indexes, zeros_cf, ones_hbm)


def _tc_loss_body(res_ref, cf_ref, nums_ref, trows_ref, idx_ref, out_ref):
    r = res_ref[:]
    nrm = jnp.sqrt(jnp.sum(r * r, axis=1, keepdims=True))
    inputs = r / jnp.clip(nrm, 1e-12, None)
    cf = cf_ref[0] + cf_ref[1]
    nums = nums_ref[0, :, 0:1] + nums_ref[1, :, 0:1]
    sim = lax.dot_general(
        cf, inputs, (((1,), (1,)), ((), ())),
        preferred_element_type=jnp.float32,
        precision=lax.Precision.HIGHEST)
    valid_c = lax.broadcasted_iota(jnp.int32, (_CP, 1), 0) < _C
    mask = ((nums > 0) & valid_c).astype(jnp.float32)
    denom = mask * nums + (1.0 - mask)
    vec = sim / _TEMP / denom
    vec = jnp.where(mask > 0, vec, 0.0)
    exps = jnp.exp(vec)
    masked = exps * mask
    sums = jnp.sum(masked, axis=0, keepdims=True) + 1e-6
    msim = masked / sums
    logp = jnp.log(msim + 1e-6)
    col = jnp.bitwise_and(idx_ref[:], _F - 1)
    lane = lax.broadcasted_iota(jnp.int32, (_B, _F), 1)
    tgt = jnp.sum(jnp.where(lane == col, trows_ref[:], 0),
                  axis=1, keepdims=True).astype(jnp.float32)
    eye = (lax.broadcasted_iota(jnp.int32, (_B, _B), 0)
           == lax.broadcasted_iota(jnp.int32, (_B, _B), 1)
           ).astype(jnp.float32)
    tgt_row = lax.dot_general(
        tgt, eye, (((0,), (0,)), ((), ())),
        preferred_element_type=jnp.float32,
        precision=lax.Precision.HIGHEST)
    cidx = lax.broadcasted_iota(jnp.int32, (_CP, _B), 0)
    picked = jnp.where(cidx == tgt_row.astype(jnp.int32), logp, 0.0)
    out_ref[...] = jnp.reshape(-jnp.sum(picked) / _B, (1, 1))


def _tc_loss(results, cf_parts, nums_parts, trows, idx2):
    return pl.pallas_call(
        _tc_loss_body,
        out_shape=jax.ShapeDtypeStruct((1, 1), jnp.float32),
    )(results, cf_parts, nums_parts, trows, idx2)


def kernel(results, features, feature_weights, indexes, labels, cur_epoch):
    del feature_weights, cur_epoch
    labels_i = labels.astype(jnp.int32)
    idx_i = indexes.astype(jnp.int32)
    labels2d = jnp.concatenate(
        [labels_i, jnp.zeros((_MPAD - _M,), jnp.int32)]).reshape(_MPAD // _F, _F)
    zeros_cf = jnp.zeros((_SLICE, _F), jnp.float32)
    ones_hbm = jnp.ones((_CH, _F), jnp.float32)
    cf_parts, nums_parts, trows = _sc_segment_sum(
        features, labels_i, labels2d, idx_i, zeros_cf, ones_hbm)
    out = _tc_loss(results, cf_parts, nums_parts, trows,
                   idx_i.reshape(_B, 1))
    return out[0, 0]

# --- scband reference (transcript-rebuilt; emitter-appended) ---
"""Pipeline reference for scband-hybrid-memory-85323820302785 (READ-ONLY COPY).

The authoritative reference and input builder live on the scoring server;
editing this copy changes nothing except your own understanding.
"""

import jax, jax.numpy as jnp
import numpy as np

TEMP = 0.05
NUM_MEMORY = 100000
NUM_FEATURES = 128
NUM_CLUSTERS = 1000
BATCH = 1024


def _l2norm(x, eps=1e-12):
    n = jnp.linalg.norm(x, axis=1, keepdims=True)
    return x / jnp.clip(n, eps, None)


def setup_inputs(seed: int = 0) -> dict:
    key = jax.random.key(seed)
    k1, k2, k3, k4 = jax.random.split(key, 4)
    results = jax.random.normal(k1, (BATCH, NUM_FEATURES), dtype=jnp.float32)
    indexes = jax.random.randint(k2, (BATCH,), 0, NUM_MEMORY, dtype=jnp.int64 if jax.config.read('jax_enable_x64') else jnp.int32)
    # memory bank buffers (registered buffers in the torch module); use
    # L2-normalized random features and random pseudo-labels so the pipeline
    # is non-degenerate (torch init is zeros, but after _update_feature /
    # _update_label these hold normalized feats and cluster labels).
    features = jax.random.normal(k3, (NUM_MEMORY, NUM_FEATURES), dtype=jnp.float32)
    features = _l2norm(features)
    labels = jax.random.randint(k4, (NUM_MEMORY,), 0, NUM_CLUSTERS, dtype=jnp.int32)
    feature_weights = jnp.ones((NUM_MEMORY,), dtype=jnp.float32)
    return {
        'results': results,
        'features': features,
        'feature_weights': feature_weights,
        'indexes': indexes,
        'labels': labels,
        'cur_epoch': 0,
    }


def reference(results, features, feature_weights, indexes, labels, cur_epoch):
    # results corresponds to results['feat'] in the torch module
    inputs = _l2norm(results)
    batch_sample_weights = feature_weights[indexes].reshape((-1, 1))  # computed but unused, as in torch
    # hm(inputs, indexes, self.features): forward = inputs @ features.T
    sims = inputs @ features.T
    sims = sims / TEMP
    B = sims.shape[0]
    targets = labels[indexes]
    C = NUM_CLUSTERS
    # sim.index_add_(0, labels, inputs.t())
    sim = jnp.zeros((C, B), dtype=jnp.float32).at[labels].add(sims.T)
    nums = jnp.zeros((C, 1), dtype=jnp.float32).at[labels].add(jnp.ones((NUM_MEMORY, 1), dtype=jnp.float32))
    mask = (nums > 0).astype(jnp.float32)
    sim = sim / (mask * nums + (1.0 - mask))
    mask_e = jnp.broadcast_to(mask, sim.shape)
    # masked_softmax(sim.T, mask.T)
    vec = sim.T
    m = mask_e.T
    exps = jnp.exp(vec)
    masked_exps = exps * m
    masked_sums = masked_exps.sum(axis=1, keepdims=True) + 1e-06
    masked_sim = masked_exps / masked_sums
    log_probs = jnp.log(masked_sim + 1e-06)
    # F.nll_loss(log_probs, targets) with mean reduction
    Loss1 = -jnp.mean(log_probs[jnp.arange(B), targets])
    N, Cn = log_probs.shape
    alpha = 0.0
    smoothed = jnp.full((N, Cn), alpha / (Cn - 1), dtype=jnp.float32)
    smoothed = smoothed.at[jnp.arange(N), targets].set(1.0 - alpha)
    Label_Smoothed_Loss = (-jax.lax.stop_gradient(smoothed) * log_probs).mean(axis=0).sum()
    Loss4 = (-jax.lax.stop_gradient(masked_sim + 1e-06) * log_probs).mean(axis=0).sum()
    # cur_epoch == 0 branch
    return 0.0 * Label_Smoothed_Loss + 1.0 * Loss1 + 0.0 * Loss4


if False:  # reference __main__ guard neutralized (emitter)
    out = reference(**setup_inputs())
    print(out)

if __name__ == "__main__":
    import jax
    _d = setup_inputs()
    print(jax.jit(kernel)(*tuple(_d.values())))

</pallas_src>

<mosaic_0001>
#map = affine_map<(d0, d1) -> (0, 0)>
#map1 = affine_map<(d0, d1) -> (0)>
#map2 = affine_map<(d0, d1) -> (0, 0, 0)>
module attributes {stable_mosaic.version = 14 : i64} {
  func.func @k(%arg0: i32, %arg1: i32, %arg2: memref<100000x128xf32, #tpu.memory_space<hbm>>, %arg3: memref<100000xi32, #tpu.memory_space<hbm>>, %arg4: memref<782x128xi32, #tpu.memory_space<hbm>>, %arg5: memref<1024xi32, #tpu.memory_space<hbm>>, %arg6: memref<64x128xf32, #tpu.memory_space<hbm>>, %arg7: memref<128x128xf32, #tpu.memory_space<hbm>>, %arg8: memref<2x1024x128xf32, #tpu.memory_space<hbm>>, %arg9: memref<2x1024x128xf32, #tpu.memory_space<hbm>>, %arg10: memref<1024x128xi32, #tpu.memory_space<hbm>>, %arg11: memref<128x128xf32, #tpu.memory_space<vmem>>, %arg12: memref<128x128xf32, #tpu.memory_space<vmem>>, %arg13: memref<128xi32, #tpu.memory_space<vmem>>, %arg14: memref<128xi32, #tpu.memory_space<vmem>>, %arg15: memref<32x128xf32, #tpu.memory_space<vmem>>, %arg16: memref<32xi32, #tpu.memory_space<vmem>>, %arg17: memref<128x128xf32, #tpu.memory_space<vmem>>, %arg18: memref<32x128xf32, #tpu.memory_space<vmem>>, %arg19: memref<32xi32, #tpu.memory_space<vmem>>, %arg20: memref<32x128xi32, #tpu.memory_space<vmem>>, %arg21: memref<1024x128xf32, #tpu.memory_space<vmem_shared>>, %arg22: memref<1024x128xf32, #tpu.memory_space<vmem_shared>>, %arg23: memref<!tpu.dma_semaphore, #tpu.memory_space<semaphore_mem>>, %arg24: memref<!tpu.dma_semaphore, #tpu.memory_space<semaphore_mem>>, %arg25: memref<!tpu.dma_semaphore, #tpu.memory_space<semaphore_mem>>) attributes {dimension_semantics = [#tpu.dimension_semantics<core_parallel>, #tpu.dimension_semantics<subcore_parallel>], iteration_bounds = array<i64: 2, 16>, scalar_prefetch = 0 : i64, scratch_operands = 15 : i64, tpu.core_type = #tpu.core_type<sc_vector_subcore>, window_params = [{transform_indices = #map}, {transform_indices = #map1}, {transform_indices = #map}, {transform_indices = #map1}, {transform_indices = #map}, {transform_indices = #map}, {transform_indices = #map2}, {transform_indices = #map2}, {transform_indices = #map}]} {
    %mul3A = arith.constant 16 : i32
    %mul3A_0 = arith.muli %arg0, %mul3A : i32
    %add3A = arith.addi %mul3A_0, %arg1 : i32
    %add3A_1 = arith.constant 0 : i32
    %add3A_2 = arith.addi %add3A, %add3A_1 : i32
    %lt3A = arith.constant 781 : i32
    %lt3A_3 = arith.cmpi slt, %add3A_2, %lt3A : i32
    %jit3A = arith.constant 0 : i32
    %select_n3A = arith.select %lt3A_3, %add3A_2, %jit3A : i32
    %mul3A_4 = arith.constant 128 : i32
    %mul3A_5 = arith.muli %select_n3A, %mul3A_4 : i32
    %multiple_of3A = tpu.assume_multiple %mul3A_5, 128 : i32
    %dma_start3A = arith.constant 0 : i32
    %dma_start3A_6 = tpu.memref_slice %arg2[%multiple_of3A, %dma_start3A] : memref<100000x128xf32, #tpu.memory_space<hbm>> -> memref<128x128xf32, #tpu.memory_space<hbm>>
    %dma_start3A_7 = arith.constant 0 : i32
    %dma_start3A_8 = tpu.memref_slice %arg2[%multiple_of3A, %dma_start3A_7] : memref<100000x128xf32, #tpu.memory_space<hbm>> -> memref<128x128xf32, #tpu.memory_space<hbm>>
    tpu.enqueue_dma source(%dma_start3A_8 : memref<128x128xf32, #tpu.memory_space<hbm>>) target(%arg11 : memref<128x128xf32, #tpu.memory_space<vmem>>) target_semaphore(%arg23 : memref<!tpu.dma_semaphore, #tpu.memory_space<semaphore_mem>>)
    %dma_start3A_9 = tpu.memref_slice %arg3[%multiple_of3A] : memref<100000xi32, #tpu.memory_space<hbm>> -> memref<128xi32, #tpu.memory_space<hbm>>
    %dma_start3A_10 = tpu.memref_slice %arg3[%multiple_of3A] : memref<100000xi32, #tpu.memory_space<hbm>> -> memref<128xi32, #tpu.memory_space<hbm>>
    tpu.enqueue_dma source(%dma_start3A_10 : memref<128xi32, #tpu.memory_space<hbm>>) target(%arg13 : memref<128xi32, #tpu.memory_space<vmem>>) target_semaphore(%arg23 : memref<!tpu.dma_semaphore, #tpu.memory_space<semaphore_mem>>)
    %mul3A_11 = arith.constant 32 : i32
    %mul3A_12 = arith.muli %add3A, %mul3A_11 : i32
    %dma_start3A_13 = tpu.memref_slice %arg5[%mul3A_12] : memref<1024xi32, #tpu.memory_space<hbm>> -> memref<32xi32, #tpu.memory_space<hbm>>
    %dma_start3A_14 = tpu.memref_slice %arg5[%mul3A_12] : memref<1024xi32, #tpu.memory_space<hbm>> -> memref<32xi32, #tpu.memory_space<hbm>>
    tpu.enqueue_dma source(%dma_start3A_14 : memref<32xi32, #tpu.memory_space<hbm>>) target(%arg19 : memref<32xi32, #tpu.memory_space<vmem>>) target_semaphore(%arg25 : memref<!tpu.dma_semaphore, #tpu.memory_space<semaphore_mem>>)
    %dma_wait3A = tpu.memref_slice %arg5[%mul3A_12] : memref<1024xi32, #tpu.memory_space<hbm>> -> memref<32xi32, #tpu.memory_space<hbm>>
    %dma_wait3A_15 = tpu.memref_slice %arg5[%mul3A_12] : memref<1024xi32, #tpu.memory_space<hbm>> -> memref<32xi32, #tpu.memory_space<hbm>>
    tpu.wait_dma2 semaphore(%arg25 : memref<!tpu.dma_semaphore, #tpu.memory_space<semaphore_mem>>) src(%dma_wait3A_15 : memref<32xi32, #tpu.memory_space<hbm>>) dst(%arg19 : memref<32xi32, #tpu.memory_space<vmem>>)
    %get3A = arith.constant 0 : index
    %get3A_16 = tpu.vector_load %arg19[%get3A] {strides = array<i32>} : memref<32xi32, #tpu.memory_space<vmem>>, vector<16xi32>,
    %get3A_17 = vector.shape_cast %get3A_16 : vector<16xi32> to vector<16xi32>
    %shift_right_logical3A = arith.constant 7 : i32
    %shift_right_logical3A_18 = vector.broadcast %shift_right_logical3A : i32 to vector<16xi32>
    %shift_right_logical3A_19 = arith.shrui %get3A_17, %shift_right_logical3A_18 : vector<16xi32>
    %dma_start3A_20 = arith.constant 0 : i32
    %dma_start3A_21 = arith.constant 0 : i32
    %dma_start3A_22 = tpu.memref_slice %arg20[%dma_start3A_20, %dma_start3A_21] : memref<32x128xi32, #tpu.memory_space<vmem>> -> memref<16x128xi32, #tpu.memory_space<vmem>>
    %dma_start3A_23 = arith.constant 0 : i32
    %dma_start3A_24 = arith.constant 0 : i32
    %dma_start3A_25 = tpu.memref_slice %arg4[%dma_start3A_23, %dma_start3A_24] : memref<782x128xi32, #tpu.memory_space<hbm>> -> memref<782x128xi32, #tpu.memory_space<hbm>>
    tpu.enqueue_indirect_dma source(%dma_start3A_25 : memref<782x128xi32, #tpu.memory_space<hbm>>) target(%dma_start3A_22 : memref<16x128xi32, #tpu.memory_space<vmem>>) offsets(%shift_right_logical3A_19 : vector<16xi32>) semaphore(%arg25 : memref<!tpu.dma_semaphore, #tpu.memory_space<semaphore_mem>>)
    %dma_wait3A_26 = arith.constant 0 : i32
    %dma_wait3A_27 = arith.constant 0 : i32
    %dma_wait3A_28 = tpu.memref_slice %arg20[%dma_wait3A_26, %dma_wait3A_27] : memref<32x128xi32, #tpu.memory_space<vmem>> -> memref<16x128xi32, #tpu.memory_space<vmem>>
    %dma_wait3A_29 = arith.constant 0 : i32
    %dma_wait3A_30 = arith.constant 0 : i32
    %dma_wait3A_31 = tpu.memref_slice %arg4[%dma_wait3A_29, %dma_wait3A_30] : memref<782x128xi32, #tpu.memory_space<hbm>> -> memref<782x128xi32, #tpu.memory_space<hbm>>
    tpu.wait_indirect_dma semaphore(%arg25 : memref<!tpu.dma_semaphore, #tpu.memory_space<semaphore_mem>>) src(%dma_wait3A_31 : memref<782x128xi32, #tpu.memory_space<hbm>>) dst(%dma_wait3A_28 : memref<16x128xi32, #tpu.memory_space<vmem>>)
    %get3A_32 = arith.constant 16 : index
    %get3A_33 = tpu.vector_load %arg19[%get3A_32] {strides = array<i32>} : memref<32xi32, #tpu.memory_space<vmem>>, vector<16xi32>,
    %get3A_34 = vector.shape_cast %get3A_33 : vector<16xi32> to vector<16xi32>
    %shift_right_logical3A_35 = arith.constant 7 : i32
    %shift_right_logical3A_36 = vector.broadcast %shift_right_logical3A_35 : i32 to vector<16xi32>
    %shift_right_logical3A_37 = arith.shrui %get3A_34, %shift_right_logical3A_36 : vector<16xi32>
    %dma_start3A_38 = arith.constant 16 : i32
    %dma_start3A_39 = arith.constant 0 : i32
    %dma_start3A_40 = tpu.memref_slice %arg20[%dma_start3A_38, %dma_start3A_39] : memref<32x128xi32, #tpu.memory_space<vmem>> -> memref<16x128xi32, #tpu.memory_space<vmem>>
    %dma_start3A_41 = arith.constant 0 : i32
    %dma_start3A_42 = arith.constant 0 : i32
    %dma_start3A_43 = tpu.memref_slice %arg4[%dma_start3A_41, %dma_start3A_42] : memref<782x128xi32, #tpu.memory_space<hbm>> -> memref<782x128xi32, #tpu.memory_space<hbm>>
    tpu.enqueue_indirect_dma source(%dma_start3A_43 : memref<782x128xi32, #tpu.memory_space<hbm>>) target(%dma_start3A_40 : memref<16x128xi32, #tpu.memory_space<vmem>>) offsets(%shift_right_logical3A_37 : vector<16xi32>) semaphore(%arg25 : memref<!tpu.dma_semaphore, #tpu.memory_space<semaphore_mem>>)
    %dma_wait3A_44 = arith.constant 16 : i32
    %dma_wait3A_45 = arith.constant 0 : i32
    %dma_wait3A_46 = tpu.memref_slice %arg20[%dma_wait3A_44, %dma_wait3A_45] : memref<32x128xi32, #tpu.memory_space<vmem>> -> memref<16x128xi32, #tpu.memory_space<vmem>>
    %dma_wait3A_47 = arith.constant 0 : i32
    %dma_wait3A_48 = arith.constant 0 : i32
    %dma_wait3A_49 = tpu.memref_slice %arg4[%dma_wait3A_47, %dma_wait3A_48] : memref<782x128xi32, #tpu.memory_space<hbm>> -> memref<782x128xi32, #tpu.memory_space<hbm>>
    tpu.wait_indirect_dma semaphore(%arg25 : memref<!tpu.dma_semaphore, #tpu.memory_space<semaphore_mem>>) src(%dma_wait3A_49 : memref<782x128xi32, #tpu.memory_space<hbm>>) dst(%dma_wait3A_46 : memref<16x128xi32, #tpu.memory_space<vmem>>)
    "tpu.region"() ({
      %run_scoped3A = tpu.sem_alloc : memref<!tpu.dma_semaphore, #tpu.memory_space<semaphore_mem>>
      %dma_start3A_572 = arith.constant 0 : i32
      %dma_start3A_573 = tpu.memref_slice %arg10[%mul3A_12, %dma_start3A_572] : memref<1024x128xi32, #tpu.memory_space<hbm>> -> memref<32x128xi32, #tpu.memory_space<hbm>>
      %dma_start3A_574 = arith.constant 0 : i32
      %dma_start3A_575 = tpu.memref_slice %arg10[%mul3A_12, %dma_start3A_574] : memref<1024x128xi32, #tpu.memory_space<hbm>> -> memref<32x128xi32, #tpu.memory_space<hbm>>
      tpu.enqueue_dma source(%arg20 : memref<32x128xi32, #tpu.memory_space<vmem>>) target(%dma_start3A_575 : memref<32x128xi32, #tpu.memory_space<hbm>>) target_semaphore(%run_scoped3A : memref<!tpu.dma_semaphore, #tpu.memory_space<semaphore_mem>>)
      %dma_wait3A_576 = arith.constant 0 : i32
      %dma_wait3A_577 = tpu.memref_slice %arg10[%mul3A_12, %dma_wait3A_576] : memref<1024x128xi32, #tpu.memory_space<hbm>> -> memref<32x128xi32, #tpu.memory_space<hbm>>
      %dma_wait3A_578 = arith.constant 0 : i32
      %dma_wait3A_579 = tpu.memref_slice %arg10[%mul3A_12, %dma_wait3A_578] : memref<1024x128xi32, #tpu.memory_space<hbm>> -> memref<32x128xi32, #tpu.memory_space<hbm>>
      tpu.wait_dma2 semaphore(%run_scoped3A : memref<!tpu.dma_semaphore, #tpu.memory_space<semaphore_mem>>) src(%arg20 : memref<32x128xi32, #tpu.memory_space<vmem>>) dst(%dma_wait3A_579 : memref<32x128xi32, #tpu.memory_space<hbm>>)
      tpu.yield
    }) : () -> ()
    "tpu.region"() ({
      %run_scoped3A = tpu.sem_alloc : memref<!tpu.dma_semaphore, #tpu.memory_space<semaphore_mem>>
      tpu.enqueue_dma source(%arg7 : memref<128x128xf32, #tpu.memory_space<hbm>>) target(%arg17 : memref<128x128xf32, #tpu.memory_space<vmem>>) target_semaphore(%run_scoped3A : memref<!tpu.dma_semaphore, #tpu.memory_space<semaphore_mem>>)
      tpu.wait_dma2 semaphore(%run_scoped3A : memref<!tpu.dma_semaphore, #tpu.memory_space<semaphore_mem>>) src(%arg7 : memref<128x128xf32, #tpu.memory_space<hbm>>) dst(%arg17 : memref<128x128xf32, #tpu.memory_space<vmem>>)
      tpu.yield
    }) : () -> ()
    "tpu.region"() ({
      %run_scoped3A = tpu.sem_alloc : memref<!tpu.dma_semaphore, #tpu.memory_space<semaphore_mem>>
      %dma_start3A_572 = arith.constant 0 : i32
      %dma_start3A_573 = arith.constant 0 : i32
      %dma_start3A_574 = tpu.memref_slice %arg7[%dma_start3A_572, %dma_start3A_573] : memref<128x128xf32, #tpu.memory_space<hbm>> -> memref<32x128xf32, #tpu.memory_space<hbm>>
      %dma_start3A_575 = arith.constant 0 : i32
      %dma_start3A_576 = arith.constant 0 : i32
      %dma_start3A_577 = tpu.memref_slice %arg7[%dma_start3A_575, %dma_start3A_576] : memref<128x128xf32, #tpu.memory_space<hbm>> -> memref<32x128xf32, #tpu.memory_space<hbm>>
      tpu.enqueue_dma source(%dma_start3A_577 : memref<32x128xf32, #tpu.memory_space<hbm>>) target(%arg18 : memref<32x128xf32, #tpu.memory_space<vmem>>) target_semaphore(%run_scoped3A : memref<!tpu.dma_semaphore, #tpu.memory_space<semaphore_mem>>)
      %dma_wait3A_578 = arith.constant 0 : i32
      %dma_wait3A_579 = arith.constant 0 : i32
      %dma_wait3A_580 = tpu.memref_slice %arg7[%dma_wait3A_578, %dma_wait3A_579] : memref<128x128xf32, #tpu.memory_space<hbm>> -> memref<32x128xf32, #tpu.memory_space<hbm>>
      %dma_wait3A_581 = arith.constant 0 : i32
      %dma_wait3A_582 = arith.constant 0 : i32
      %dma_wait3A_583 = tpu.memref_slice %arg7[%dma_wait3A_581, %dma_wait3A_582] : memref<128x128xf32, #tpu.memory_space<hbm>> -> memref<32x128xf32, #tpu.memory_space<hbm>>
      tpu.wait_dma2 semaphore(%run_scoped3A : memref<!tpu.dma_semaphore, #tpu.memory_space<semaphore_mem>>) src(%dma_wait3A_583 : memref<32x128xf32, #tpu.memory_space<hbm>>) dst(%arg18 : memref<32x128xf32, #tpu.memory_space<vmem>>)
      tpu.yield
    }) : () -> ()
    %mul3A_50 = arith.constant 64 : i32
    %mul3A_51 = arith.muli %arg1, %mul3A_50 : i32
    "tpu.region"() ({
      %run_scoped3A = tpu.sem_alloc : memref<!tpu.dma_semaphore, #tpu.memory_space<semaphore_mem>>
      %dma_start3A_572 = arith.constant 0 : i32
      %dma_start3A_573 = tpu.memref_slice %arg21[%mul3A_51, %dma_start3A_572] : memref<1024x128xf32, #tpu.memory_space<vmem_shared>> -> memref<64x128xf32, #tpu.memory_space<vmem_shared>>
      tpu.enqueue_dma source(%arg6 : memref<64x128xf32, #tpu.memory_space<hbm>>) target(%dma_start3A_573 : memref<64x128xf32, #tpu.memory_space<vmem_shared>>) target_semaphore(%run_scoped3A : memref<!tpu.dma_semaphore, #tpu.memory_space<semaphore_mem>>)
      %dma_wait3A_574 = arith.constant 0 : i32
      %dma_wait3A_575 = tpu.memref_slice %arg21[%mul3A_51, %dma_wait3A_574] : memref<1024x128xf32, #tpu.memory_space<vmem_shared>> -> memref<64x128xf32, #tpu.memory_space<vmem_shared>>
      tpu.wait_dma2 semaphore(%run_scoped3A : memref<!tpu.dma_semaphore, #tpu.memory_space<semaphore_mem>>) src(%arg6 : memref<64x128xf32, #tpu.memory_space<hbm>>) dst(%dma_wait3A_575 : memref<64x128xf32, #tpu.memory_space<vmem_shared>>)
      tpu.yield
    }) : () -> ()
    "tpu.region"() ({
      %run_scoped3A = tpu.sem_alloc : memref<!tpu.dma_semaphore, #tpu.memory_space<semaphore_mem>>
      %dma_start3A_572 = arith.constant 0 : i32
      %dma_start3A_573 = tpu.memref_slice %arg22[%mul3A_51, %dma_start3A_572] : memref<1024x128xf32, #tpu.memory_space<vmem_shared>> -> memref<64x128xf32, #tpu.memory_space<vmem_shared>>
      tpu.enqueue_dma source(%arg6 : memref<64x128xf32, #tpu.memory_space<hbm>>) target(%dma_start3A_573 : memref<64x128xf32, #tpu.memory_space<vmem_shared>>) target_semaphore(%run_scoped3A : memref<!tpu.dma_semaphore, #tpu.memory_space<semaphore_mem>>)
      %dma_wait3A_574 = arith.constant 0 : i32
      %dma_wait3A_575 = tpu.memref_slice %arg22[%mul3A_51, %dma_wait3A_574] : memref<1024x128xf32, #tpu.memory_space<vmem_shared>> -> memref<64x128xf32, #tpu.memory_space<vmem_shared>>
      tpu.wait_dma2 semaphore(%run_scoped3A : memref<!tpu.dma_semaphore, #tpu.memory_space<semaphore_mem>>) src(%arg6 : memref<64x128xf32, #tpu.memory_space<hbm>>) dst(%dma_wait3A_575 : memref<64x128xf32, #tpu.memory_space<vmem_shared>>)
      tpu.yield
    }) : () -> ()
    %barrier3A = arith.constant 0 : index
    tpu.barrier barrier_id(%barrier3A)
    %add3A_52 = arith.constant 32 : i32
    %add3A_53 = arith.addi %add3A, %add3A_52 : i32
    %lt3A_54 = arith.constant 781 : i32
    %lt3A_55 = arith.cmpi slt, %add3A_53, %lt3A_54 : i32
    %jit3A_56 = arith.constant 0 : i32
    %select_n3A_57 = arith.select %lt3A_55, %add3A_53, %jit3A_56 : i32
    %mul3A_58 = arith.constant 128 : i32
    %mul3A_59 = arith.muli %select_n3A_57, %mul3A_58 : i32
    %multiple_of3A_60 = tpu.assume_multiple %mul3A_59, 128 : i32
    %dma_start3A_61 = arith.constant 0 : i32
    %dma_start3A_62 = tpu.memref_slice %arg2[%multiple_of3A_60, %dma_start3A_61] : memref<100000x128xf32, #tpu.memory_space<hbm>> -> memref<128x128xf32, #tpu.memory_space<hbm>>
    %dma_start3A_63 = arith.constant 0 : i32
    %dma_start3A_64 = tpu.memref_slice %arg2[%multiple_of3A_60, %dma_start3A_63] : memref<100000x128xf32, #tpu.memory_space<hbm>> -> memref<128x128xf32, #tpu.memory_space<hbm>>
    tpu.enqueue_dma source(%dma_start3A_64 : memref<128x128xf32, #tpu.memory_space<hbm>>) target(%arg12 : memref<128x128xf32, #tpu.memory_space<vmem>>) target_semaphore(%arg24 : memref<!tpu.dma_semaphore, #tpu.memory_space<semaphore_mem>>)
    %dma_start3A_65 = tpu.memref_slice %arg3[%multiple_of3A_60] : memref<100000xi32, #tpu.memory_space<hbm>> -> memref<128xi32, #tpu.memory_space<hbm>>
    %dma_start3A_66 = tpu.memref_slice %arg3[%multiple_of3A_60] : memref<100000xi32, #tpu.memory_space<hbm>> -> memref<128xi32, #tpu.memory_space<hbm>>
    tpu.enqueue_dma source(%dma_start3A_66 : memref<128xi32, #tpu.memory_space<hbm>>) target(%arg14 : memref<128xi32, #tpu.memory_space<vmem>>) target_semaphore(%arg24 : memref<!tpu.dma_semaphore, #tpu.memory_space<semaphore_mem>>)
    %dma_wait3A_67 = arith.constant 0 : i32
    %dma_wait3A_68 = tpu.memref_slice %arg2[%multiple_of3A, %dma_wait3A_67] : memref<100000x128xf32, #tpu.memory_space<hbm>> -> memref<128x128xf32, #tpu.memory_space<hbm>>
    %dma_wait3A_69 = arith.constant 0 : i32
    %dma_wait3A_70 = tpu.memref_slice %arg2[%multiple_of3A, %dma_wait3A_69] : memref<100000x128xf32, #tpu.memory_space<hbm>> -> memref<128x128xf32, #tpu.memory_space<hbm>>
    tpu.wait_dma2 semaphore(%arg23 : memref<!tpu.dma_semaphore, #tpu.memory_space<semaphore_mem>>) src(%dma_wait3A_70 : memref<128x128xf32, #tpu.memory_space<hbm>>) dst(%arg11 : memref<128x128xf32, #tpu.memory_space<vmem>>)
    %dma_wait3A_71 = tpu.memref_slice %arg3[%multiple_of3A] : memref<100000xi32, #tpu.memory_space<hbm>> -> memref<128xi32, #tpu.memory_space<hbm>>
    %dma_wait3A_72 = tpu.memref_slice %arg3[%multiple_of3A] : memref<100000xi32, #tpu.memory_space<hbm>> -> memref<128xi32, #tpu.memory_space<hbm>>
    tpu.wait_dma2 semaphore(%arg23 : memref<!tpu.dma_semaphore, #tpu.memory_space<semaphore_mem>>) src(%dma_wait3A_72 : memref<128xi32, #tpu.memory_space<hbm>>) dst(%arg13 : memref<128xi32, #tpu.memory_space<vmem>>)
    "tpu.region"() ({
      %run_scoped3A = tpu.sem_alloc : memref<!tpu.dma_semaphore, #tpu.memory_space<semaphore_mem>>
      %dma_start3A_572 = arith.constant 0 : i32
      %dma_start3A_573 = arith.constant 0 : i32
      %dma_start3A_574 = tpu.memref_slice %arg21[%dma_start3A_572, %dma_start3A_573] : memref<1024x128xf32, #tpu.memory_space<vmem_shared>> -> memref<1024x128xf32, #tpu.memory_space<vmem_shared>>
      tpu.enqueue_indirect_dma source(%arg11 : memref<128x128xf32, #tpu.memory_space<vmem>>) target(%dma_start3A_574 : memref<1024x128xf32, #tpu.memory_space<vmem_shared>>) offsets(%arg13 : memref<128xi32, #tpu.memory_space<vmem>>) semaphore(%run_scoped3A : memref<!tpu.dma_semaphore, #tpu.memory_space<semaphore_mem>>) {add = true}
      %dma_wait3A_575 = arith.constant 0 : i32
      %dma_wait3A_576 = arith.constant 0 : i32
      %dma_wait3A_577 = tpu.memref_slice %arg21[%dma_wait3A_575, %dma_wait3A_576] : memref<1024x128xf32, #tpu.memory_space<vmem_shared>> -> memref<1024x128xf32, #tpu.memory_space<vmem_shared>>
      tpu.wait_indirect_dma semaphore(%run_scoped3A : memref<!tpu.dma_semaphore, #tpu.memory_space<semaphore_mem>>) src(%arg11 : memref<128x128xf32, #tpu.memory_space<vmem>>) dst(%dma_wait3A_577 : memref<1024x128xf32, #tpu.memory_space<vmem_shared>>)
      tpu.yield
    }) : () -> ()
    "tpu.region"() ({
      %run_scoped3A = tpu.sem_alloc : memref<!tpu.dma_semaphore, #tpu.memory_space<semaphore_mem>>
      %dma_start3A_572 = arith.constant 0 : i32
      %dma_start3A_573 = arith.constant 0 : i32
      %dma_start3A_574 = tpu.memref_slice %arg22[%dma_start3A_572, %dma_start3A_573] : memref<1024x128xf32, #tpu.memory_space<vmem_shared>> -> memref<1024x128xf32, #tpu.memory_space<vmem_shared>>
      tpu.enqueue_indirect_dma source(%arg17 : memref<128x128xf32, #tpu.memory_space<vmem>>) target(%dma_start3A_574 : memref<1024x128xf32, #tpu.memory_space<vmem_shared>>) offsets(%arg13 : memref<128xi32, #tpu.memory_space<vmem>>) semaphore(%run_scoped3A : memref<!tpu.dma_semaphore, #tpu.memory_space<semaphore_mem>>) {add = true}
      %dma_wait3A_575 = arith.constant 0 : i32
      %dma_wait3A_576 = arith.constant 0 : i32
      %dma_wait3A_577 = tpu.memref_slice %arg22[%dma_wait3A_575, %dma_wait3A_576] : memref<1024x128xf32, #tpu.memory_space<vmem_shared>> -> memref<1024x128xf32, #tpu.memory_space<vmem_shared>>
      tpu.wait_indirect_dma semaphore(%run_scoped3A : memref<!tpu.dma_semaphore, #tpu.memory_space<semaphore_mem>>) src(%arg17 : memref<128x128xf32, #tpu.memory_space<vmem>>) dst(%dma_wait3A_577 : memref<1024x128xf32, #tpu.memory_space<vmem_shared>>)
      tpu.yield
    }) : () -> ()
    %add3A_73 = arith.constant 64 : i32
    %add3A_74 = arith.addi %add3A, %add3A_73 : i32
    %lt3A_75 = arith.constant 781 : i32
    %lt3A_76 = arith.cmpi slt, %add3A_74, %lt3A_75 : i32
    %jit3A_77 = arith.constant 0 : i32
    %select_n3A_78 = arith.select %lt3A_76, %add3A_74, %jit3A_77 : i32
    %mul3A_79 = arith.constant 128 : i32
    %mul3A_80 = arith.muli %select_n3A_78, %mul3A_79 : i32
    %multiple_of3A_81 = tpu.assume_multiple %mul3A_80, 128 : i32
    %dma_start3A_82 = arith.constant 0 : i32
    %dma_start3A_83 = tpu.memref_slice %arg2[%multiple_of3A_81, %dma_start3A_82] : memref<100000x128xf32, #tpu.memory_space<hbm>> -> memref<128x128xf32, #tpu.memory_space<hbm>>
    %dma_start3A_84 = arith.constant 0 : i32
    %dma_start3A_85 = tpu.memref_slice %arg2[%multiple_of3A_81, %dma_start3A_84] : memref<100000x128xf32, #tpu.memory_space<hbm>> -> memref<128x128xf32, #tpu.memory_space<hbm>>
    tpu.enqueue_dma source(%dma_start3A_85 : memref<128x128xf32, #tpu.memory_space<hbm>>) target(%arg11 : memref<128x128xf32, #tpu.memory_space<vmem>>) target_semaphore(%arg23 : memref<!tpu.dma_semaphore, #tpu.memory_space<semaphore_mem>>)
    %dma_start3A_86 = tpu.memref_slice %arg3[%multiple_of3A_81] : memref<100000xi32, #tpu.memory_space<hbm>> -> memref<128xi32, #tpu.memory_space<hbm>>
    %dma_start3A_87 = tpu.memref_slice %arg3[%multiple_of3A_81] : memref<100000xi32, #tpu.memory_space<hbm>> -> memref<128xi32, #tpu.memory_space<hbm>>
    tpu.enqueue_dma source(%dma_start3A_87 : memref<128xi32, #tpu.memory_space<hbm>>) target(%arg13 : memref<128xi32, #tpu.memory_space<vmem>>) target_semaphore(%arg23 : memref<!tpu.dma_semaphore, #tpu.memory_space<semaphore_mem>>)
    %dma_wait3A_88 = arith.constant 0 : i32
    %dma_wait3A_89 = tpu.memref_slice %arg2[%multiple_of3A_60, %dma_wait3A_88] : memref<100000x128xf32, #tpu.memory_space<hbm>> -> memref<128x128xf32, #tpu.memory_space<hbm>>
    %dma_wait3A_90 = arith.constant 0 : i32
    %dma_wait3A_91 = tpu.memref_slice %arg2[%multiple_of3A_60, %dma_wait3A_90] : memref<100000x128xf32, #tpu.memory_space<hbm>> -> memref<128x128xf32, #tpu.memory_space<hbm>>
    tpu.wait_dma2 semaphore(%arg24 : memref<!tpu.dma_semaphore, #tpu.memory_space<semaphore_mem>>) src(%dma_wait3A_91 : memref<128x128xf32, #tpu.memory_space<hbm>>) dst(%arg12 : memref<128x128xf32, #tpu.memory_space<vmem>>)
    %dma_wait3A_92 = tpu.memref_slice %arg3[%multiple_of3A_60] : memref<100000xi32, #tpu.memory_space<hbm>> -> memref<128xi32, #tpu.memory_space<hbm>>
    %dma_wait3A_93 = tpu.memref_slice %arg3[%multiple_of3A_60] : memref<100000xi32, #tpu.memory_space<hbm>> -> memref<128xi32, #tpu.memory_space<hbm>>
    tpu.wait_dma2 semaphore(%arg24 : memref<!tpu.dma_semaphore, #tpu.memory_space<semaphore_mem>>) src(%dma_wait3A_93 : memref<128xi32, #tpu.memory_space<hbm>>) dst(%arg14 : memref<128xi32, #tpu.memory_space<vmem>>)
    "tpu.region"() ({
      %run_scoped3A = tpu.sem_alloc : memref<!tpu.dma_semaphore, #tpu.memory_space<semaphore_mem>>
      %dma_start3A_572 = arith.constant 0 : i32
      %dma_start3A_573 = arith.constant 0 : i32
      %dma_start3A_574 = tpu.memref_slice %arg21[%dma_start3A_572, %dma_start3A_573] : memref<1024x128xf32, #tpu.memory_space<vmem_shared>> -> memref<1024x128xf32, #tpu.memory_space<vmem_shared>>
      tpu.enqueue_indirect_dma source(%arg12 : memref<128x128xf32, #tpu.memory_space<vmem>>) target(%dma_start3A_574 : memref<1024x128xf32, #tpu.memory_space<vmem_shared>>) offsets(%arg14 : memref<128xi32, #tpu.memory_space<vmem>>) semaphore(%run_scoped3A : memref<!tpu.dma_semaphore, #tpu.memory_space<semaphore_mem>>) {add = true}
      %dma_wait3A_575 = arith.constant 0 : i32
      %dma_wait3A_576 = arith.constant 0 : i32
      %dma_wait3A_577 = tpu.memref_slice %arg21[%dma_wait3A_575, %dma_wait3A_576] : memref<1024x128xf32, #tpu.memory_space<vmem_shared>> -> memref<1024x128xf32, #tpu.memory_space<vmem_shared>>
      tpu.wait_indirect_dma semaphore(%run_scoped3A : memref<!tpu.dma_semaphore, #tpu.memory_space<semaphore_mem>>) src(%arg12 : memref<128x128xf32, #tpu.memory_space<vmem>>) dst(%dma_wait3A_577 : memref<1024x128xf32, #tpu.memory_space<vmem_shared>>)
      tpu.yield
    }) : () -> ()
    "tpu.region"() ({
      %run_scoped3A = tpu.sem_alloc : memref<!tpu.dma_semaphore, #tpu.memory_space<semaphore_mem>>
      %dma_start3A_572 = arith.constant 0 : i32
      %dma_start3A_573 = arith.constant 0 : i32
      %dma_start3A_574 = tpu.memref_slice %arg22[%dma_start3A_572, %dma_start3A_573] : memref<1024x128xf32, #tpu.memory_space<vmem_shared>> -> memref<1024x128xf32, #tpu.memory_space<vmem_shared>>
      tpu.enqueue_indirect_dma source(%arg17 : memref<128x128xf32, #tpu.memory_space<vmem>>) target(%dma_start3A_574 : memref<1024x128xf32, #tpu.memory_space<vmem_shared>>) offsets(%arg14 : memref<128xi32, #tpu.memory_space<vmem>>) semaphore(%run_scoped3A : memref<!tpu.dma_semaphore, #tpu.memory_space<semaphore_mem>>) {add = true}
      %dma_wait3A_575 = arith.constant 0 : i32
      %dma_wait3A_576 = arith.constant 0 : i32
      %dma_wait3A_577 = tpu.memref_slice %arg22[%dma_wait3A_575, %dma_wait3A_576] : memref<1024x128xf32, #tpu.memory_space<vmem_shared>> -> memref<1024x128xf32, #tpu.memory_space<vmem_shared>>
      tpu.wait_indirect_dma semaphore(%run_scoped3A : memref<!tpu.dma_semaphore, #tpu.memory_space<semaphore_mem>>) src(%arg17 : memref<128x128xf32, #tpu.memory_space<vmem>>) dst(%dma_wait3A_577 : memref<1024x128xf32, #tpu.memory_space<vmem_shared>>)
      tpu.yield
    }) : () -> ()
    %add3A_94 = arith.constant 96 : i32
    %add3A_95 = arith.addi %add3A, %add3A_94 : i32
    %lt3A_96 = arith.constant 781 : i32
    %lt3A_97 = arith.cmpi slt, %add3A_95, %lt3A_96 : i32
    %jit3A_98 = arith.constant 0 : i32
    %select_n3A_99 = arith.select %lt3A_97, %add3A_95, %jit3A_98 : i32
    %mul3A_100 = arith.constant 128 : i32
    %mul3A_101 = arith.muli %select_n3A_99, %mul3A_100 : i32
    %multiple_of3A_102 = tpu.assume_multiple %mul3A_101, 128 : i32
    %dma_start3A_103 = arith.constant 0 : i32
    %dma_start3A_104 = tpu.memref_slice %arg2[%multiple_of3A_102, %dma_start3A_103] : memref<100000x128xf32, #tpu.memory_space<hbm>> -> memref<128x128xf32, #tpu.memory_space<hbm>>
    %dma_start3A_105 = arith.constant 0 : i32
    %dma_start3A_106 = tpu.memref_slice %arg2[%multiple_of3A_102, %dma_start3A_105] : memref<100000x128xf32, #tpu.memory_space<hbm>> -> memref<128x128xf32, #tpu.memory_space<hbm>>
    tpu.enqueue_dma source(%dma_start3A_106 : memref<128x128xf32, #tpu.memory_space<hbm>>) target(%arg12 : memref<128x128xf32, #tpu.memory_space<vmem>>) target_semaphore(%arg24 : memref<!tpu.dma_semaphore, #tpu.memory_space<semaphore_mem>>)
    %dma_start3A_107 = tpu.memref_slice %arg3[%multiple_of3A_102] : memref<100000xi32, #tpu.memory_space<hbm>> -> memref<128xi32, #tpu.memory_space<hbm>>
    %dma_start3A_108 = tpu.memref_slice %arg3[%multiple_of3A_102] : memref<100000xi32, #tpu.memory_space<hbm>> -> memref<128xi32, #tpu.memory_space<hbm>>
    tpu.enqueue_dma source(%dma_start3A_108 : memref<128xi32, #tpu.memory_space<hbm>>) target(%arg14 : memref<128xi32, #tpu.memory_space<vmem>>) target_semaphore(%arg24 : memref<!tpu.dma_semaphore, #tpu.memory_space<semaphore_mem>>)
    %dma_wait3A_109 = arith.constant 0 : i32
    %dma_wait3A_110 = tpu.memref_slice %arg2[%multiple_of3A_81, %dma_wait3A_109] : memref<100000x128xf32, #tpu.memory_space<hbm>> -> memref<128x128xf32, #tpu.memory_space<hbm>>
    %dma_wait3A_111 = arith.constant 0 : i32
    %dma_wait3A_112 = tpu.memref_slice %arg2[%multiple_of3A_81, %dma_wait3A_111] : memref<100000x128xf32, #tpu.memory_space<hbm>> -> memref<128x128xf32, #tpu.memory_space<hbm>>
    tpu.wait_dma2 semaphore(%arg23 : memref<!tpu.dma_semaphore, #tpu.memory_space<semaphore_mem>>) src(%dma_wait3A_112 : memref<128x128xf32, #tpu.memory_space<hbm>>) dst(%arg11 : memref<128x128xf32, #tpu.memory_space<vmem>>)
    %dma_wait3A_113 = tpu.memref_slice %arg3[%multiple_of3A_81] : memref<100000xi32, #tpu.memory_space<hbm>> -> memref<128xi32, #tpu.memory_space<hbm>>
    %dma_wait3A_114 = tpu.memref_slice %arg3[%multiple_of3A_81] : memref<100000xi32, #tpu.memory_space<hbm>> -> memref<128xi32, #tpu.memory_space<hbm>>
    tpu.wait_dma2 semaphore(%arg23 : memref<!tpu.dma_semaphore, #tpu.memory_space<semaphore_mem>>) src(%dma_wait3A_114 : memref<128xi32, #tpu.memory_space<hbm>>) dst(%arg13 : memref<128xi32, #tpu.memory_space<vmem>>)
    "tpu.region"() ({
      %run_scoped3A = tpu.sem_alloc : memref<!tpu.dma_semaphore, #tpu.memory_space<semaphore_mem>>
      %dma_start3A_572 = arith.constant 0 : i32
      %dma_start3A_573 = arith.constant 0 : i32
      %dma_start3A_574 = tpu.memref_slice %arg21[%dma_start3A_572, %dma_start3A_573] : memref<1024x128xf32, #tpu.memory_space<vmem_shared>> -> memref<1024x128xf32, #tpu.memory_space<vmem_shared>>
      tpu.enqueue_indirect_dma source(%arg11 : memref<128x128xf32, #tpu.memory_space<vmem>>) target(%dma_start3A_574 : memref<1024x128xf32, #tpu.memory_space<vmem_shared>>) offsets(%arg13 : memref<128xi32, #tpu.memory_space<vmem>>) semaphore(%run_scoped3A : memref<!tpu.dma_semaphore, #tpu.memory_space<semaphore_mem>>) {add = true}
      %dma_wait3A_575 = arith.constant 0 : i32
      %dma_wait3A_576 = arith.constant 0 : i32
      %dma_wait3A_577 = tpu.memref_slice %arg21[%dma_wait3A_575, %dma_wait3A_576] : memref<1024x128xf32, #tpu.memory_space<vmem_shared>> -> memref<1024x128xf32, #tpu.memory_space<vmem_shared>>
      tpu.wait_indirect_dma semaphore(%run_scoped3A : memref<!tpu.dma_semaphore, #tpu.memory_space<semaphore_mem>>) src(%arg11 : memref<128x128xf32, #tpu.memory_space<vmem>>) dst(%dma_wait3A_577 : memref<1024x128xf32, #tpu.memory_space<vmem_shared>>)
      tpu.yield
    }) : () -> ()
    "tpu.region"() ({
      %run_scoped3A = tpu.sem_alloc : memref<!tpu.dma_semaphore, #tpu.memory_space<semaphore_mem>>
      %dma_start3A_572 = arith.constant 0 : i32
      %dma_start3A_573 = arith.constant 0 : i32
      %dma_start3A_574 = tpu.memref_slice %arg22[%dma_start3A_572, %dma_start3A_573] : memref<1024x128xf32, #tpu.memory_space<vmem_shared>> -> memref<1024x128xf32, #tpu.memory_space<vmem_shared>>
      tpu.enqueue_indirect_dma source(%arg17 : memref<128x128xf32, #tpu.memory_space<vmem>>) target(%dma_start3A_574 : memref<1024x128xf32, #tpu.memory_space<vmem_shared>>) offsets(%arg13 : memref<128xi32, #tpu.memory_space<vmem>>) semaphore(%run_scoped3A : memref<!tpu.dma_semaphore, #tpu.memory_space<semaphore_mem>>) {add = true}
      %dma_wait3A_575 = arith.constant 0 : i32
      %dma_wait3A_576 = arith.constant 0 : i32
      %dma_wait3A_577 = tpu.memref_slice %arg22[%dma_wait3A_575, %dma_wait3A_576] : memref<1024x128xf32, #tpu.memory_space<vmem_shared>> -> memref<1024x128xf32, #tpu.memory_space<vmem_shared>>
      tpu.wait_indirect_dma semaphore(%run_scoped3A : memref<!tpu.dma_semaphore, #tpu.memory_space<semaphore_mem>>) src(%arg17 : memref<128x128xf32, #tpu.memory_space<vmem>>) dst(%dma_wait3A_577 : memref<1024x128xf32, #tpu.memory_space<vmem_shared>>)
      tpu.yield
    }) : () -> ()
    %add3A_115 = arith.constant 128 : i32
    %add3A_116 = arith.addi %add3A, %add3A_115 : i32
    %lt3A_117 = arith.constant 781 : i32
    %lt3A_118 = arith.cmpi slt, %add3A_116, %lt3A_117 : i32
    %jit3A_119 = arith.constant 0 : i32
    %select_n3A_120 = arith.select %lt3A_118, %add3A_116, %jit3A_119 : i32
    %mul3A_121 = arith.constant 128 : i32
    %mul3A_122 = arith.muli %select_n3A_120, %mul3A_121 : i32
    %multiple_of3A_123 = tpu.assume_multiple %mul3A_122, 128 : i32
    %dma_start3A_124 = arith.constant 0 : i32
    %dma_start3A_125 = tpu.memref_slice %arg2[%multiple_of3A_123, %dma_start3A_124] : memref<100000x128xf32, #tpu.memory_space<hbm>> -> memref<128x128xf32, #tpu.memory_space<hbm>>
    %dma_start3A_126 = arith.constant 0 : i32
    %dma_start3A_127 = tpu.memref_slice %arg2[%multiple_of3A_123, %dma_start3A_126] : memref<100000x128xf32, #tpu.memory_space<hbm>> -> memref<128x128xf32, #tpu.memory_space<hbm>>
    tpu.enqueue_dma source(%dma_start3A_127 : memref<128x128xf32, #tpu.memory_space<hbm>>) target(%arg11 : memref<128x128xf32, #tpu.memory_space<vmem>>) target_semaphore(%arg23 : memref<!tpu.dma_semaphore, #tpu.memory_space<semaphore_mem>>)
    %dma_start3A_128 = tpu.memref_slice %arg3[%multiple_of3A_123] : memref<100000xi32, #tpu.memory_space<hbm>> -> memref<128xi32, #tpu.memory_space<hbm>>
    %dma_start3A_129 = tpu.memref_slice %arg3[%multiple_of3A_123] : memref<100000xi32, #tpu.memory_space<hbm>> -> memref<128xi32, #tpu.memory_space<hbm>>
    tpu.enqueue_dma source(%dma_start3A_129 : memref<128xi32, #tpu.memory_space<hbm>>) target(%arg13 : memref<128xi32, #tpu.memory_space<vmem>>) target_semaphore(%arg23 : memref<!tpu.dma_semaphore, #tpu.memory_space<semaphore_mem>>)
    %dma_wait3A_130 = arith.constant 0 : i32
    %dma_wait3A_131 = tpu.memref_slice %arg2[%multiple_of3A_102, %dma_wait3A_130] : memref<100000x128xf32, #tpu.memory_space<hbm>> -> memref<128x128xf32, #tpu.memory_space<hbm>>
    %dma_wait3A_132 = arith.constant 0 : i32
    %dma_wait3A_133 = tpu.memref_slice %arg2[%multiple_of3A_102, %dma_wait3A_132] : memref<100000x128xf32, #tpu.memory_space<hbm>> -> memref<128x128xf32, #tpu.memory_space<hbm>>
    tpu.wait_dma2 semaphore(%arg24 : memref<!tpu.dma_semaphore, #tpu.memory_space<semaphore_mem>>) src(%dma_wait3A_133 : memref<128x128xf32, #tpu.memory_space<hbm>>) dst(%arg12 : memref<128x128xf32, #tpu.memory_space<vmem>>)
    %dma_wait3A_134 = tpu.memref_slice %arg3[%multiple_of3A_102] : memref<100000xi32, #tpu.memory_space<hbm>> -> memref<128xi32, #tpu.memory_space<hbm>>
    %dma_wait3A_135 = tpu.memref_slice %arg3[%multiple_of3A_102] : memref<100000xi32, #tpu.memory_space<hbm>> -> memref<128xi32, #tpu.memory_space<hbm>>
    tpu.wait_dma2 semaphore(%arg24 : memref<!tpu.dma_semaphore, #tpu.memory_space<semaphore_mem>>) src(%dma_wait3A_135 : memref<128xi32, #tpu.memory_space<hbm>>) dst(%arg14 : memref<128xi32, #tpu.memory_space<vmem>>)
    "tpu.region"() ({
      %run_scoped3A = tpu.sem_alloc : memref<!tpu.dma_semaphore, #tpu.memory_space<semaphore_mem>>
      %dma_start3A_572 = arith.constant 0 : i32
      %dma_start3A_573 = arith.constant 0 : i32
      %dma_start3A_574 = tpu.memref_slice %arg21[%dma_start3A_572, %dma_start3A_573] : memref<1024x128xf32, #tpu.memory_space<vmem_shared>> -> memref<1024x128xf32, #tpu.memory_space<vmem_shared>>
      tpu.enqueue_indirect_dma source(%arg12 : memref<128x128xf32, #tpu.memory_space<vmem>>) target(%dma_start3A_574 : memref<1024x128xf32, #tpu.memory_space<vmem_shared>>) offsets(%arg14 : memref<128xi32, #tpu.memory_space<vmem>>) semaphore(%run_scoped3A : memref<!tpu.dma_semaphore, #tpu.memory_space<semaphore_mem>>) {add = true}
      %dma_wait3A_575 = arith.constant 0 : i32
      %dma_wait3A_576 = arith.constant 0 : i32
      %dma_wait3A_577 = tpu.memref_slice %arg21[%dma_wait3A_575, %dma_wait3A_576] : memref<1024x128xf32, #tpu.memory_space<vmem_shared>> -> memref<1024x128xf32, #tpu.memory_space<vmem_shared>>
      tpu.wait_indirect_dma semaphore(%run_scoped3A : memref<!tpu.dma_semaphore, #tpu.memory_space<semaphore_mem>>) src(%arg12 : memref<128x128xf32, #tpu.memory_space<vmem>>) dst(%dma_wait3A_577 : memref<1024x128xf32, #tpu.memory_space<vmem_shared>>)
      tpu.yield
    }) : () -> ()
    "tpu.region"() ({
      %run_scoped3A = tpu.sem_alloc : memref<!tpu.dma_semaphore, #tpu.memory_space<semaphore_mem>>
      %dma_start3A_572 = arith.constant 0 : i32
      %dma_start3A_573 = arith.constant 0 : i32
      %dma_start3A_574 = tpu.memref_slice %arg22[%dma_start3A_572, %dma_start3A_573] : memref<1024x128xf32, #tpu.memory_space<vmem_shared>> -> memref<1024x128xf32, #tpu.memory_space<vmem_shared>>
      tpu.enqueue_indirect_dma source(%arg17 : memref<128x128xf32, #tpu.memory_space<vmem>>) target(%dma_start3A_574 : memref<1024x128xf32, #tpu.memory_space<vmem_shared>>) offsets(%arg14 : memref<128xi32, #tpu.memory_space<vmem>>) semaphore(%run_scoped3A : memref<!tpu.dma_semaphore, #tpu.memory_space<semaphore_mem>>) {add = true}
      %dma_wait3A_575 = arith.constant 0 : i32
      %dma_wait3A_576 = arith.constant 0 : i32
      %dma_wait3A_577 = tpu.memref_slice %arg22[%dma_wait3A_575, %dma_wait3A_576] : memref<1024x128xf32, #tpu.memory_space<vmem_shared>> -> memref<1024x128xf32, #tpu.memory_space<vmem_shared>>
      tpu.wait_indirect_dma semaphore(%run_scoped3A : memref<!tpu.dma_semaphore, #tpu.memory_space<semaphore_mem>>) src(%arg17 : memref<128x128xf32, #tpu.memory_space<vmem>>) dst(%dma_wait3A_577 : memref<1024x128xf32, #tpu.memory_space<vmem_shared>>)
      tpu.yield
    }) : () -> ()
    %add3A_136 = arith.constant 160 : i32
    %add3A_137 = arith.addi %add3A, %add3A_136 : i32
    %lt3A_138 = arith.constant 781 : i32
    %lt3A_139 = arith.cmpi slt, %add3A_137, %lt3A_138 : i32
    %jit3A_140 = arith.constant 0 : i32
    %select_n3A_141 = arith.select %lt3A_139, %add3A_137, %jit3A_140 : i32
    %mul3A_142 = arith.constant 128 : i32
    %mul3A_143 = arith.muli %select_n3A_141, %mul3A_142 : i32
    %multiple_of3A_144 = tpu.assume_multiple %mul3A_143, 128 : i32
    %dma_start3A_145 = arith.constant 0 : i32
    %dma_start3A_146 = tpu.memref_slice %arg2[%multiple_of3A_144, %dma_start3A_145] : memref<100000x128xf32, #tpu.memory_space<hbm>> -> memref<128x128xf32, #tpu.memory_space<hbm>>
    %dma_start3A_147 = arith.constant 0 : i32
    %dma_start3A_148 = tpu.memref_slice %arg2[%multiple_of3A_144, %dma_start3A_147] : memref<100000x128xf32, #tpu.memory_space<hbm>> -> memref<128x128xf32, #tpu.memory_space<hbm>>
    tpu.enqueue_dma source(%dma_start3A_148 : memref<128x128xf32, #tpu.memory_space<hbm>>) target(%arg12 : memref<128x128xf32, #tpu.memory_space<vmem>>) target_semaphore(%arg24 : memref<!tpu.dma_semaphore, #tpu.memory_space<semaphore_mem>>)
    %dma_start3A_149 = tpu.memref_slice %arg3[%multiple_of3A_144] : memref<100000xi32, #tpu.memory_space<hbm>> -> memref<128xi32, #tpu.memory_space<hbm>>
    %dma_start3A_150 = tpu.memref_slice %arg3[%multiple_of3A_144] : memref<100000xi32, #tpu.memory_space<hbm>> -> memref<128xi32, #tpu.memory_space<hbm>>
    tpu.enqueue_dma source(%dma_start3A_150 : memref<128xi32, #tpu.memory_space<hbm>>) target(%arg14 : memref<128xi32, #tpu.memory_space<vmem>>) target_semaphore(%arg24 : memref<!tpu.dma_semaphore, #tpu.memory_space<semaphore_mem>>)
    %dma_wait3A_151 = arith.constant 0 : i32
    %dma_wait3A_152 = tpu.memref_slice %arg2[%multiple_of3A_123, %dma_wait3A_151] : memref<100000x128xf32, #tpu.memory_space<hbm>> -> memref<128x128xf32, #tpu.memory_space<hbm>>
    %dma_wait3A_153 = arith.constant 0 : i32
    %dma_wait3A_154 = tpu.memref_slice %arg2[%multiple_of3A_123, %dma_wait3A_153] : memref<100000x128xf32, #tpu.memory_space<hbm>> -> memref<128x128xf32, #tpu.memory_space<hbm>>
    tpu.wait_dma2 semaphore(%arg23 : memref<!tpu.dma_semaphore, #tpu.memory_space<semaphore_mem>>) src(%dma_wait3A_154 : memref<128x128xf32, #tpu.memory_space<hbm>>) dst(%arg11 : memref<128x128xf32, #tpu.memory_space<vmem>>)
    %dma_wait3A_155 = tpu.memref_slice %arg3[%multiple_of3A_123] : memref<100000xi32, #tpu.memory_space<hbm>> -> memref<128xi32, #tpu.memory_space<hbm>>
    %dma_wait3A_156 = tpu.memref_slice %arg3[%multiple_of3A_123] : memref<100000xi32, #tpu.memory_space<hbm>> -> memref<128xi32, #tpu.memory_space<hbm>>
    tpu.wait_dma2 semaphore(%arg23 : memref<!tpu.dma_semaphore, #tpu.memory_space<semaphore_mem>>) src(%dma_wait3A_156 : memref<128xi32, #tpu.memory_space<hbm>>) dst(%arg13 : memref<128xi32, #tpu.memory_space<vmem>>)
    "tpu.region"() ({
      %run_scoped3A = tpu.sem_alloc : memref<!tpu.dma_semaphore, #tpu.memory_space<semaphore_mem>>
      %dma_start3A_572 = arith.constant 0 : i32
      %dma_start3A_573 = arith.constant 0 : i32
      %dma_start3A_574 = tpu.memref_slice %arg21[%dma_start3A_572, %dma_start3A_573] : memref<1024x128xf32, #tpu.memory_space<vmem_shared>> -> memref<1024x128xf32, #tpu.memory_space<vmem_shared>>
      tpu.enqueue_indirect_dma source(%arg11 : memref<128x128xf32, #tpu.memory_space<vmem>>) target(%dma_start3A_574 : memref<1024x128xf32, #tpu.memory_space<vmem_shared>>) offsets(%arg13 : memref<128xi32, #tpu.memory_space<vmem>>) semaphore(%run_scoped3A : memref<!tpu.dma_semaphore, #tpu.memory_space<semaphore_mem>>) {add = true}
      %dma_wait3A_575 = arith.constant 0 : i32
      %dma_wait3A_576 = arith.constant 0 : i32
      %dma_wait3A_577 = tpu.memref_slice %arg21[%dma_wait3A_575, %dma_wait3A_576] : memref<1024x128xf32, #tpu.memory_space<vmem_shared>> -> memref<1024x128xf32, #tpu.memory_space<vmem_shared>>
      tpu.wait_indirect_dma semaphore(%run_scoped3A : memref<!tpu.dma_semaphore, #tpu.memory_space<semaphore_mem>>) src(%arg11 : memref<128x128xf32, #tpu.memory_space<vmem>>) dst(%dma_wait3A_577 : memref<1024x128xf32, #tpu.memory_space<vmem_shared>>)
      tpu.yield
    }) : () -> ()
    "tpu.region"() ({
      %run_scoped3A = tpu.sem_alloc : memref<!tpu.dma_semaphore, #tpu.memory_space<semaphore_mem>>
      %dma_start3A_572 = arith.constant 0 : i32
      %dma_start3A_573 = arith.constant 0 : i32
      %dma_start3A_574 = tpu.memref_slice %arg22[%dma_start3A_572, %dma_start3A_573] : memref<1024x128xf32, #tpu.memory_space<vmem_shared>> -> memref<1024x128xf32, #tpu.memory_space<vmem_shared>>
      tpu.enqueue_indirect_dma source(%arg17 : memref<128x128xf32, #tpu.memory_space<vmem>>) target(%dma_start3A_574 : memref<1024x128xf32, #tpu.memory_space<vmem_shared>>) offsets(%arg13 : memref<128xi32, #tpu.memory_space<vmem>>) semaphore(%run_scoped3A : memref<!tpu.dma_semaphore, #tpu.memory_space<semaphore_mem>>) {add = true}
      %dma_wait3A_575 = arith.constant 0 : i32
      %dma_wait3A_576 = arith.constant 0 : i32
      %dma_wait3A_577 = tpu.memref_slice %arg22[%dma_wait3A_575, %dma_wait3A_576] : memref<1024x128xf32, #tpu.memory_space<vmem_shared>> -> memref<1024x128xf32, #tpu.memory_space<vmem_shared>>
      tpu.wait_indirect_dma semaphore(%run_scoped3A : memref<!tpu.dma_semaphore, #tpu.memory_space<semaphore_mem>>) src(%arg17 : memref<128x128xf32, #tpu.memory_space<vmem>>) dst(%dma_wait3A_577 : memref<1024x128xf32, #tpu.memory_space<vmem_shared>>)
      tpu.yield
    }) : () -> ()
    %add3A_157 = arith.constant 192 : i32
    %add3A_158 = arith.addi %add3A, %add3A_157 : i32
    %lt3A_159 = arith.constant 781 : i32
    %lt3A_160 = arith.cmpi slt, %add3A_158, %lt3A_159 : i32
    %jit3A_161 = arith.constant 0 : i32
    %select_n3A_162 = arith.select %lt3A_160, %add3A_158, %jit3A_161 : i32
    %mul3A_163 = arith.constant 128 : i32
    %mul3A_164 = arith.muli %select_n3A_162, %mul3A_163 : i32
    %multiple_of3A_165 = tpu.assume_multiple %mul3A_164, 128 : i32
    %dma_start3A_166 = arith.constant 0 : i32
    %dma_start3A_167 = tpu.memref_slice %arg2[%multiple_of3A_165, %dma_start3A_166] : memref<100000x128xf32, #tpu.memory_space<hbm>> -> memref<128x128xf32, #tpu.memory_space<hbm>>
    %dma_start3A_168 = arith.constant 0 : i32
    %dma_start3A_169 = tpu.memref_slice %arg2[%multiple_of3A_165, %dma_start3A_168] : memref<100000x128xf32, #tpu.memory_space<hbm>> -> memref<128x128xf32, #tpu.memory_space<hbm>>
    tpu.enqueue_dma source(%dma_start3A_169 : memref<128x128xf32, #tpu.memory_space<hbm>>) target(%arg11 : memref<128x128xf32, #tpu.memory_space<vmem>>) target_semaphore(%arg23 : memref<!tpu.dma_semaphore, #tpu.memory_space<semaphore_mem>>)
    %dma_start3A_170 = tpu.memref_slice %arg3[%multiple_of3A_165] : memref<100000xi32, #tpu.memory_space<hbm>> -> memref<128xi32, #tpu.memory_space<hbm>>
    %dma_start3A_171 = tpu.memref_slice %arg3[%multiple_of3A_165] : memref<100000xi32, #tpu.memory_space<hbm>> -> memref<128xi32, #tpu.memory_space<hbm>>
    tpu.enqueue_dma source(%dma_start3A_171 : memref<128xi32, #tpu.memory_space<hbm>>) target(%arg13 : memref<128xi32, #tpu.memory_space<vmem>>) target_semaphore(%arg23 : memref<!tpu.dma_semaphore, #tpu.memory_space<semaphore_mem>>)
    %dma_wait3A_172 = arith.constant 0 : i32
    %dma_wait3A_173 = tpu.memref_slice %arg2[%multiple_of3A_144, %dma_wait3A_172] : memref<100000x128xf32, #tpu.memory_space<hbm>> -> memref<128x128xf32, #tpu.memory_space<hbm>>
    %dma_wait3A_174 = arith.constant 0 : i32
    %dma_wait3A_175 = tpu.memref_slice %arg2[%multiple_of3A_144, %dma_wait3A_174] : memref<100000x128xf32, #tpu.memory_space<hbm>> -> memref<128x128xf32, #tpu.memory_space<hbm>>
    tpu.wait_dma2 semaphore(%arg24 : memref<!tpu.dma_semaphore, #tpu.memory_space<semaphore_mem>>) src(%dma_wait3A_175 : memref<128x128xf32, #tpu.memory_space<hbm>>) dst(%arg12 : memref<128x128xf32, #tpu.memory_space<vmem>>)
    %dma_wait3A_176 = tpu.memref_slice %arg3[%multiple_of3A_144] : memref<100000xi32, #tpu.memory_space<hbm>> -> memref<128xi32, #tpu.memory_space<hbm>>
    %dma_wait3A_177 = tpu.memref_slice %arg3[%multiple_of3A_144] : memref<100000xi32, #tpu.memory_space<hbm>> -> memref<128xi32, #tpu.memory_space<hbm>>
    tpu.wait_dma2 semaphore(%arg24 : memref<!tpu.dma_semaphore, #tpu.memory_space<semaphore_mem>>) src(%dma_wait3A_177 : memref<128xi32, #tpu.memory_space<hbm>>) dst(%arg14 : memref<128xi32, #tpu.memory_space<vmem>>)
    "tpu.region"() ({
      %run_scoped3A = tpu.sem_alloc : memref<!tpu.dma_semaphore, #tpu.memory_space<semaphore_mem>>
      %dma_start3A_572 = arith.constant 0 : i32
      %dma_start3A_573 = arith.constant 0 : i32
      %dma_start3A_574 = tpu.memref_slice %arg21[%dma_start3A_572, %dma_start3A_573] : memref<1024x128xf32, #tpu.memory_space<vmem_shared>> -> memref<1024x128xf32, #tpu.memory_space<vmem_shared>>
      tpu.enqueue_indirect_dma source(%arg12 : memref<128x128xf32, #tpu.memory_space<vmem>>) target(%dma_start3A_574 : memref<1024x128xf32, #tpu.memory_space<vmem_shared>>) offsets(%arg14 : memref<128xi32, #tpu.memory_space<vmem>>) semaphore(%run_scoped3A : memref<!tpu.dma_semaphore, #tpu.memory_space<semaphore_mem>>) {add = true}
      %dma_wait3A_575 = arith.constant 0 : i32
      %dma_wait3A_576 = arith.constant 0 : i32
      %dma_wait3A_577 = tpu.memref_slice %arg21[%dma_wait3A_575, %dma_wait3A_576] : memref<1024x128xf32, #tpu.memory_space<vmem_shared>> -> memref<1024x128xf32, #tpu.memory_space<vmem_shared>>
      tpu.wait_indirect_dma semaphore(%run_scoped3A : memref<!tpu.dma_semaphore, #tpu.memory_space<semaphore_mem>>) src(%arg12 : memref<128x128xf32, #tpu.memory_space<vmem>>) dst(%dma_wait3A_577 : memref<1024x128xf32, #tpu.memory_space<vmem_shared>>)
      tpu.yield
    }) : () -> ()
    "tpu.region"() ({
      %run_scoped3A = tpu.sem_alloc : memref<!tpu.dma_semaphore, #tpu.memory_space<semaphore_mem>>
      %dma_start3A_572 = arith.constant 0 : i32
      %dma_start3A_573 = arith.constant 0 : i32
      %dma_start3A_574 = tpu.memref_slice %arg22[%dma_start3A_572, %dma_start3A_573] : memref<1024x128xf32, #tpu.memory_space<vmem_shared>> -> memref<1024x128xf32, #tpu.memory_space<vmem_shared>>
      tpu.enqueue_indirect_dma source(%arg17 : memref<128x128xf32, #tpu.memory_space<vmem>>) target(%dma_start3A_574 : memref<1024x128xf32, #tpu.memory_space<vmem_shared>>) offsets(%arg14 : memref<128xi32, #tpu.memory_space<vmem>>) semaphore(%run_scoped3A : memref<!tpu.dma_semaphore, #tpu.memory_space<semaphore_mem>>) {add = true}
      %dma_wait3A_575 = arith.constant 0 : i32
      %dma_wait3A_576 = arith.constant 0 : i32
      %dma_wait3A_577 = tpu.memref_slice %arg22[%dma_wait3A_575, %dma_wait3A_576] : memref<1024x128xf32, #tpu.memory_space<vmem_shared>> -> memref<1024x128xf32, #tpu.memory_space<vmem_shared>>
      tpu.wait_indirect_dma semaphore(%run_scoped3A : memref<!tpu.dma_semaphore, #tpu.memory_space<semaphore_mem>>) src(%arg17 : memref<128x128xf32, #tpu.memory_space<vmem>>) dst(%dma_wait3A_577 : memref<1024x128xf32, #tpu.memory_space<vmem_shared>>)
      tpu.yield
    }) : () -> ()
    %add3A_178 = arith.constant 224 : i32
    %add3A_179 = arith.addi %add3A, %add3A_178 : i32
    %lt3A_180 = arith.constant 781 : i32
    %lt3A_181 = arith.cmpi slt, %add3A_179, %lt3A_180 : i32
    %jit3A_182 = arith.constant 0 : i32
    %select_n3A_183 = arith.select %lt3A_181, %add3A_179, %jit3A_182 : i32
    %mul3A_184 = arith.constant 128 : i32
    %mul3A_185 = arith.muli %select_n3A_183, %mul3A_184 : i32
    %multiple_of3A_186 = tpu.assume_multiple %mul3A_185, 128 : i32
    %dma_start3A_187 = arith.constant 0 : i32
    %dma_start3A_188 = tpu.memref_slice %arg2[%multiple_of3A_186, %dma_start3A_187] : memref<100000x128xf32, #tpu.memory_space<hbm>> -> memref<128x128xf32, #tpu.memory_space<hbm>>
    %dma_start3A_189 = arith.constant 0 : i32
    %dma_start3A_190 = tpu.memref_slice %arg2[%multiple_of3A_186, %dma_start3A_189] : memref<100000x128xf32, #tpu.memory_space<hbm>> -> memref<128x128xf32, #tpu.memory_space<hbm>>
    tpu.enqueue_dma source(%dma_start3A_190 : memref<128x128xf32, #tpu.memory_space<hbm>>) target(%arg12 : memref<128x128xf32, #tpu.memory_space<vmem>>) target_semaphore(%arg24 : memref<!tpu.dma_semaphore, #tpu.memory_space<semaphore_mem>>)
    %dma_start3A_191 = tpu.memref_slice %arg3[%multiple_of3A_186] : memref<100000xi32, #tpu.memory_space<hbm>> -> memref<128xi32, #tpu.memory_space<hbm>>
    %dma_start3A_192 = tpu.memref_slice %arg3[%multiple_of3A_186] : memref<100000xi32, #tpu.memory_space<hbm>> -> memref<128xi32, #tpu.memory_space<hbm>>
    tpu.enqueue_dma source(%dma_start3A_192 : memref<128xi32, #tpu.memory_space<hbm>>) target(%arg14 : memref<128xi32, #tpu.memory_space<vmem>>) target_semaphore(%arg24 : memref<!tpu.dma_semaphore, #tpu.memory_space<semaphore_mem>>)
    %dma_wait3A_193 = arith.constant 0 : i32
    %dma_wait3A_194 = tpu.memref_slice %arg2[%multiple_of3A_165, %dma_wait3A_193] : memref<100000x128xf32, #tpu.memory_space<hbm>> -> memref<128x128xf32, #tpu.memory_space<hbm>>
    %dma_wait3A_195 = arith.constant 0 : i32
    %dma_wait3A_196 = tpu.memref_slice %arg2[%multiple_of3A_165, %dma_wait3A_195] : memref<100000x128xf32, #tpu.memory_space<hbm>> -> memref<128x128xf32, #tpu.memory_space<hbm>>
    tpu.wait_dma2 semaphore(%arg23 : memref<!tpu.dma_semaphore, #tpu.memory_space<semaphore_mem>>) src(%dma_wait3A_196 : memref<128x128xf32, #tpu.memory_space<hbm>>) dst(%arg11 : memref<128x128xf32, #tpu.memory_space<vmem>>)
    %dma_wait3A_197 = tpu.memref_slice %arg3[%multiple_of3A_165] : memref<100000xi32, #tpu.memory_space<hbm>> -> memref<128xi32, #tpu.memory_space<hbm>>
    %dma_wait3A_198 = tpu.memref_slice %arg3[%multiple_of3A_165] : memref<100000xi32, #tpu.memory_space<hbm>> -> memref<128xi32, #tpu.memory_space<hbm>>
    tpu.wait_dma2 semaphore(%arg23 : memref<!tpu.dma_semaphore, #tpu.memory_space<semaphore_mem>>) src(%dma_wait3A_198 : memref<128xi32, #tpu.memory_space<hbm>>) dst(%arg13 : memref<128xi32, #tpu.memory_space<vmem>>)
    "tpu.region"() ({
      %run_scoped3A = tpu.sem_alloc : memref<!tpu.dma_semaphore, #tpu.memory_space<semaphore_mem>>
      %dma_start3A_572 = arith.constant 0 : i32
      %dma_start3A_573 = arith.constant 0 : i32
      %dma_start3A_574 = tpu.memref_slice %arg21[%dma_start3A_572, %dma_start3A_573] : memref<1024x128xf32, #tpu.memory_space<vmem_shared>> -> memref<1024x128xf32, #tpu.memory_space<vmem_shared>>
      tpu.enqueue_indirect_dma source(%arg11 : memref<128x128xf32, #tpu.memory_space<vmem>>) target(%dma_start3A_574 : memref<1024x128xf32, #tpu.memory_space<vmem_shared>>) offsets(%arg13 : memref<128xi32, #tpu.memory_space<vmem>>) semaphore(%run_scoped3A : memref<!tpu.dma_semaphore, #tpu.memory_space<semaphore_mem>>) {add = true}
      %dma_wait3A_575 = arith.constant 0 : i32
      %dma_wait3A_576 = arith.constant 0 : i32
      %dma_wait3A_577 = tpu.memref_slice %arg21[%dma_wait3A_575, %dma_wait3A_576] : memref<1024x128xf32, #tpu.memory_space<vmem_shared>> -> memref<1024x128xf32, #tpu.memory_space<vmem_shared>>
      tpu.wait_indirect_dma semaphore(%run_scoped3A : memref<!tpu.dma_semaphore, #tpu.memory_space<semaphore_mem>>) src(%arg11 : memref<128x128xf32, #tpu.memory_space<vmem>>) dst(%dma_wait3A_577 : memref<1024x128xf32, #tpu.memory_space<vmem_shared>>)
      tpu.yield
    }) : () -> ()
    "tpu.region"() ({
      %run_scoped3A = tpu.sem_alloc : memref<!tpu.dma_semaphore, #tpu.memory_space<semaphore_mem>>
      %dma_start3A_572 = arith.constant 0 : i32
      %dma_start3A_573 = arith.constant 0 : i32
      %dma_start3A_574 = tpu.memref_slice %arg22[%dma_start3A_572, %dma_start3A_573] : memref<1024x128xf32, #tpu.memory_space<vmem_shared>> -> memref<1024x128xf32, #tpu.memory_space<vmem_shared>>
      tpu.enqueue_indirect_dma source(%arg17 : memref<128x128xf32, #tpu.memory_space<vmem>>) target(%dma_start3A_574 : memref<1024x128xf32, #tpu.memory_space<vmem_shared>>) offsets(%arg13 : memref<128xi32, #tpu.memory_space<vmem>>) semaphore(%run_scoped3A : memref<!tpu.dma_semaphore, #tpu.memory_space<semaphore_mem>>) {add = true}
      %dma_wait3A_575 = arith.constant 0 : i32
      %dma_wait3A_576 = arith.constant 0 : i32
      %dma_wait3A_577 = tpu.memref_slice %arg22[%dma_wait3A_575, %dma_wait3A_576] : memref<1024x128xf32, #tpu.memory_space<vmem_shared>> -> memref<1024x128xf32, #tpu.memory_space<vmem_shared>>
      tpu.wait_indirect_dma semaphore(%run_scoped3A : memref<!tpu.dma_semaphore, #tpu.memory_space<semaphore_mem>>) src(%arg17 : memref<128x128xf32, #tpu.memory_space<vmem>>) dst(%dma_wait3A_577 : memref<1024x128xf32, #tpu.memory_space<vmem_shared>>)
      tpu.yield
    }) : () -> ()
    %add3A_199 = arith.constant 256 : i32
    %add3A_200 = arith.addi %add3A, %add3A_199 : i32
    %lt3A_201 = arith.constant 781 : i32
    %lt3A_202 = arith.cmpi slt, %add3A_200, %lt3A_201 : i32
    %jit3A_203 = arith.constant 0 : i32
    %select_n3A_204 = arith.select %lt3A_202, %add3A_200, %jit3A_203 : i32
    %mul3A_205 = arith.constant 128 : i32
    %mul3A_206 = arith.muli %select_n3A_204, %mul3A_205 : i32
    %multiple_of3A_207 = tpu.assume_multiple %mul3A_206, 128 : i32
    %dma_start3A_208 = arith.constant 0 : i32
    %dma_start3A_209 = tpu.memref_slice %arg2[%multiple_of3A_207, %dma_start3A_208] : memref<100000x128xf32, #tpu.memory_space<hbm>> -> memref<128x128xf32, #tpu.memory_space<hbm>>
    %dma_start3A_210 = arith.constant 0 : i32
    %dma_start3A_211 = tpu.memref_slice %arg2[%multiple_of3A_207, %dma_start3A_210] : memref<100000x128xf32, #tpu.memory_space<hbm>> -> memref<128x128xf32, #tpu.memory_space<hbm>>
    tpu.enqueue_dma source(%dma_start3A_211 : memref<128x128xf32, #tpu.memory_space<hbm>>) target(%arg11 : memref<128x128xf32, #tpu.memory_space<vmem>>) target_semaphore(%arg23 : memref<!tpu.dma_semaphore, #tpu.memory_space<semaphore_mem>>)
    %dma_start3A_212 = tpu.memref_slice %arg3[%multiple_of3A_207] : memref<100000xi32, #tpu.memory_space<hbm>> -> memref<128xi32, #tpu.memory_space<hbm>>
    %dma_start3A_213 = tpu.memref_slice %arg3[%multiple_of3A_207] : memref<100000xi32, #tpu.memory_space<hbm>> -> memref<128xi32, #tpu.memory_space<hbm>>
    tpu.enqueue_dma source(%dma_start3A_213 : memref<128xi32, #tpu.memory_space<hbm>>) target(%arg13 : memref<128xi32, #tpu.memory_space<vmem>>) target_semaphore(%arg23 : memref<!tpu.dma_semaphore, #tpu.memory_space<semaphore_mem>>)
    %dma_wait3A_214 = arith.constant 0 : i32
    %dma_wait3A_215 = tpu.memref_slice %arg2[%multiple_of3A_186, %dma_wait3A_214] : memref<100000x128xf32, #tpu.memory_space<hbm>> -> memref<128x128xf32, #tpu.memory_space<hbm>>
    %dma_wait3A_216 = arith.constant 0 : i32
    %dma_wait3A_217 = tpu.memref_slice %arg2[%multiple_of3A_186, %dma_wait3A_216] : memref<100000x128xf32, #tpu.memory_space<hbm>> -> memref<128x128xf32, #tpu.memory_space<hbm>>
    tpu.wait_dma2 semaphore(%arg24 : memref<!tpu.dma_semaphore, #tpu.memory_space<semaphore_mem>>) src(%dma_wait3A_217 : memref<128x128xf32, #tpu.memory_space<hbm>>) dst(%arg12 : memref<128x128xf32, #tpu.memory_space<vmem>>)
    %dma_wait3A_218 = tpu.memref_slice %arg3[%multiple_of3A_186] : memref<100000xi32, #tpu.memory_space<hbm>> -> memref<128xi32, #tpu.memory_space<hbm>>
    %dma_wait3A_219 = tpu.memref_slice %arg3[%multiple_of3A_186] : memref<100000xi32, #tpu.memory_space<hbm>> -> memref<128xi32, #tpu.memory_space<hbm>>
    tpu.wait_dma2 semaphore(%arg24 : memref<!tpu.dma_semaphore, #tpu.memory_space<semaphore_mem>>) src(%dma_wait3A_219 : memref<128xi32, #tpu.memory_space<hbm>>) dst(%arg14 : memref<128xi32, #tpu.memory_space<vmem>>)
    "tpu.region"() ({
      %run_scoped3A = tpu.sem_alloc : memref<!tpu.dma_semaphore, #tpu.memory_space<semaphore_mem>>
      %dma_start3A_572 = arith.constant 0 : i32
      %dma_start3A_573 = arith.constant 0 : i32
      %dma_start3A_574 = tpu.memref_slice %arg21[%dma_start3A_572, %dma_start3A_573] : memref<1024x128xf32, #tpu.memory_space<vmem_shared>> -> memref<1024x128xf32, #tpu.memory_space<vmem_shared>>
      tpu.enqueue_indirect_dma source(%arg12 : memref<128x128xf32, #tpu.memory_space<vmem>>) target(%dma_start3A_574 : memref<1024x128xf32, #tpu.memory_space<vmem_shared>>) offsets(%arg14 : memref<128xi32, #tpu.memory_space<vmem>>) semaphore(%run_scoped3A : memref<!tpu.dma_semaphore, #tpu.memory_space<semaphore_mem>>) {add = true}
      %dma_wait3A_575 = arith.constant 0 : i32
      %dma_wait3A_576 = arith.constant 0 : i32
      %dma_wait3A_577 = tpu.memref_slice %arg21[%dma_wait3A_575, %dma_wait3A_576] : memref<1024x128xf32, #tpu.memory_space<vmem_shared>> -> memref<1024x128xf32, #tpu.memory_space<vmem_shared>>
      tpu.wait_indirect_dma semaphore(%run_scoped3A : memref<!tpu.dma_semaphore, #tpu.memory_space<semaphore_mem>>) src(%arg12 : memref<128x128xf32, #tpu.memory_space<vmem>>) dst(%dma_wait3A_577 : memref<1024x128xf32, #tpu.memory_space<vmem_shared>>)
      tpu.yield
    }) : () -> ()
    "tpu.region"() ({
      %run_scoped3A = tpu.sem_alloc : memref<!tpu.dma_semaphore, #tpu.memory_space<semaphore_mem>>
      %dma_start3A_572 = arith.constant 0 : i32
      %dma_start3A_573 = arith.constant 0 : i32
      %dma_start3A_574 = tpu.memref_slice %arg22[%dma_start3A_572, %dma_start3A_573] : memref<1024x128xf32, #tpu.memory_space<vmem_shared>> -> memref<1024x128xf32, #tpu.memory_space<vmem_shared>>
      tpu.enqueue_indirect_dma source(%arg17 : memref<128x128xf32, #tpu.memory_space<vmem>>) target(%dma_start3A_574 : memref<1024x128xf32, #tpu.memory_space<vmem_shared>>) offsets(%arg14 : memref<128xi32, #tpu.memory_space<vmem>>) semaphore(%run_scoped3A : memref<!tpu.dma_semaphore, #tpu.memory_space<semaphore_mem>>) {add = true}
      %dma_wait3A_575 = arith.constant 0 : i32
      %dma_wait3A_576 = arith.constant 0 : i32
      %dma_wait3A_577 = tpu.memref_slice %arg22[%dma_wait3A_575, %dma_wait3A_576] : memref<1024x128xf32, #tpu.memory_space<vmem_shared>> -> memref<1024x128xf32, #tpu.memory_space<vmem_shared>>
      tpu.wait_indirect_dma semaphore(%run_scoped3A : memref<!tpu.dma_semaphore, #tpu.memory_space<semaphore_mem>>) src(%arg17 : memref<128x128xf32, #tpu.memory_space<vmem>>) dst(%dma_wait3A_577 : memref<1024x128xf32, #tpu.memory_space<vmem_shared>>)
      tpu.yield
    }) : () -> ()
    %add3A_220 = arith.constant 288 : i32
    %add3A_221 = arith.addi %add3A, %add3A_220 : i32
    %lt3A_222 = arith.constant 781 : i32
    %lt3A_223 = arith.cmpi slt, %add3A_221, %lt3A_222 : i32
    %jit3A_224 = arith.constant 0 : i32
    %select_n3A_225 = arith.select %lt3A_223, %add3A_221, %jit3A_224 : i32
    %mul3A_226 = arith.constant 128 : i32
    %mul3A_227 = arith.muli %select_n3A_225, %mul3A_226 : i32
    %multiple_of3A_228 = tpu.assume_multiple %mul3A_227, 128 : i32
    %dma_start3A_229 = arith.constant 0 : i32
    %dma_start3A_230 = tpu.memref_slice %arg2[%multiple_of3A_228, %dma_start3A_229] : memref<100000x128xf32, #tpu.memory_space<hbm>> -> memref<128x128xf32, #tpu.memory_space<hbm>>
    %dma_start3A_231 = arith.constant 0 : i32
    %dma_start3A_232 = tpu.memref_slice %arg2[%multiple_of3A_228, %dma_start3A_231] : memref<100000x128xf32, #tpu.memory_space<hbm>> -> memref<128x128xf32, #tpu.memory_space<hbm>>
    tpu.enqueue_dma source(%dma_start3A_232 : memref<128x128xf32, #tpu.memory_space<hbm>>) target(%arg12 : memref<128x128xf32, #tpu.memory_space<vmem>>) target_semaphore(%arg24 : memref<!tpu.dma_semaphore, #tpu.memory_space<semaphore_mem>>)
    %dma_start3A_233 = tpu.memref_slice %arg3[%multiple_of3A_228] : memref<100000xi32, #tpu.memory_space<hbm>> -> memref<128xi32, #tpu.memory_space<hbm>>
    %dma_start3A_234 = tpu.memref_slice %arg3[%multiple_of3A_228] : memref<100000xi32, #tpu.memory_space<hbm>> -> memref<128xi32, #tpu.memory_space<hbm>>
    tpu.enqueue_dma source(%dma_start3A_234 : memref<128xi32, #tpu.memory_space<hbm>>) target(%arg14 : memref<128xi32, #tpu.memory_space<vmem>>) target_semaphore(%arg24 : memref<!tpu.dma_semaphore, #tpu.memory_space<semaphore_mem>>)
    %dma_wait3A_235 = arith.constant 0 : i32
    %dma_wait3A_236 = tpu.memref_slice %arg2[%multiple_of3A_207, %dma_wait3A_235] : memref<100000x128xf32, #tpu.memory_space<hbm>> -> memref<128x128xf32, #tpu.memory_space<hbm>>
    %dma_wait3A_237 = arith.constant 0 : i32
    %dma_wait3A_238 = tpu.memref_slice %arg2[%multiple_of3A_207, %dma_wait3A_237] : memref<100000x128xf32, #tpu.memory_space<hbm>> -> memref<128x128xf32, #tpu.memory_space<hbm>>
    tpu.wait_dma2 semaphore(%arg23 : memref<!tpu.dma_semaphore, #tpu.memory_space<semaphore_mem>>) src(%dma_wait3A_238 : memref<128x128xf32, #tpu.memory_space<hbm>>) dst(%arg11 : memref<128x128xf32, #tpu.memory_space<vmem>>)
    %dma_wait3A_239 = tpu.memref_slice %arg3[%multiple_of3A_207] : memref<100000xi32, #tpu.memory_space<hbm>> -> memref<128xi32, #tpu.memory_space<hbm>>
    %dma_wait3A_240 = tpu.memref_slice %arg3[%multiple_of3A_207] : memref<100000xi32, #tpu.memory_space<hbm>> -> memref<128xi32, #tpu.memory_space<hbm>>
    tpu.wait_dma2 semaphore(%arg23 : memref<!tpu.dma_semaphore, #tpu.memory_space<semaphore_mem>>) src(%dma_wait3A_240 : memref<128xi32, #tpu.memory_space<hbm>>) dst(%arg13 : memref<128xi32, #tpu.memory_space<vmem>>)
    "tpu.region"() ({
      %run_scoped3A = tpu.sem_alloc : memref<!tpu.dma_semaphore, #tpu.memory_space<semaphore_mem>>
      %dma_start3A_572 = arith.constant 0 : i32
      %dma_start3A_573 = arith.constant 0 : i32
      %dma_start3A_574 = tpu.memref_slice %arg21[%dma_start3A_572, %dma_start3A_573] : memref<1024x128xf32, #tpu.memory_space<vmem_shared>> -> memref<1024x128xf32, #tpu.memory_space<vmem_shared>>
      tpu.enqueue_indirect_dma source(%arg11 : memref<128x128xf32, #tpu.memory_space<vmem>>) target(%dma_start3A_574 : memref<1024x128xf32, #tpu.memory_space<vmem_shared>>) offsets(%arg13 : memref<128xi32, #tpu.memory_space<vmem>>) semaphore(%run_scoped3A : memref<!tpu.dma_semaphore, #tpu.memory_space<semaphore_mem>>) {add = true}
      %dma_wait3A_575 = arith.constant 0 : i32
      %dma_wait3A_576 = arith.constant 0 : i32
      %dma_wait3A_577 = tpu.memref_slice %arg21[%dma_wait3A_575, %dma_wait3A_576] : memref<1024x128xf32, #tpu.memory_space<vmem_shared>> -> memref<1024x128xf32, #tpu.memory_space<vmem_shared>>
      tpu.wait_indirect_dma semaphore(%run_scoped3A : memref<!tpu.dma_semaphore, #tpu.memory_space<semaphore_mem>>) src(%arg11 : memref<128x128xf32, #tpu.memory_space<vmem>>) dst(%dma_wait3A_577 : memref<1024x128xf32, #tpu.memory_space<vmem_shared>>)
      tpu.yield
    }) : () -> ()
    "tpu.region"() ({
      %run_scoped3A = tpu.sem_alloc : memref<!tpu.dma_semaphore, #tpu.memory_space<semaphore_mem>>
      %dma_start3A_572 = arith.constant 0 : i32
      %dma_start3A_573 = arith.constant 0 : i32
      %dma_start3A_574 = tpu.memref_slice %arg22[%dma_start3A_572, %dma_start3A_573] : memref<1024x128xf32, #tpu.memory_space<vmem_shared>> -> memref<1024x128xf32, #tpu.memory_space<vmem_shared>>
      tpu.enqueue_indirect_dma source(%arg17 : memref<128x128xf32, #tpu.memory_space<vmem>>) target(%dma_start3A_574 : memref<1024x128xf32, #tpu.memory_space<vmem_shared>>) offsets(%arg13 : memref<128xi32, #tpu.memory_space<vmem>>) semaphore(%run_scoped3A : memref<!tpu.dma_semaphore, #tpu.memory_space<semaphore_mem>>) {add = true}
      %dma_wait3A_575 = arith.constant 0 : i32
      %dma_wait3A_576 = arith.constant 0 : i32
      %dma_wait3A_577 = tpu.memref_slice %arg22[%dma_wait3A_575, %dma_wait3A_576] : memref<1024x128xf32, #tpu.memory_space<vmem_shared>> -> memref<1024x128xf32, #tpu.memory_space<vmem_shared>>
      tpu.wait_indirect_dma semaphore(%run_scoped3A : memref<!tpu.dma_semaphore, #tpu.memory_space<semaphore_mem>>) src(%arg17 : memref<128x128xf32, #tpu.memory_space<vmem>>) dst(%dma_wait3A_577 : memref<1024x128xf32, #tpu.memory_space<vmem_shared>>)
      tpu.yield
    }) : () -> ()
    %add3A_241 = arith.constant 320 : i32
    %add3A_242 = arith.addi %add3A, %add3A_241 : i32
    %lt3A_243 = arith.constant 781 : i32
    %lt3A_244 = arith.cmpi slt, %add3A_242, %lt3A_243 : i32
    %jit3A_245 = arith.constant 0 : i32
    %select_n3A_246 = arith.select %lt3A_244, %add3A_242, %jit3A_245 : i32
    %mul3A_247 = arith.constant 128 : i32
    %mul3A_248 = arith.muli %select_n3A_246, %mul3A_247 : i32
    %multiple_of3A_249 = tpu.assume_multiple %mul3A_248, 128 : i32
    %dma_start3A_250 = arith.constant 0 : i32
    %dma_start3A_251 = tpu.memref_slice %arg2[%multiple_of3A_249, %dma_start3A_250] : memref<100000x128xf32, #tpu.memory_space<hbm>> -> memref<128x128xf32, #tpu.memory_space<hbm>>
    %dma_start3A_252 = arith.constant 0 : i32
    %dma_start3A_253 = tpu.memref_slice %arg2[%multiple_of3A_249, %dma_start3A_252] : memref<100000x128xf32, #tpu.memory_space<hbm>> -> memref<128x128xf32, #tpu.memory_space<hbm>>
    tpu.enqueue_dma source(%dma_start3A_253 : memref<128x128xf32, #tpu.memory_space<hbm>>) target(%arg11 : memref<128x128xf32, #tpu.memory_space<vmem>>) target_semaphore(%arg23 : memref<!tpu.dma_semaphore, #tpu.memory_space<semaphore_mem>>)
    %dma_start3A_254 = tpu.memref_slice %arg3[%multiple_of3A_249] : memref<100000xi32, #tpu.memory_space<hbm>> -> memref<128xi32, #tpu.memory_space<hbm>>
    %dma_start3A_255 = tpu.memref_slice %arg3[%multiple_of3A_249] : memref<100000xi32, #tpu.memory_space<hbm>> -> memref<128xi32, #tpu.memory_space<hbm>>
    tpu.enqueue_dma source(%dma_start3A_255 : memref<128xi32, #tpu.memory_space<hbm>>) target(%arg13 : memref<128xi32, #tpu.memory_space<vmem>>) target_semaphore(%arg23 : memref<!tpu.dma_semaphore, #tpu.memory_space<semaphore_mem>>)
    %dma_wait3A_256 = arith.constant 0 : i32
    %dma_wait3A_257 = tpu.memref_slice %arg2[%multiple_of3A_228, %dma_wait3A_256] : memref<100000x128xf32, #tpu.memory_space<hbm>> -> memref<128x128xf32, #tpu.memory_space<hbm>>
    %dma_wait3A_258 = arith.constant 0 : i32
    %dma_wait3A_259 = tpu.memref_slice %arg2[%multiple_of3A_228, %dma_wait3A_258] : memref<100000x128xf32, #tpu.memory_space<hbm>> -> memref<128x128xf32, #tpu.memory_space<hbm>>
    tpu.wait_dma2 semaphore(%arg24 : memref<!tpu.dma_semaphore, #tpu.memory_space<semaphore_mem>>) src(%dma_wait3A_259 : memref<128x128xf32, #tpu.memory_space<hbm>>) dst(%arg12 : memref<128x128xf32, #tpu.memory_space<vmem>>)
    %dma_wait3A_260 = tpu.memref_slice %arg3[%multiple_of3A_228] : memref<100000xi32, #tpu.memory_space<hbm>> -> memref<128xi32, #tpu.memory_space<hbm>>
    %dma_wait3A_261 = tpu.memref_slice %arg3[%multiple_of3A_228] : memref<100000xi32, #tpu.memory_space<hbm>> -> memref<128xi32, #tpu.memory_space<hbm>>
    tpu.wait_dma2 semaphore(%arg24 : memref<!tpu.dma_semaphore, #tpu.memory_space<semaphore_mem>>) src(%dma_wait3A_261 : memref<128xi32, #tpu.memory_space<hbm>>) dst(%arg14 : memref<128xi32, #tpu.memory_space<vmem>>)
    "tpu.region"() ({
      %run_scoped3A = tpu.sem_alloc : memref<!tpu.dma_semaphore, #tpu.memory_space<semaphore_mem>>
      %dma_start3A_572 = arith.constant 0 : i32
      %dma_start3A_573 = arith.constant 0 : i32
      %dma_start3A_574 = tpu.memref_slice %arg21[%dma_start3A_572, %dma_start3A_573] : memref<1024x128xf32, #tpu.memory_space<vmem_shared>> -> memref<1024x128xf32, #tpu.memory_space<vmem_shared>>
      tpu.enqueue_indirect_dma source(%arg12 : memref<128x128xf32, #tpu.memory_space<vmem>>) target(%dma_start3A_574 : memref<1024x128xf32, #tpu.memory_space<vmem_shared>>) offsets(%arg14 : memref<128xi32, #tpu.memory_space<vmem>>) semaphore(%run_scoped3A : memref<!tpu.dma_semaphore, #tpu.memory_space<semaphore_mem>>) {add = true}
      %dma_wait3A_575 = arith.constant 0 : i32
      %dma_wait3A_576 = arith.constant 0 : i32
      %dma_wait3A_577 = tpu.memref_slice %arg21[%dma_wait3A_575, %dma_wait3A_576] : memref<1024x128xf32, #tpu.memory_space<vmem_shared>> -> memref<1024x128xf32, #tpu.memory_space<vmem_shared>>
      tpu.wait_indirect_dma semaphore(%run_scoped3A : memref<!tpu.dma_semaphore, #tpu.memory_space<semaphore_mem>>) src(%arg12 : memref<128x128xf32, #tpu.memory_space<vmem>>) dst(%dma_wait3A_577 : memref<1024x128xf32, #tpu.memory_space<vmem_shared>>)
      tpu.yield
    }) : () -> ()
    "tpu.region"() ({
      %run_scoped3A = tpu.sem_alloc : memref<!tpu.dma_semaphore, #tpu.memory_space<semaphore_mem>>
      %dma_start3A_572 = arith.constant 0 : i32
      %dma_start3A_573 = arith.constant 0 : i32
      %dma_start3A_574 = tpu.memref_slice %arg22[%dma_start3A_572, %dma_start3A_573] : memref<1024x128xf32, #tpu.memory_space<vmem_shared>> -> memref<1024x128xf32, #tpu.memory_space<vmem_shared>>
      tpu.enqueue_indirect_dma source(%arg17 : memref<128x128xf32, #tpu.memory_space<vmem>>) target(%dma_start3A_574 : memref<1024x128xf32, #tpu.memory_space<vmem_shared>>) offsets(%arg14 : memref<128xi32, #tpu.memory_space<vmem>>) semaphore(%run_scoped3A : memref<!tpu.dma_semaphore, #tpu.memory_space<semaphore_mem>>) {add = true}
      %dma_wait3A_575 = arith.constant 0 : i32
      %dma_wait3A_576 = arith.constant 0 : i32
      %dma_wait3A_577 = tpu.memref_slice %arg22[%dma_wait3A_575, %dma_wait3A_576] : memref<1024x128xf32, #tpu.memory_space<vmem_shared>> -> memref<1024x128xf32, #tpu.memory_space<vmem_shared>>
      tpu.wait_indirect_dma semaphore(%run_scoped3A : memref<!tpu.dma_semaphore, #tpu.memory_space<semaphore_mem>>) src(%arg17 : memref<128x128xf32, #tpu.memory_space<vmem>>) dst(%dma_wait3A_577 : memref<1024x128xf32, #tpu.memory_space<vmem_shared>>)
      tpu.yield
    }) : () -> ()
    %add3A_262 = arith.constant 352 : i32
    %add3A_263 = arith.addi %add3A, %add3A_262 : i32
    %lt3A_264 = arith.constant 781 : i32
    %lt3A_265 = arith.cmpi slt, %add3A_263, %lt3A_264 : i32
    %jit3A_266 = arith.constant 0 : i32
    %select_n3A_267 = arith.select %lt3A_265, %add3A_263, %jit3A_266 : i32
    %mul3A_268 = arith.constant 128 : i32
    %mul3A_269 = arith.muli %select_n3A_267, %mul3A_268 : i32
    %multiple_of3A_270 = tpu.assume_multiple %mul3A_269, 128 : i32
    %dma_start3A_271 = arith.constant 0 : i32
    %dma_start3A_272 = tpu.memref_slice %arg2[%multiple_of3A_270, %dma_start3A_271] : memref<100000x128xf32, #tpu.memory_space<hbm>> -> memref<128x128xf32, #tpu.memory_space<hbm>>
    %dma_start3A_273 = arith.constant 0 : i32
    %dma_start3A_274 = tpu.memref_slice %arg2[%multiple_of3A_270, %dma_start3A_273] : memref<100000x128xf32, #tpu.memory_space<hbm>> -> memref<128x128xf32, #tpu.memory_space<hbm>>
    tpu.enqueue_dma source(%dma_start3A_274 : memref<128x128xf32, #tpu.memory_space<hbm>>) target(%arg12 : memref<128x128xf32, #tpu.memory_space<vmem>>) target_semaphore(%arg24 : memref<!tpu.dma_semaphore, #tpu.memory_space<semaphore_mem>>)
    %dma_start3A_275 = tpu.memref_slice %arg3[%multiple_of3A_270] : memref<100000xi32, #tpu.memory_space<hbm>> -> memref<128xi32, #tpu.memory_space<hbm>>
    %dma_start3A_276 = tpu.memref_slice %arg3[%multiple_of3A_270] : memref<100000xi32, #tpu.memory_space<hbm>> -> memref<128xi32, #tpu.memory_space<hbm>>
    tpu.enqueue_dma source(%dma_start3A_276 : memref<128xi32, #tpu.memory_space<hbm>>) target(%arg14 : memref<128xi32, #tpu.memory_space<vmem>>) target_semaphore(%arg24 : memref<!tpu.dma_semaphore, #tpu.memory_space<semaphore_mem>>)
    %dma_wait3A_277 = arith.constant 0 : i32
    %dma_wait3A_278 = tpu.memref_slice %arg2[%multiple_of3A_249, %dma_wait3A_277] : memref<100000x128xf32, #tpu.memory_space<hbm>> -> memref<128x128xf32, #tpu.memory_space<hbm>>
    %dma_wait3A_279 = arith.constant 0 : i32
    %dma_wait3A_280 = tpu.memref_slice %arg2[%multiple_of3A_249, %dma_wait3A_279] : memref<100000x128xf32, #tpu.memory_space<hbm>> -> memref<128x128xf32, #tpu.memory_space<hbm>>
    tpu.wait_dma2 semaphore(%arg23 : memref<!tpu.dma_semaphore, #tpu.memory_space<semaphore_mem>>) src(%dma_wait3A_280 : memref<128x128xf32, #tpu.memory_space<hbm>>) dst(%arg11 : memref<128x128xf32, #tpu.memory_space<vmem>>)
    %dma_wait3A_281 = tpu.memref_slice %arg3[%multiple_of3A_249] : memref<100000xi32, #tpu.memory_space<hbm>> -> memref<128xi32, #tpu.memory_space<hbm>>
    %dma_wait3A_282 = tpu.memref_slice %arg3[%multiple_of3A_249] : memref<100000xi32, #tpu.memory_space<hbm>> -> memref<128xi32, #tpu.memory_space<hbm>>
    tpu.wait_dma2 semaphore(%arg23 : memref<!tpu.dma_semaphore, #tpu.memory_space<semaphore_mem>>) src(%dma_wait3A_282 : memref<128xi32, #tpu.memory_space<hbm>>) dst(%arg13 : memref<128xi32, #tpu.memory_space<vmem>>)
    "tpu.region"() ({
      %run_scoped3A = tpu.sem_alloc : memref<!tpu.dma_semaphore, #tpu.memory_space<semaphore_mem>>
      %dma_start3A_572 = arith.constant 0 : i32
      %dma_start3A_573 = arith.constant 0 : i32
      %dma_start3A_574 = tpu.memref_slice %arg21[%dma_start3A_572, %dma_start3A_573] : memref<1024x128xf32, #tpu.memory_space<vmem_shared>> -> memref<1024x128xf32, #tpu.memory_space<vmem_shared>>
      tpu.enqueue_indirect_dma source(%arg11 : memref<128x128xf32, #tpu.memory_space<vmem>>) target(%dma_start3A_574 : memref<1024x128xf32, #tpu.memory_space<vmem_shared>>) offsets(%arg13 : memref<128xi32, #tpu.memory_space<vmem>>) semaphore(%run_scoped3A : memref<!tpu.dma_semaphore, #tpu.memory_space<semaphore_mem>>) {add = true}
      %dma_wait3A_575 = arith.constant 0 : i32
      %dma_wait3A_576 = arith.constant 0 : i32
      %dma_wait3A_577 = tpu.memref_slice %arg21[%dma_wait3A_575, %dma_wait3A_576] : memref<1024x128xf32, #tpu.memory_space<vmem_shared>> -> memref<1024x128xf32, #tpu.memory_space<vmem_shared>>
      tpu.wait_indirect_dma semaphore(%run_scoped3A : memref<!tpu.dma_semaphore, #tpu.memory_space<semaphore_mem>>) src(%arg11 : memref<128x128xf32, #tpu.memory_space<vmem>>) dst(%dma_wait3A_577 : memref<1024x128xf32, #tpu.memory_space<vmem_shared>>)
      tpu.yield
    }) : () -> ()
    "tpu.region"() ({
      %run_scoped3A = tpu.sem_alloc : memref<!tpu.dma_semaphore, #tpu.memory_space<semaphore_mem>>
      %dma_start3A_572 = arith.constant 0 : i32
      %dma_start3A_573 = arith.constant 0 : i32
      %dma_start3A_574 = tpu.memref_slice %arg22[%dma_start3A_572, %dma_start3A_573] : memref<1024x128xf32, #tpu.memory_space<vmem_shared>> -> memref<1024x128xf32, #tpu.memory_space<vmem_shared>>
      tpu.enqueue_indirect_dma source(%arg17 : memref<128x128xf32, #tpu.memory_space<vmem>>) target(%dma_start3A_574 : memref<1024x128xf32, #tpu.memory_space<vmem_shared>>) offsets(%arg13 : memref<128xi32, #tpu.memory_space<vmem>>) semaphore(%run_scoped3A : memref<!tpu.dma_semaphore, #tpu.memory_space<semaphore_mem>>) {add = true}
      %dma_wait3A_575 = arith.constant 0 : i32
      %dma_wait3A_576 = arith.constant 0 : i32
      %dma_wait3A_577 = tpu.memref_slice %arg22[%dma_wait3A_575, %dma_wait3A_576] : memref<1024x128xf32, #tpu.memory_space<vmem_shared>> -> memref<1024x128xf32, #tpu.memory_space<vmem_shared>>
      tpu.wait_indirect_dma semaphore(%run_scoped3A : memref<!tpu.dma_semaphore, #tpu.memory_space<semaphore_mem>>) src(%arg17 : memref<128x128xf32, #tpu.memory_space<vmem>>) dst(%dma_wait3A_577 : memref<1024x128xf32, #tpu.memory_space<vmem_shared>>)
      tpu.yield
    }) : () -> ()
    %add3A_283 = arith.constant 384 : i32
    %add3A_284 = arith.addi %add3A, %add3A_283 : i32
    %lt3A_285 = arith.constant 781 : i32
    %lt3A_286 = arith.cmpi slt, %add3A_284, %lt3A_285 : i32
    %jit3A_287 = arith.constant 0 : i32
    %select_n3A_288 = arith.select %lt3A_286, %add3A_284, %jit3A_287 : i32
    %mul3A_289 = arith.constant 128 : i32
    %mul3A_290 = arith.muli %select_n3A_288, %mul3A_289 : i32
    %multiple_of3A_291 = tpu.assume_multiple %mul3A_290, 128 : i32
    %dma_start3A_292 = arith.constant 0 : i32
    %dma_start3A_293 = tpu.memref_slice %arg2[%multiple_of3A_291, %dma_start3A_292] : memref<100000x128xf32, #tpu.memory_space<hbm>> -> memref<128x128xf32, #tpu.memory_space<hbm>>
    %dma_start3A_294 = arith.constant 0 : i32
    %dma_start3A_295 = tpu.memref_slice %arg2[%multiple_of3A_291, %dma_start3A_294] : memref<100000x128xf32, #tpu.memory_space<hbm>> -> memref<128x128xf32, #tpu.memory_space<hbm>>
    tpu.enqueue_dma source(%dma_start3A_295 : memref<128x128xf32, #tpu.memory_space<hbm>>) target(%arg11 : memref<128x128xf32, #tpu.memory_space<vmem>>) target_semaphore(%arg23 : memref<!tpu.dma_semaphore, #tpu.memory_space<semaphore_mem>>)
    %dma_start3A_296 = tpu.memref_slice %arg3[%multiple_of3A_291] : memref<100000xi32, #tpu.memory_space<hbm>> -> memref<128xi32, #tpu.memory_space<hbm>>
    %dma_start3A_297 = tpu.memref_slice %arg3[%multiple_of3A_291] : memref<100000xi32, #tpu.memory_space<hbm>> -> memref<128xi32, #tpu.memory_space<hbm>>
    tpu.enqueue_dma source(%dma_start3A_297 : memref<128xi32, #tpu.memory_space<hbm>>) target(%arg13 : memref<128xi32, #tpu.memory_space<vmem>>) target_semaphore(%arg23 : memref<!tpu.dma_semaphore, #tpu.memory_space<semaphore_mem>>)
    %dma_wait3A_298 = arith.constant 0 : i32
    %dma_wait3A_299 = tpu.memref_slice %arg2[%multiple_of3A_270, %dma_wait3A_298] : memref<100000x128xf32, #tpu.memory_space<hbm>> -> memref<128x128xf32, #tpu.memory_space<hbm>>
    %dma_wait3A_300 = arith.constant 0 : i32
    %dma_wait3A_301 = tpu.memref_slice %arg2[%multiple_of3A_270, %dma_wait3A_300] : memref<100000x128xf32, #tpu.memory_space<hbm>> -> memref<128x128xf32, #tpu.memory_space<hbm>>
    tpu.wait_dma2 semaphore(%arg24 : memref<!tpu.dma_semaphore, #tpu.memory_space<semaphore_mem>>) src(%dma_wait3A_301 : memref<128x128xf32, #tpu.memory_space<hbm>>) dst(%arg12 : memref<128x128xf32, #tpu.memory_space<vmem>>)
    %dma_wait3A_302 = tpu.memref_slice %arg3[%multiple_of3A_270] : memref<100000xi32, #tpu.memory_space<hbm>> -> memref<128xi32, #tpu.memory_space<hbm>>
    %dma_wait3A_303 = tpu.memref_slice %arg3[%multiple_of3A_270] : memref<100000xi32, #tpu.memory_space<hbm>> -> memref<128xi32, #tpu.memory_space<hbm>>
    tpu.wait_dma2 semaphore(%arg24 : memref<!tpu.dma_semaphore, #tpu.memory_space<semaphore_mem>>) src(%dma_wait3A_303 : memref<128xi32, #tpu.memory_space<hbm>>) dst(%arg14 : memref<128xi32, #tpu.memory_space<vmem>>)
    "tpu.region"() ({
      %run_scoped3A = tpu.sem_alloc : memref<!tpu.dma_semaphore, #tpu.memory_space<semaphore_mem>>
      %dma_start3A_572 = arith.constant 0 : i32
      %dma_start3A_573 = arith.constant 0 : i32
      %dma_start3A_574 = tpu.memref_slice %arg21[%dma_start3A_572, %dma_start3A_573] : memref<1024x128xf32, #tpu.memory_space<vmem_shared>> -> memref<1024x128xf32, #tpu.memory_space<vmem_shared>>
      tpu.enqueue_indirect_dma source(%arg12 : memref<128x128xf32, #tpu.memory_space<vmem>>) target(%dma_start3A_574 : memref<1024x128xf32, #tpu.memory_space<vmem_shared>>) offsets(%arg14 : memref<128xi32, #tpu.memory_space<vmem>>) semaphore(%run_scoped3A : memref<!tpu.dma_semaphore, #tpu.memory_space<semaphore_mem>>) {add = true}
      %dma_wait3A_575 = arith.constant 0 : i32
      %dma_wait3A_576 = arith.constant 0 : i32
      %dma_wait3A_577 = tpu.memref_slice %arg21[%dma_wait3A_575, %dma_wait3A_576] : memref<1024x128xf32, #tpu.memory_space<vmem_shared>> -> memref<1024x128xf32, #tpu.memory_space<vmem_shared>>
      tpu.wait_indirect_dma semaphore(%run_scoped3A : memref<!tpu.dma_semaphore, #tpu.memory_space<semaphore_mem>>) src(%arg12 : memref<128x128xf32, #tpu.memory_space<vmem>>) dst(%dma_wait3A_577 : memref<1024x128xf32, #tpu.memory_space<vmem_shared>>)
      tpu.yield
    }) : () -> ()
    "tpu.region"() ({
      %run_scoped3A = tpu.sem_alloc : memref<!tpu.dma_semaphore, #tpu.memory_space<semaphore_mem>>
      %dma_start3A_572 = arith.constant 0 : i32
      %dma_start3A_573 = arith.constant 0 : i32
      %dma_start3A_574 = tpu.memref_slice %arg22[%dma_start3A_572, %dma_start3A_573] : memref<1024x128xf32, #tpu.memory_space<vmem_shared>> -> memref<1024x128xf32, #tpu.memory_space<vmem_shared>>
      tpu.enqueue_indirect_dma source(%arg17 : memref<128x128xf32, #tpu.memory_space<vmem>>) target(%dma_start3A_574 : memref<1024x128xf32, #tpu.memory_space<vmem_shared>>) offsets(%arg14 : memref<128xi32, #tpu.memory_space<vmem>>) semaphore(%run_scoped3A : memref<!tpu.dma_semaphore, #tpu.memory_space<semaphore_mem>>) {add = true}
      %dma_wait3A_575 = arith.constant 0 : i32
      %dma_wait3A_576 = arith.constant 0 : i32
      %dma_wait3A_577 = tpu.memref_slice %arg22[%dma_wait3A_575, %dma_wait3A_576] : memref<1024x128xf32, #tpu.memory_space<vmem_shared>> -> memref<1024x128xf32, #tpu.memory_space<vmem_shared>>
      tpu.wait_indirect_dma semaphore(%run_scoped3A : memref<!tpu.dma_semaphore, #tpu.memory_space<semaphore_mem>>) src(%arg17 : memref<128x128xf32, #tpu.memory_space<vmem>>) dst(%dma_wait3A_577 : memref<1024x128xf32, #tpu.memory_space<vmem_shared>>)
      tpu.yield
    }) : () -> ()
    %add3A_304 = arith.constant 416 : i32
    %add3A_305 = arith.addi %add3A, %add3A_304 : i32
    %lt3A_306 = arith.constant 781 : i32
    %lt3A_307 = arith.cmpi slt, %add3A_305, %lt3A_306 : i32
    %jit3A_308 = arith.constant 0 : i32
    %select_n3A_309 = arith.select %lt3A_307, %add3A_305, %jit3A_308 : i32
    %mul3A_310 = arith.constant 128 : i32
    %mul3A_311 = arith.muli %select_n3A_309, %mul3A_310 : i32
    %multiple_of3A_312 = tpu.assume_multiple %mul3A_311, 128 : i32
    %dma_start3A_313 = arith.constant 0 : i32
    %dma_start3A_314 = tpu.memref_slice %arg2[%multiple_of3A_312, %dma_start3A_313] : memref<100000x128xf32, #tpu.memory_space<hbm>> -> memref<128x128xf32, #tpu.memory_space<hbm>>
    %dma_start3A_315 = arith.constant 0 : i32
    %dma_start3A_316 = tpu.memref_slice %arg2[%multiple_of3A_312, %dma_start3A_315] : memref<100000x128xf32, #tpu.memory_space<hbm>> -> memref<128x128xf32, #tpu.memory_space<hbm>>
    tpu.enqueue_dma source(%dma_start3A_316 : memref<128x128xf32, #tpu.memory_space<hbm>>) target(%arg12 : memref<128x128xf32, #tpu.memory_space<vmem>>) target_semaphore(%arg24 : memref<!tpu.dma_semaphore, #tpu.memory_space<semaphore_mem>>)
    %dma_start3A_317 = tpu.memref_slice %arg3[%multiple_of3A_312] : memref<100000xi32, #tpu.memory_space<hbm>> -> memref<128xi32, #tpu.memory_space<hbm>>
    %dma_start3A_318 = tpu.memref_slice %arg3[%multiple_of3A_312] : memref<100000xi32, #tpu.memory_space<hbm>> -> memref<128xi32, #tpu.memory_space<hbm>>
    tpu.enqueue_dma source(%dma_start3A_318 : memref<128xi32, #tpu.memory_space<hbm>>) target(%arg14 : memref<128xi32, #tpu.memory_space<vmem>>) target_semaphore(%arg24 : memref<!tpu.dma_semaphore, #tpu.memory_space<semaphore_mem>>)
    %dma_wait3A_319 = arith.constant 0 : i32
    %dma_wait3A_320 = tpu.memref_slice %arg2[%multiple_of3A_291, %dma_wait3A_319] : memref<100000x128xf32, #tpu.memory_space<hbm>> -> memref<128x128xf32, #tpu.memory_space<hbm>>
    %dma_wait3A_321 = arith.constant 0 : i32
    %dma_wait3A_322 = tpu.memref_slice %arg2[%multiple_of3A_291, %dma_wait3A_321] : memref<100000x128xf32, #tpu.memory_space<hbm>> -> memref<128x128xf32, #tpu.memory_space<hbm>>
    tpu.wait_dma2 semaphore(%arg23 : memref<!tpu.dma_semaphore, #tpu.memory_space<semaphore_mem>>) src(%dma_wait3A_322 : memref<128x128xf32, #tpu.memory_space<hbm>>) dst(%arg11 : memref<128x128xf32, #tpu.memory_space<vmem>>)
    %dma_wait3A_323 = tpu.memref_slice %arg3[%multiple_of3A_291] : memref<100000xi32, #tpu.memory_space<hbm>> -> memref<128xi32, #tpu.memory_space<hbm>>
    %dma_wait3A_324 = tpu.memref_slice %arg3[%multiple_of3A_291] : memref<100000xi32, #tpu.memory_space<hbm>> -> memref<128xi32, #tpu.memory_space<hbm>>
    tpu.wait_dma2 semaphore(%arg23 : memref<!tpu.dma_semaphore, #tpu.memory_space<semaphore_mem>>) src(%dma_wait3A_324 : memref<128xi32, #tpu.memory_space<hbm>>) dst(%arg13 : memref<128xi32, #tpu.memory_space<vmem>>)
    "tpu.region"() ({
      %run_scoped3A = tpu.sem_alloc : memref<!tpu.dma_semaphore, #tpu.memory_space<semaphore_mem>>
      %dma_start3A_572 = arith.constant 0 : i32
      %dma_start3A_573 = arith.constant 0 : i32
      %dma_start3A_574 = tpu.memref_slice %arg21[%dma_start3A_572, %dma_start3A_573] : memref<1024x128xf32, #tpu.memory_space<vmem_shared>> -> memref<1024x128xf32, #tpu.memory_space<vmem_shared>>
      tpu.enqueue_indirect_dma source(%arg11 : memref<128x128xf32, #tpu.memory_space<vmem>>) target(%dma_start3A_574 : memref<1024x128xf32, #tpu.memory_space<vmem_shared>>) offsets(%arg13 : memref<128xi32, #tpu.memory_space<vmem>>) semaphore(%run_scoped3A : memref<!tpu.dma_semaphore, #tpu.memory_space<semaphore_mem>>) {add = true}
      %dma_wait3A_575 = arith.constant 0 : i32
      %dma_wait3A_576 = arith.constant 0 : i32
      %dma_wait3A_577 = tpu.memref_slice %arg21[%dma_wait3A_575, %dma_wait3A_576] : memref<1024x128xf32, #tpu.memory_space<vmem_shared>> -> memref<1024x128xf32, #tpu.memory_space<vmem_shared>>
      tpu.wait_indirect_dma semaphore(%run_scoped3A : memref<!tpu.dma_semaphore, #tpu.memory_space<semaphore_mem>>) src(%arg11 : memref<128x128xf32, #tpu.memory_space<vmem>>) dst(%dma_wait3A_577 : memref<1024x128xf32, #tpu.memory_space<vmem_shared>>)
      tpu.yield
    }) : () -> ()
    "tpu.region"() ({
      %run_scoped3A = tpu.sem_alloc : memref<!tpu.dma_semaphore, #tpu.memory_space<semaphore_mem>>
      %dma_start3A_572 = arith.constant 0 : i32
      %dma_start3A_573 = arith.constant 0 : i32
      %dma_start3A_574 = tpu.memref_slice %arg22[%dma_start3A_572, %dma_start3A_573] : memref<1024x128xf32, #tpu.memory_space<vmem_shared>> -> memref<1024x128xf32, #tpu.memory_space<vmem_shared>>
      tpu.enqueue_indirect_dma source(%arg17 : memref<128x128xf32, #tpu.memory_space<vmem>>) target(%dma_start3A_574 : memref<1024x128xf32, #tpu.memory_space<vmem_shared>>) offsets(%arg13 : memref<128xi32, #tpu.memory_space<vmem>>) semaphore(%run_scoped3A : memref<!tpu.dma_semaphore, #tpu.memory_space<semaphore_mem>>) {add = true}
      %dma_wait3A_575 = arith.constant 0 : i32
      %dma_wait3A_576 = arith.constant 0 : i32
      %dma_wait3A_577 = tpu.memref_slice %arg22[%dma_wait3A_575, %dma_wait3A_576] : memref<1024x128xf32, #tpu.memory_space<vmem_shared>> -> memref<1024x128xf32, #tpu.memory_space<vmem_shared>>
      tpu.wait_indirect_dma semaphore(%run_scoped3A : memref<!tpu.dma_semaphore, #tpu.memory_space<semaphore_mem>>) src(%arg17 : memref<128x128xf32, #tpu.memory_space<vmem>>) dst(%dma_wait3A_577 : memref<1024x128xf32, #tpu.memory_space<vmem_shared>>)
      tpu.yield
    }) : () -> ()
    %add3A_325 = arith.constant 448 : i32
    %add3A_326 = arith.addi %add3A, %add3A_325 : i32
    %lt3A_327 = arith.constant 781 : i32
    %lt3A_328 = arith.cmpi slt, %add3A_326, %lt3A_327 : i32
    %jit3A_329 = arith.constant 0 : i32
    %select_n3A_330 = arith.select %lt3A_328, %add3A_326, %jit3A_329 : i32
    %mul3A_331 = arith.constant 128 : i32
    %mul3A_332 = arith.muli %select_n3A_330, %mul3A_331 : i32
    %multiple_of3A_333 = tpu.assume_multiple %mul3A_332, 128 : i32
    %dma_start3A_334 = arith.constant 0 : i32
    %dma_start3A_335 = tpu.memref_slice %arg2[%multiple_of3A_333, %dma_start3A_334] : memref<100000x128xf32, #tpu.memory_space<hbm>> -> memref<128x128xf32, #tpu.memory_space<hbm>>
    %dma_start3A_336 = arith.constant 0 : i32
    %dma_start3A_337 = tpu.memref_slice %arg2[%multiple_of3A_333, %dma_start3A_336] : memref<100000x128xf32, #tpu.memory_space<hbm>> -> memref<128x128xf32, #tpu.memory_space<hbm>>
    tpu.enqueue_dma source(%dma_start3A_337 : memref<128x128xf32, #tpu.memory_space<hbm>>) target(%arg11 : memref<128x128xf32, #tpu.memory_space<vmem>>) target_semaphore(%arg23 : memref<!tpu.dma_semaphore, #tpu.memory_space<semaphore_mem>>)
    %dma_start3A_338 = tpu.memref_slice %arg3[%multiple_of3A_333] : memref<100000xi32, #tpu.memory_space<hbm>> -> memref<128xi32, #tpu.memory_space<hbm>>
    %dma_start3A_339 = tpu.memref_slice %arg3[%multiple_of3A_333] : memref<100000xi32, #tpu.memory_space<hbm>> -> memref<128xi32, #tpu.memory_space<hbm>>
    tpu.enqueue_dma source(%dma_start3A_339 : memref<128xi32, #tpu.memory_space<hbm>>) target(%arg13 : memref<128xi32, #tpu.memory_space<vmem>>) target_semaphore(%arg23 : memref<!tpu.dma_semaphore, #tpu.memory_space<semaphore_mem>>)
    %dma_wait3A_340 = arith.constant 0 : i32
    %dma_wait3A_341 = tpu.memref_slice %arg2[%multiple_of3A_312, %dma_wait3A_340] : memref<100000x128xf32, #tpu.memory_space<hbm>> -> memref<128x128xf32, #tpu.memory_space<hbm>>
    %dma_wait3A_342 = arith.constant 0 : i32
    %dma_wait3A_343 = tpu.memref_slice %arg2[%multiple_of3A_312, %dma_wait3A_342] : memref<100000x128xf32, #tpu.memory_space<hbm>> -> memref<128x128xf32, #tpu.memory_space<hbm>>
    tpu.wait_dma2 semaphore(%arg24 : memref<!tpu.dma_semaphore, #tpu.memory_space<semaphore_mem>>) src(%dma_wait3A_343 : memref<128x128xf32, #tpu.memory_space<hbm>>) dst(%arg12 : memref<128x128xf32, #tpu.memory_space<vmem>>)
    %dma_wait3A_344 = tpu.memref_slice %arg3[%multiple_of3A_312] : memref<100000xi32, #tpu.memory_space<hbm>> -> memref<128xi32, #tpu.memory_space<hbm>>
    %dma_wait3A_345 = tpu.memref_slice %arg3[%multiple_of3A_312] : memref<100000xi32, #tpu.memory_space<hbm>> -> memref<128xi32, #tpu.memory_space<hbm>>
    tpu.wait_dma2 semaphore(%arg24 : memref<!tpu.dma_semaphore, #tpu.memory_space<semaphore_mem>>) src(%dma_wait3A_345 : memref<128xi32, #tpu.memory_space<hbm>>) dst(%arg14 : memref<128xi32, #tpu.memory_space<vmem>>)
    "tpu.region"() ({
      %run_scoped3A = tpu.sem_alloc : memref<!tpu.dma_semaphore, #tpu.memory_space<semaphore_mem>>
      %dma_start3A_572 = arith.constant 0 : i32
      %dma_start3A_573 = arith.constant 0 : i32
      %dma_start3A_574 = tpu.memref_slice %arg21[%dma_start3A_572, %dma_start3A_573] : memref<1024x128xf32, #tpu.memory_space<vmem_shared>> -> memref<1024x128xf32, #tpu.memory_space<vmem_shared>>
      tpu.enqueue_indirect_dma source(%arg12 : memref<128x128xf32, #tpu.memory_space<vmem>>) target(%dma_start3A_574 : memref<1024x128xf32, #tpu.memory_space<vmem_shared>>) offsets(%arg14 : memref<128xi32, #tpu.memory_space<vmem>>) semaphore(%run_scoped3A : memref<!tpu.dma_semaphore, #tpu.memory_space<semaphore_mem>>) {add = true}
      %dma_wait3A_575 = arith.constant 0 : i32
      %dma_wait3A_576 = arith.constant 0 : i32
      %dma_wait3A_577 = tpu.memref_slice %arg21[%dma_wait3A_575, %dma_wait3A_576] : memref<1024x128xf32, #tpu.memory_space<vmem_shared>> -> memref<1024x128xf32, #tpu.memory_space<vmem_shared>>
      tpu.wait_indirect_dma semaphore(%run_scoped3A : memref<!tpu.dma_semaphore, #tpu.memory_space<semaphore_mem>>) src(%arg12 : memref<128x128xf32, #tpu.memory_space<vmem>>) dst(%dma_wait3A_577 : memref<1024x128xf32, #tpu.memory_space<vmem_shared>>)
      tpu.yield
    }) : () -> ()
    "tpu.region"() ({
      %run_scoped3A = tpu.sem_alloc : memref<!tpu.dma_semaphore, #tpu.memory_space<semaphore_mem>>
      %dma_start3A_572 = arith.constant 0 : i32
      %dma_start3A_573 = arith.constant 0 : i32
      %dma_start3A_574 = tpu.memref_slice %arg22[%dma_start3A_572, %dma_start3A_573] : memref<1024x128xf32, #tpu.memory_space<vmem_shared>> -> memref<1024x128xf32, #tpu.memory_space<vmem_shared>>
      tpu.enqueue_indirect_dma source(%arg17 : memref<128x128xf32, #tpu.memory_space<vmem>>) target(%dma_start3A_574 : memref<1024x128xf32, #tpu.memory_space<vmem_shared>>) offsets(%arg14 : memref<128xi32, #tpu.memory_space<vmem>>) semaphore(%run_scoped3A : memref<!tpu.dma_semaphore, #tpu.memory_space<semaphore_mem>>) {add = true}
      %dma_wait3A_575 = arith.constant 0 : i32
      %dma_wait3A_576 = arith.constant 0 : i32
      %dma_wait3A_577 = tpu.memref_slice %arg22[%dma_wait3A_575, %dma_wait3A_576] : memref<1024x128xf32, #tpu.memory_space<vmem_shared>> -> memref<1024x128xf32, #tpu.memory_space<vmem_shared>>
      tpu.wait_indirect_dma semaphore(%run_scoped3A : memref<!tpu.dma_semaphore, #tpu.memory_space<semaphore_mem>>) src(%arg17 : memref<128x128xf32, #tpu.memory_space<vmem>>) dst(%dma_wait3A_577 : memref<1024x128xf32, #tpu.memory_space<vmem_shared>>)
      tpu.yield
    }) : () -> ()
    %add3A_346 = arith.constant 480 : i32
    %add3A_347 = arith.addi %add3A, %add3A_346 : i32
    %lt3A_348 = arith.constant 781 : i32
    %lt3A_349 = arith.cmpi slt, %add3A_347, %lt3A_348 : i32
    %jit3A_350 = arith.constant 0 : i32
    %select_n3A_351 = arith.select %lt3A_349, %add3A_347, %jit3A_350 : i32
    %mul3A_352 = arith.constant 128 : i32
    %mul3A_353 = arith.muli %select_n3A_351, %mul3A_352 : i32
    %multiple_of3A_354 = tpu.assume_multiple %mul3A_353, 128 : i32
    %dma_start3A_355 = arith.constant 0 : i32
    %dma_start3A_356 = tpu.memref_slice %arg2[%multiple_of3A_354, %dma_start3A_355] : memref<100000x128xf32, #tpu.memory_space<hbm>> -> memref<128x128xf32, #tpu.memory_space<hbm>>
    %dma_start3A_357 = arith.constant 0 : i32
    %dma_start3A_358 = tpu.memref_slice %arg2[%multiple_of3A_354, %dma_start3A_357] : memref<100000x128xf32, #tpu.memory_space<hbm>> -> memref<128x128xf32, #tpu.memory_space<hbm>>
    tpu.enqueue_dma source(%dma_start3A_358 : memref<128x128xf32, #tpu.memory_space<hbm>>) target(%arg12 : memref<128x128xf32, #tpu.memory_space<vmem>>) target_semaphore(%arg24 : memref<!tpu.dma_semaphore, #tpu.memory_space<semaphore_mem>>)
    %dma_start3A_359 = tpu.memref_slice %arg3[%multiple_of3A_354] : memref<100000xi32, #tpu.memory_space<hbm>> -> memref<128xi32, #tpu.memory_space<hbm>>
    %dma_start3A_360 = tpu.memref_slice %arg3[%multiple_of3A_354] : memref<100000xi32, #tpu.memory_space<hbm>> -> memref<128xi32, #tpu.memory_space<hbm>>
    tpu.enqueue_dma source(%dma_start3A_360 : memref<128xi32, #tpu.memory_space<hbm>>) target(%arg14 : memref<128xi32, #tpu.memory_space<vmem>>) target_semaphore(%arg24 : memref<!tpu.dma_semaphore, #tpu.memory_space<semaphore_mem>>)
    %dma_wait3A_361 = arith.constant 0 : i32
    %dma_wait3A_362 = tpu.memref_slice %arg2[%multiple_of3A_333, %dma_wait3A_361] : memref<100000x128xf32, #tpu.memory_space<hbm>> -> memref<128x128xf32, #tpu.memory_space<hbm>>
    %dma_wait3A_363 = arith.constant 0 : i32
    %dma_wait3A_364 = tpu.memref_slice %arg2[%multiple_of3A_333, %dma_wait3A_363] : memref<100000x128xf32, #tpu.memory_space<hbm>> -> memref<128x128xf32, #tpu.memory_space<hbm>>
    tpu.wait_dma2 semaphore(%arg23 : memref<!tpu.dma_semaphore, #tpu.memory_space<semaphore_mem>>) src(%dma_wait3A_364 : memref<128x128xf32, #tpu.memory_space<hbm>>) dst(%arg11 : memref<128x128xf32, #tpu.memory_space<vmem>>)
    %dma_wait3A_365 = tpu.memref_slice %arg3[%multiple_of3A_333] : memref<100000xi32, #tpu.memory_space<hbm>> -> memref<128xi32, #tpu.memory_space<hbm>>
    %dma_wait3A_366 = tpu.memref_slice %arg3[%multiple_of3A_333] : memref<100000xi32, #tpu.memory_space<hbm>> -> memref<128xi32, #tpu.memory_space<hbm>>
    tpu.wait_dma2 semaphore(%arg23 : memref<!tpu.dma_semaphore, #tpu.memory_space<semaphore_mem>>) src(%dma_wait3A_366 : memref<128xi32, #tpu.memory_space<hbm>>) dst(%arg13 : memref<128xi32, #tpu.memory_space<vmem>>)
    "tpu.region"() ({
      %run_scoped3A = tpu.sem_alloc : memref<!tpu.dma_semaphore, #tpu.memory_space<semaphore_mem>>
      %dma_start3A_572 = arith.constant 0 : i32
      %dma_start3A_573 = arith.constant 0 : i32
      %dma_start3A_574 = tpu.memref_slice %arg21[%dma_start3A_572, %dma_start3A_573] : memref<1024x128xf32, #tpu.memory_space<vmem_shared>> -> memref<1024x128xf32, #tpu.memory_space<vmem_shared>>
      tpu.enqueue_indirect_dma source(%arg11 : memref<128x128xf32, #tpu.memory_space<vmem>>) target(%dma_start3A_574 : memref<1024x128xf32, #tpu.memory_space<vmem_shared>>) offsets(%arg13 : memref<128xi32, #tpu.memory_space<vmem>>) semaphore(%run_scoped3A : memref<!tpu.dma_semaphore, #tpu.memory_space<semaphore_mem>>) {add = true}
      %dma_wait3A_575 = arith.constant 0 : i32
      %dma_wait3A_576 = arith.constant 0 : i32
      %dma_wait3A_577 = tpu.memref_slice %arg21[%dma_wait3A_575, %dma_wait3A_576] : memref<1024x128xf32, #tpu.memory_space<vmem_shared>> -> memref<1024x128xf32, #tpu.memory_space<vmem_shared>>
      tpu.wait_indirect_dma semaphore(%run_scoped3A : memref<!tpu.dma_semaphore, #tpu.memory_space<semaphore_mem>>) src(%arg11 : memref<128x128xf32, #tpu.memory_space<vmem>>) dst(%dma_wait3A_577 : memref<1024x128xf32, #tpu.memory_space<vmem_shared>>)
      tpu.yield
    }) : () -> ()
    "tpu.region"() ({
      %run_scoped3A = tpu.sem_alloc : memref<!tpu.dma_semaphore, #tpu.memory_space<semaphore_mem>>
      %dma_start3A_572 = arith.constant 0 : i32
      %dma_start3A_573 = arith.constant 0 : i32
      %dma_start3A_574 = tpu.memref_slice %arg22[%dma_start3A_572, %dma_start3A_573] : memref<1024x128xf32, #tpu.memory_space<vmem_shared>> -> memref<1024x128xf32, #tpu.memory_space<vmem_shared>>
      tpu.enqueue_indirect_dma source(%arg17 : memref<128x128xf32, #tpu.memory_space<vmem>>) target(%dma_start3A_574 : memref<1024x128xf32, #tpu.memory_space<vmem_shared>>) offsets(%arg13 : memref<128xi32, #tpu.memory_space<vmem>>) semaphore(%run_scoped3A : memref<!tpu.dma_semaphore, #tpu.memory_space<semaphore_mem>>) {add = true}
      %dma_wait3A_575 = arith.constant 0 : i32
      %dma_wait3A_576 = arith.constant 0 : i32
      %dma_wait3A_577 = tpu.memref_slice %arg22[%dma_wait3A_575, %dma_wait3A_576] : memref<1024x128xf32, #tpu.memory_space<vmem_shared>> -> memref<1024x128xf32, #tpu.memory_space<vmem_shared>>
      tpu.wait_indirect_dma semaphore(%run_scoped3A : memref<!tpu.dma_semaphore, #tpu.memory_space<semaphore_mem>>) src(%arg17 : memref<128x128xf32, #tpu.memory_space<vmem>>) dst(%dma_wait3A_577 : memref<1024x128xf32, #tpu.memory_space<vmem_shared>>)
      tpu.yield
    }) : () -> ()
    %add3A_367 = arith.constant 512 : i32
    %add3A_368 = arith.addi %add3A, %add3A_367 : i32
    %lt3A_369 = arith.constant 781 : i32
    %lt3A_370 = arith.cmpi slt, %add3A_368, %lt3A_369 : i32
    %jit3A_371 = arith.constant 0 : i32
    %select_n3A_372 = arith.select %lt3A_370, %add3A_368, %jit3A_371 : i32
    %mul3A_373 = arith.constant 128 : i32
    %mul3A_374 = arith.muli %select_n3A_372, %mul3A_373 : i32
    %multiple_of3A_375 = tpu.assume_multiple %mul3A_374, 128 : i32
    %dma_start3A_376 = arith.constant 0 : i32
    %dma_start3A_377 = tpu.memref_slice %arg2[%multiple_of3A_375, %dma_start3A_376] : memref<100000x128xf32, #tpu.memory_space<hbm>> -> memref<128x128xf32, #tpu.memory_space<hbm>>
    %dma_start3A_378 = arith.constant 0 : i32
    %dma_start3A_379 = tpu.memref_slice %arg2[%multiple_of3A_375, %dma_start3A_378] : memref<100000x128xf32, #tpu.memory_space<hbm>> -> memref<128x128xf32, #tpu.memory_space<hbm>>
    tpu.enqueue_dma source(%dma_start3A_379 : memref<128x128xf32, #tpu.memory_space<hbm>>) target(%arg11 : memref<128x128xf32, #tpu.memory_space<vmem>>) target_semaphore(%arg23 : memref<!tpu.dma_semaphore, #tpu.memory_space<semaphore_mem>>)
    %dma_start3A_380 = tpu.memref_slice %arg3[%multiple_of3A_375] : memref<100000xi32, #tpu.memory_space<hbm>> -> memref<128xi32, #tpu.memory_space<hbm>>
    %dma_start3A_381 = tpu.memref_slice %arg3[%multiple_of3A_375] : memref<100000xi32, #tpu.memory_space<hbm>> -> memref<128xi32, #tpu.memory_space<hbm>>
    tpu.enqueue_dma source(%dma_start3A_381 : memref<128xi32, #tpu.memory_space<hbm>>) target(%arg13 : memref<128xi32, #tpu.memory_space<vmem>>) target_semaphore(%arg23 : memref<!tpu.dma_semaphore, #tpu.memory_space<semaphore_mem>>)
    %dma_wait3A_382 = arith.constant 0 : i32
    %dma_wait3A_383 = tpu.memref_slice %arg2[%multiple_of3A_354, %dma_wait3A_382] : memref<100000x128xf32, #tpu.memory_space<hbm>> -> memref<128x128xf32, #tpu.memory_space<hbm>>
    %dma_wait3A_384 = arith.constant 0 : i32
    %dma_wait3A_385 = tpu.memref_slice %arg2[%multiple_of3A_354, %dma_wait3A_384] : memref<100000x128xf32, #tpu.memory_space<hbm>> -> memref<128x128xf32, #tpu.memory_space<hbm>>
    tpu.wait_dma2 semaphore(%arg24 : memref<!tpu.dma_semaphore, #tpu.memory_space<semaphore_mem>>) src(%dma_wait3A_385 : memref<128x128xf32, #tpu.memory_space<hbm>>) dst(%arg12 : memref<128x128xf32, #tpu.memory_space<vmem>>)
    %dma_wait3A_386 = tpu.memref_slice %arg3[%multiple_of3A_354] : memref<100000xi32, #tpu.memory_space<hbm>> -> memref<128xi32, #tpu.memory_space<hbm>>
    %dma_wait3A_387 = tpu.memref_slice %arg3[%multiple_of3A_354] : memref<100000xi32, #tpu.memory_space<hbm>> -> memref<128xi32, #tpu.memory_space<hbm>>
    tpu.wait_dma2 semaphore(%arg24 : memref<!tpu.dma_semaphore, #tpu.memory_space<semaphore_mem>>) src(%dma_wait3A_387 : memref<128xi32, #tpu.memory_space<hbm>>) dst(%arg14 : memref<128xi32, #tpu.memory_space<vmem>>)
    "tpu.region"() ({
      %run_scoped3A = tpu.sem_alloc : memref<!tpu.dma_semaphore, #tpu.memory_space<semaphore_mem>>
      %dma_start3A_572 = arith.constant 0 : i32
      %dma_start3A_573 = arith.constant 0 : i32
      %dma_start3A_574 = tpu.memref_slice %arg21[%dma_start3A_572, %dma_start3A_573] : memref<1024x128xf32, #tpu.memory_space<vmem_shared>> -> memref<1024x128xf32, #tpu.memory_space<vmem_shared>>
      tpu.enqueue_indirect_dma source(%arg12 : memref<128x128xf32, #tpu.memory_space<vmem>>) target(%dma_start3A_574 : memref<1024x128xf32, #tpu.memory_space<vmem_shared>>) offsets(%arg14 : memref<128xi32, #tpu.memory_space<vmem>>) semaphore(%run_scoped3A : memref<!tpu.dma_semaphore, #tpu.memory_space<semaphore_mem>>) {add = true}
      %dma_wait3A_575 = arith.constant 0 : i32
      %dma_wait3A_576 = arith.constant 0 : i32
      %dma_wait3A_577 = tpu.memref_slice %arg21[%dma_wait3A_575, %dma_wait3A_576] : memref<1024x128xf32, #tpu.memory_space<vmem_shared>> -> memref<1024x128xf32, #tpu.memory_space<vmem_shared>>
      tpu.wait_indirect_dma semaphore(%run_scoped3A : memref<!tpu.dma_semaphore, #tpu.memory_space<semaphore_mem>>) src(%arg12 : memref<128x128xf32, #tpu.memory_space<vmem>>) dst(%dma_wait3A_577 : memref<1024x128xf32, #tpu.memory_space<vmem_shared>>)
      tpu.yield
    }) : () -> ()
    "tpu.region"() ({
      %run_scoped3A = tpu.sem_alloc : memref<!tpu.dma_semaphore, #tpu.memory_space<semaphore_mem>>
      %dma_start3A_572 = arith.constant 0 : i32
      %dma_start3A_573 = arith.constant 0 : i32
      %dma_start3A_574 = tpu.memref_slice %arg22[%dma_start3A_572, %dma_start3A_573] : memref<1024x128xf32, #tpu.memory_space<vmem_shared>> -> memref<1024x128xf32, #tpu.memory_space<vmem_shared>>
      tpu.enqueue_indirect_dma source(%arg17 : memref<128x128xf32, #tpu.memory_space<vmem>>) target(%dma_start3A_574 : memref<1024x128xf32, #tpu.memory_space<vmem_shared>>) offsets(%arg14 : memref<128xi32, #tpu.memory_space<vmem>>) semaphore(%run_scoped3A : memref<!tpu.dma_semaphore, #tpu.memory_space<semaphore_mem>>) {add = true}
      %dma_wait3A_575 = arith.constant 0 : i32
      %dma_wait3A_576 = arith.constant 0 : i32
      %dma_wait3A_577 = tpu.memref_slice %arg22[%dma_wait3A_575, %dma_wait3A_576] : memref<1024x128xf32, #tpu.memory_space<vmem_shared>> -> memref<1024x128xf32, #tpu.memory_space<vmem_shared>>
      tpu.wait_indirect_dma semaphore(%run_scoped3A : memref<!tpu.dma_semaphore, #tpu.memory_space<semaphore_mem>>) src(%arg17 : memref<128x128xf32, #tpu.memory_space<vmem>>) dst(%dma_wait3A_577 : memref<1024x128xf32, #tpu.memory_space<vmem_shared>>)
      tpu.yield
    }) : () -> ()
    %add3A_388 = arith.constant 544 : i32
    %add3A_389 = arith.addi %add3A, %add3A_388 : i32
    %lt3A_390 = arith.constant 781 : i32
    %lt3A_391 = arith.cmpi slt, %add3A_389, %lt3A_390 : i32
    %jit3A_392 = arith.constant 0 : i32
    %select_n3A_393 = arith.select %lt3A_391, %add3A_389, %jit3A_392 : i32
    %mul3A_394 = arith.constant 128 : i32
    %mul3A_395 = arith.muli %select_n3A_393, %mul3A_394 : i32
    %multiple_of3A_396 = tpu.assume_multiple %mul3A_395, 128 : i32
    %dma_start3A_397 = arith.constant 0 : i32
    %dma_start3A_398 = tpu.memref_slice %arg2[%multiple_of3A_396, %dma_start3A_397] : memref<100000x128xf32, #tpu.memory_space<hbm>> -> memref<128x128xf32, #tpu.memory_space<hbm>>
    %dma_start3A_399 = arith.constant 0 : i32
    %dma_start3A_400 = tpu.memref_slice %arg2[%multiple_of3A_396, %dma_start3A_399] : memref<100000x128xf32, #tpu.memory_space<hbm>> -> memref<128x128xf32, #tpu.memory_space<hbm>>
    tpu.enqueue_dma source(%dma_start3A_400 : memref<128x128xf32, #tpu.memory_space<hbm>>) target(%arg12 : memref<128x128xf32, #tpu.memory_space<vmem>>) target_semaphore(%arg24 : memref<!tpu.dma_semaphore, #tpu.memory_space<semaphore_mem>>)
    %dma_start3A_401 = tpu.memref_slice %arg3[%multiple_of3A_396] : memref<100000xi32, #tpu.memory_space<hbm>> -> memref<128xi32, #tpu.memory_space<hbm>>
    %dma_start3A_402 = tpu.memref_slice %arg3[%multiple_of3A_396] : memref<100000xi32, #tpu.memory_space<hbm>> -> memref<128xi32, #tpu.memory_space<hbm>>
    tpu.enqueue_dma source(%dma_start3A_402 : memref<128xi32, #tpu.memory_space<hbm>>) target(%arg14 : memref<128xi32, #tpu.memory_space<vmem>>) target_semaphore(%arg24 : memref<!tpu.dma_semaphore, #tpu.memory_space<semaphore_mem>>)
    %dma_wait3A_403 = arith.constant 0 : i32
    %dma_wait3A_404 = tpu.memref_slice %arg2[%multiple_of3A_375, %dma_wait3A_403] : memref<100000x128xf32, #tpu.memory_space<hbm>> -> memref<128x128xf32, #tpu.memory_space<hbm>>
    %dma_wait3A_405 = arith.constant 0 : i32
    %dma_wait3A_406 = tpu.memref_slice %arg2[%multiple_of3A_375, %dma_wait3A_405] : memref<100000x128xf32, #tpu.memory_space<hbm>> -> memref<128x128xf32, #tpu.memory_space<hbm>>
    tpu.wait_dma2 semaphore(%arg23 : memref<!tpu.dma_semaphore, #tpu.memory_space<semaphore_mem>>) src(%dma_wait3A_406 : memref<128x128xf32, #tpu.memory_space<hbm>>) dst(%arg11 : memref<128x128xf32, #tpu.memory_space<vmem>>)
    %dma_wait3A_407 = tpu.memref_slice %arg3[%multiple_of3A_375] : memref<100000xi32, #tpu.memory_space<hbm>> -> memref<128xi32, #tpu.memory_space<hbm>>
    %dma_wait3A_408 = tpu.memref_slice %arg3[%multiple_of3A_375] : memref<100000xi32, #tpu.memory_space<hbm>> -> memref<128xi32, #tpu.memory_space<hbm>>
    tpu.wait_dma2 semaphore(%arg23 : memref<!tpu.dma_semaphore, #tpu.memory_space<semaphore_mem>>) src(%dma_wait3A_408 : memref<128xi32, #tpu.memory_space<hbm>>) dst(%arg13 : memref<128xi32, #tpu.memory_space<vmem>>)
    "tpu.region"() ({
      %run_scoped3A = tpu.sem_alloc : memref<!tpu.dma_semaphore, #tpu.memory_space<semaphore_mem>>
      %dma_start3A_572 = arith.constant 0 : i32
      %dma_start3A_573 = arith.constant 0 : i32
      %dma_start3A_574 = tpu.memref_slice %arg21[%dma_start3A_572, %dma_start3A_573] : memref<1024x128xf32, #tpu.memory_space<vmem_shared>> -> memref<1024x128xf32, #tpu.memory_space<vmem_shared>>
      tpu.enqueue_indirect_dma source(%arg11 : memref<128x128xf32, #tpu.memory_space<vmem>>) target(%dma_start3A_574 : memref<1024x128xf32, #tpu.memory_space<vmem_shared>>) offsets(%arg13 : memref<128xi32, #tpu.memory_space<vmem>>) semaphore(%run_scoped3A : memref<!tpu.dma_semaphore, #tpu.memory_space<semaphore_mem>>) {add = true}
      %dma_wait3A_575 = arith.constant 0 : i32
      %dma_wait3A_576 = arith.constant 0 : i32
      %dma_wait3A_577 = tpu.memref_slice %arg21[%dma_wait3A_575, %dma_wait3A_576] : memref<1024x128xf32, #tpu.memory_space<vmem_shared>> -> memref<1024x128xf32, #tpu.memory_space<vmem_shared>>
      tpu.wait_indirect_dma semaphore(%run_scoped3A : memref<!tpu.dma_semaphore, #tpu.memory_space<semaphore_mem>>) src(%arg11 : memref<128x128xf32, #tpu.memory_space<vmem>>) dst(%dma_wait3A_577 : memref<1024x128xf32, #tpu.memory_space<vmem_shared>>)
      tpu.yield
    }) : () -> ()
    "tpu.region"() ({
      %run_scoped3A = tpu.sem_alloc : memref<!tpu.dma_semaphore, #tpu.memory_space<semaphore_mem>>
      %dma_start3A_572 = arith.constant 0 : i32
      %dma_start3A_573 = arith.constant 0 : i32
      %dma_start3A_574 = tpu.memref_slice %arg22[%dma_start3A_572, %dma_start3A_573] : memref<1024x128xf32, #tpu.memory_space<vmem_shared>> -> memref<1024x128xf32, #tpu.memory_space<vmem_shared>>
      tpu.enqueue_indirect_dma source(%arg17 : memref<128x128xf32, #tpu.memory_space<vmem>>) target(%dma_start3A_574 : memref<1024x128xf32, #tpu.memory_space<vmem_shared>>) offsets(%arg13 : memref<128xi32, #tpu.memory_space<vmem>>) semaphore(%run_scoped3A : memref<!tpu.dma_semaphore, #tpu.memory_space<semaphore_mem>>) {add = true}
      %dma_wait3A_575 = arith.constant 0 : i32
      %dma_wait3A_576 = arith.constant 0 : i32
      %dma_wait3A_577 = tpu.memref_slice %arg22[%dma_wait3A_575, %dma_wait3A_576] : memref<1024x128xf32, #tpu.memory_space<vmem_shared>> -> memref<1024x128xf32, #tpu.memory_space<vmem_shared>>
      tpu.wait_indirect_dma semaphore(%run_scoped3A : memref<!tpu.dma_semaphore, #tpu.memory_space<semaphore_mem>>) src(%arg17 : memref<128x128xf32, #tpu.memory_space<vmem>>) dst(%dma_wait3A_577 : memref<1024x128xf32, #tpu.memory_space<vmem_shared>>)
      tpu.yield
    }) : () -> ()
    %add3A_409 = arith.constant 576 : i32
    %add3A_410 = arith.addi %add3A, %add3A_409 : i32
    %lt3A_411 = arith.constant 781 : i32
    %lt3A_412 = arith.cmpi slt, %add3A_410, %lt3A_411 : i32
    %jit3A_413 = arith.constant 0 : i32
    %select_n3A_414 = arith.select %lt3A_412, %add3A_410, %jit3A_413 : i32
    %mul3A_415 = arith.constant 128 : i32
    %mul3A_416 = arith.muli %select_n3A_414, %mul3A_415 : i32
    %multiple_of3A_417 = tpu.assume_multiple %mul3A_416, 128 : i32
    %dma_start3A_418 = arith.constant 0 : i32
    %dma_start3A_419 = tpu.memref_slice %arg2[%multiple_of3A_417, %dma_start3A_418] : memref<100000x128xf32, #tpu.memory_space<hbm>> -> memref<128x128xf32, #tpu.memory_space<hbm>>
    %dma_start3A_420 = arith.constant 0 : i32
    %dma_start3A_421 = tpu.memref_slice %arg2[%multiple_of3A_417, %dma_start3A_420] : memref<100000x128xf32, #tpu.memory_space<hbm>> -> memref<128x128xf32, #tpu.memory_space<hbm>>
    tpu.enqueue_dma source(%dma_start3A_421 : memref<128x128xf32, #tpu.memory_space<hbm>>) target(%arg11 : memref<128x128xf32, #tpu.memory_space<vmem>>) target_semaphore(%arg23 : memref<!tpu.dma_semaphore, #tpu.memory_space<semaphore_mem>>)
    %dma_start3A_422 = tpu.memref_slice %arg3[%multiple_of3A_417] : memref<100000xi32, #tpu.memory_space<hbm>> -> memref<128xi32, #tpu.memory_space<hbm>>
    %dma_start3A_423 = tpu.memref_slice %arg3[%multiple_of3A_417] : memref<100000xi32, #tpu.memory_space<hbm>> -> memref<128xi32, #tpu.memory_space<hbm>>
    tpu.enqueue_dma source(%dma_start3A_423 : memref<128xi32, #tpu.memory_space<hbm>>) target(%arg13 : memref<128xi32, #tpu.memory_space<vmem>>) target_semaphore(%arg23 : memref<!tpu.dma_semaphore, #tpu.memory_space<semaphore_mem>>)
    %dma_wait3A_424 = arith.constant 0 : i32
    %dma_wait3A_425 = tpu.memref_slice %arg2[%multiple_of3A_396, %dma_wait3A_424] : memref<100000x128xf32, #tpu.memory_space<hbm>> -> memref<128x128xf32, #tpu.memory_space<hbm>>
    %dma_wait3A_426 = arith.constant 0 : i32
    %dma_wait3A_427 = tpu.memref_slice %arg2[%multiple_of3A_396, %dma_wait3A_426] : memref<100000x128xf32, #tpu.memory_space<hbm>> -> memref<128x128xf32, #tpu.memory_space<hbm>>
    tpu.wait_dma2 semaphore(%arg24 : memref<!tpu.dma_semaphore, #tpu.memory_space<semaphore_mem>>) src(%dma_wait3A_427 : memref<128x128xf32, #tpu.memory_space<hbm>>) dst(%arg12 : memref<128x128xf32, #tpu.memory_space<vmem>>)
    %dma_wait3A_428 = tpu.memref_slice %arg3[%multiple_of3A_396] : memref<100000xi32, #tpu.memory_space<hbm>> -> memref<128xi32, #tpu.memory_space<hbm>>
    %dma_wait3A_429 = tpu.memref_slice %arg3[%multiple_of3A_396] : memref<100000xi32, #tpu.memory_space<hbm>> -> memref<128xi32, #tpu.memory_space<hbm>>
    tpu.wait_dma2 semaphore(%arg24 : memref<!tpu.dma_semaphore, #tpu.memory_space<semaphore_mem>>) src(%dma_wait3A_429 : memref<128xi32, #tpu.memory_space<hbm>>) dst(%arg14 : memref<128xi32, #tpu.memory_space<vmem>>)
    "tpu.region"() ({
      %run_scoped3A = tpu.sem_alloc : memref<!tpu.dma_semaphore, #tpu.memory_space<semaphore_mem>>
      %dma_start3A_572 = arith.constant 0 : i32
      %dma_start3A_573 = arith.constant 0 : i32
      %dma_start3A_574 = tpu.memref_slice %arg21[%dma_start3A_572, %dma_start3A_573] : memref<1024x128xf32, #tpu.memory_space<vmem_shared>> -> memref<1024x128xf32, #tpu.memory_space<vmem_shared>>
      tpu.enqueue_indirect_dma source(%arg12 : memref<128x128xf32, #tpu.memory_space<vmem>>) target(%dma_start3A_574 : memref<1024x128xf32, #tpu.memory_space<vmem_shared>>) offsets(%arg14 : memref<128xi32, #tpu.memory_space<vmem>>) semaphore(%run_scoped3A : memref<!tpu.dma_semaphore, #tpu.memory_space<semaphore_mem>>) {add = true}
      %dma_wait3A_575 = arith.constant 0 : i32
      %dma_wait3A_576 = arith.constant 0 : i32
      %dma_wait3A_577 = tpu.memref_slice %arg21[%dma_wait3A_575, %dma_wait3A_576] : memref<1024x128xf32, #tpu.memory_space<vmem_shared>> -> memref<1024x128xf32, #tpu.memory_space<vmem_shared>>
      tpu.wait_indirect_dma semaphore(%run_scoped3A : memref<!tpu.dma_semaphore, #tpu.memory_space<semaphore_mem>>) src(%arg12 : memref<128x128xf32, #tpu.memory_space<vmem>>) dst(%dma_wait3A_577 : memref<1024x128xf32, #tpu.memory_space<vmem_shared>>)
      tpu.yield
    }) : () -> ()
    "tpu.region"() ({
      %run_scoped3A = tpu.sem_alloc : memref<!tpu.dma_semaphore, #tpu.memory_space<semaphore_mem>>
      %dma_start3A_572 = arith.constant 0 : i32
      %dma_start3A_573 = arith.constant 0 : i32
      %dma_start3A_574 = tpu.memref_slice %arg22[%dma_start3A_572, %dma_start3A_573] : memref<1024x128xf32, #tpu.memory_space<vmem_shared>> -> memref<1024x128xf32, #tpu.memory_space<vmem_shared>>
      tpu.enqueue_indirect_dma source(%arg17 : memref<128x128xf32, #tpu.memory_space<vmem>>) target(%dma_start3A_574 : memref<1024x128xf32, #tpu.memory_space<vmem_shared>>) offsets(%arg14 : memref<128xi32, #tpu.memory_space<vmem>>) semaphore(%run_scoped3A : memref<!tpu.dma_semaphore, #tpu.memory_space<semaphore_mem>>) {add = true}
      %dma_wait3A_575 = arith.constant 0 : i32
      %dma_wait3A_576 = arith.constant 0 : i32
      %dma_wait3A_577 = tpu.memref_slice %arg22[%dma_wait3A_575, %dma_wait3A_576] : memref<1024x128xf32, #tpu.memory_space<vmem_shared>> -> memref<1024x128xf32, #tpu.memory_space<vmem_shared>>
      tpu.wait_indirect_dma semaphore(%run_scoped3A : memref<!tpu.dma_semaphore, #tpu.memory_space<semaphore_mem>>) src(%arg17 : memref<128x128xf32, #tpu.memory_space<vmem>>) dst(%dma_wait3A_577 : memref<1024x128xf32, #tpu.memory_space<vmem_shared>>)
      tpu.yield
    }) : () -> ()
    %add3A_430 = arith.constant 608 : i32
    %add3A_431 = arith.addi %add3A, %add3A_430 : i32
    %lt3A_432 = arith.constant 781 : i32
    %lt3A_433 = arith.cmpi slt, %add3A_431, %lt3A_432 : i32
    %jit3A_434 = arith.constant 0 : i32
    %select_n3A_435 = arith.select %lt3A_433, %add3A_431, %jit3A_434 : i32
    %mul3A_436 = arith.constant 128 : i32
    %mul3A_437 = arith.muli %select_n3A_435, %mul3A_436 : i32
    %multiple_of3A_438 = tpu.assume_multiple %mul3A_437, 128 : i32
    %dma_start3A_439 = arith.constant 0 : i32
    %dma_start3A_440 = tpu.memref_slice %arg2[%multiple_of3A_438, %dma_start3A_439] : memref<100000x128xf32, #tpu.memory_space<hbm>> -> memref<128x128xf32, #tpu.memory_space<hbm>>
    %dma_start3A_441 = arith.constant 0 : i32
    %dma_start3A_442 = tpu.memref_slice %arg2[%multiple_of3A_438, %dma_start3A_441] : memref<100000x128xf32, #tpu.memory_space<hbm>> -> memref<128x128xf32, #tpu.memory_space<hbm>>
    tpu.enqueue_dma source(%dma_start3A_442 : memref<128x128xf32, #tpu.memory_space<hbm>>) target(%arg12 : memref<128x128xf32, #tpu.memory_space<vmem>>) target_semaphore(%arg24 : memref<!tpu.dma_semaphore, #tpu.memory_space<semaphore_mem>>)
    %dma_start3A_443 = tpu.memref_slice %arg3[%multiple_of3A_438] : memref<100000xi32, #tpu.memory_space<hbm>> -> memref<128xi32, #tpu.memory_space<hbm>>
    %dma_start3A_444 = tpu.memref_slice %arg3[%multiple_of3A_438] : memref<100000xi32, #tpu.memory_space<hbm>> -> memref<128xi32, #tpu.memory_space<hbm>>
    tpu.enqueue_dma source(%dma_start3A_444 : memref<128xi32, #tpu.memory_space<hbm>>) target(%arg14 : memref<128xi32, #tpu.memory_space<vmem>>) target_semaphore(%arg24 : memref<!tpu.dma_semaphore, #tpu.memory_space<semaphore_mem>>)
    %dma_wait3A_445 = arith.constant 0 : i32
    %dma_wait3A_446 = tpu.memref_slice %arg2[%multiple_of3A_417, %dma_wait3A_445] : memref<100000x128xf32, #tpu.memory_space<hbm>> -> memref<128x128xf32, #tpu.memory_space<hbm>>
    %dma_wait3A_447 = arith.constant 0 : i32
    %dma_wait3A_448 = tpu.memref_slice %arg2[%multiple_of3A_417, %dma_wait3A_447] : memref<100000x128xf32, #tpu.memory_space<hbm>> -> memref<128x128xf32, #tpu.memory_space<hbm>>
    tpu.wait_dma2 semaphore(%arg23 : memref<!tpu.dma_semaphore, #tpu.memory_space<semaphore_mem>>) src(%dma_wait3A_448 : memref<128x128xf32, #tpu.memory_space<hbm>>) dst(%arg11 : memref<128x128xf32, #tpu.memory_space<vmem>>)
    %dma_wait3A_449 = tpu.memref_slice %arg3[%multiple_of3A_417] : memref<100000xi32, #tpu.memory_space<hbm>> -> memref<128xi32, #tpu.memory_space<hbm>>
    %dma_wait3A_450 = tpu.memref_slice %arg3[%multiple_of3A_417] : memref<100000xi32, #tpu.memory_space<hbm>> -> memref<128xi32, #tpu.memory_space<hbm>>
    tpu.wait_dma2 semaphore(%arg23 : memref<!tpu.dma_semaphore, #tpu.memory_space<semaphore_mem>>) src(%dma_wait3A_450 : memref<128xi32, #tpu.memory_space<hbm>>) dst(%arg13 : memref<128xi32, #tpu.memory_space<vmem>>)
    "tpu.region"() ({
      %run_scoped3A = tpu.sem_alloc : memref<!tpu.dma_semaphore, #tpu.memory_space<semaphore_mem>>
      %dma_start3A_572 = arith.constant 0 : i32
      %dma_start3A_573 = arith.constant 0 : i32
      %dma_start3A_574 = tpu.memref_slice %arg21[%dma_start3A_572, %dma_start3A_573] : memref<1024x128xf32, #tpu.memory_space<vmem_shared>> -> memref<1024x128xf32, #tpu.memory_space<vmem_shared>>
      tpu.enqueue_indirect_dma source(%arg11 : memref<128x128xf32, #tpu.memory_space<vmem>>) target(%dma_start3A_574 : memref<1024x128xf32, #tpu.memory_space<vmem_shared>>) offsets(%arg13 : memref<128xi32, #tpu.memory_space<vmem>>) semaphore(%run_scoped3A : memref<!tpu.dma_semaphore, #tpu.memory_space<semaphore_mem>>) {add = true}
      %dma_wait3A_575 = arith.constant 0 : i32
      %dma_wait3A_576 = arith.constant 0 : i32
      %dma_wait3A_577 = tpu.memref_slice %arg21[%dma_wait3A_575, %dma_wait3A_576] : memref<1024x128xf32, #tpu.memory_space<vmem_shared>> -> memref<1024x128xf32, #tpu.memory_space<vmem_shared>>
      tpu.wait_indirect_dma semaphore(%run_scoped3A : memref<!tpu.dma_semaphore, #tpu.memory_space<semaphore_mem>>) src(%arg11 : memref<128x128xf32, #tpu.memory_space<vmem>>) dst(%dma_wait3A_577 : memref<1024x128xf32, #tpu.memory_space<vmem_shared>>)
      tpu.yield
    }) : () -> ()
    "tpu.region"() ({
      %run_scoped3A = tpu.sem_alloc : memref<!tpu.dma_semaphore, #tpu.memory_space<semaphore_mem>>
      %dma_start3A_572 = arith.constant 0 : i32
      %dma_start3A_573 = arith.constant 0 : i32
      %dma_start3A_574 = tpu.memref_slice %arg22[%dma_start3A_572, %dma_start3A_573] : memref<1024x128xf32, #tpu.memory_space<vmem_shared>> -> memref<1024x128xf32, #tpu.memory_space<vmem_shared>>
      tpu.enqueue_indirect_dma source(%arg17 : memref<128x128xf32, #tpu.memory_space<vmem>>) target(%dma_start3A_574 : memref<1024x128xf32, #tpu.memory_space<vmem_shared>>) offsets(%arg13 : memref<128xi32, #tpu.memory_space<vmem>>) semaphore(%run_scoped3A : memref<!tpu.dma_semaphore, #tpu.memory_space<semaphore_mem>>) {add = true}
      %dma_wait3A_575 = arith.constant 0 : i32
      %dma_wait3A_576 = arith.constant 0 : i32
      %dma_wait3A_577 = tpu.memref_slice %arg22[%dma_wait3A_575, %dma_wait3A_576] : memref<1024x128xf32, #tpu.memory_space<vmem_shared>> -> memref<1024x128xf32, #tpu.memory_space<vmem_shared>>
      tpu.wait_indirect_dma semaphore(%run_scoped3A : memref<!tpu.dma_semaphore, #tpu.memory_space<semaphore_mem>>) src(%arg17 : memref<128x128xf32, #tpu.memory_space<vmem>>) dst(%dma_wait3A_577 : memref<1024x128xf32, #tpu.memory_space<vmem_shared>>)
      tpu.yield
    }) : () -> ()
    %add3A_451 = arith.constant 640 : i32
    %add3A_452 = arith.addi %add3A, %add3A_451 : i32
    %lt3A_453 = arith.constant 781 : i32
    %lt3A_454 = arith.cmpi slt, %add3A_452, %lt3A_453 : i32
    %jit3A_455 = arith.constant 0 : i32
    %select_n3A_456 = arith.select %lt3A_454, %add3A_452, %jit3A_455 : i32
    %mul3A_457 = arith.constant 128 : i32
    %mul3A_458 = arith.muli %select_n3A_456, %mul3A_457 : i32
    %multiple_of3A_459 = tpu.assume_multiple %mul3A_458, 128 : i32
    %dma_start3A_460 = arith.constant 0 : i32
    %dma_start3A_461 = tpu.memref_slice %arg2[%multiple_of3A_459, %dma_start3A_460] : memref<100000x128xf32, #tpu.memory_space<hbm>> -> memref<128x128xf32, #tpu.memory_space<hbm>>
    %dma_start3A_462 = arith.constant 0 : i32
    %dma_start3A_463 = tpu.memref_slice %arg2[%multiple_of3A_459, %dma_start3A_462] : memref<100000x128xf32, #tpu.memory_space<hbm>> -> memref<128x128xf32, #tpu.memory_space<hbm>>
    tpu.enqueue_dma source(%dma_start3A_463 : memref<128x128xf32, #tpu.memory_space<hbm>>) target(%arg11 : memref<128x128xf32, #tpu.memory_space<vmem>>) target_semaphore(%arg23 : memref<!tpu.dma_semaphore, #tpu.memory_space<semaphore_mem>>)
    %dma_start3A_464 = tpu.memref_slice %arg3[%multiple_of3A_459] : memref<100000xi32, #tpu.memory_space<hbm>> -> memref<128xi32, #tpu.memory_space<hbm>>
    %dma_start3A_465 = tpu.memref_slice %arg3[%multiple_of3A_459] : memref<100000xi32, #tpu.memory_space<hbm>> -> memref<128xi32, #tpu.memory_space<hbm>>
    tpu.enqueue_dma source(%dma_start3A_465 : memref<128xi32, #tpu.memory_space<hbm>>) target(%arg13 : memref<128xi32, #tpu.memory_space<vmem>>) target_semaphore(%arg23 : memref<!tpu.dma_semaphore, #tpu.memory_space<semaphore_mem>>)
    %dma_wait3A_466 = arith.constant 0 : i32
    %dma_wait3A_467 = tpu.memref_slice %arg2[%multiple_of3A_438, %dma_wait3A_466] : memref<100000x128xf32, #tpu.memory_space<hbm>> -> memref<128x128xf32, #tpu.memory_space<hbm>>
    %dma_wait3A_468 = arith.constant 0 : i32
    %dma_wait3A_469 = tpu.memref_slice %arg2[%multiple_of3A_438, %dma_wait3A_468] : memref<100000x128xf32, #tpu.memory_space<hbm>> -> memref<128x128xf32, #tpu.memory_space<hbm>>
    tpu.wait_dma2 semaphore(%arg24 : memref<!tpu.dma_semaphore, #tpu.memory_space<semaphore_mem>>) src(%dma_wait3A_469 : memref<128x128xf32, #tpu.memory_space<hbm>>) dst(%arg12 : memref<128x128xf32, #tpu.memory_space<vmem>>)
    %dma_wait3A_470 = tpu.memref_slice %arg3[%multiple_of3A_438] : memref<100000xi32, #tpu.memory_space<hbm>> -> memref<128xi32, #tpu.memory_space<hbm>>
    %dma_wait3A_471 = tpu.memref_slice %arg3[%multiple_of3A_438] : memref<100000xi32, #tpu.memory_space<hbm>> -> memref<128xi32, #tpu.memory_space<hbm>>
    tpu.wait_dma2 semaphore(%arg24 : memref<!tpu.dma_semaphore, #tpu.memory_space<semaphore_mem>>) src(%dma_wait3A_471 : memref<128xi32, #tpu.memory_space<hbm>>) dst(%arg14 : memref<128xi32, #tpu.memory_space<vmem>>)
    "tpu.region"() ({
      %run_scoped3A = tpu.sem_alloc : memref<!tpu.dma_semaphore, #tpu.memory_space<semaphore_mem>>
      %dma_start3A_572 = arith.constant 0 : i32
      %dma_start3A_573 = arith.constant 0 : i32
      %dma_start3A_574 = tpu.memref_slice %arg21[%dma_start3A_572, %dma_start3A_573] : memref<1024x128xf32, #tpu.memory_space<vmem_shared>> -> memref<1024x128xf32, #tpu.memory_space<vmem_shared>>
      tpu.enqueue_indirect_dma source(%arg12 : memref<128x128xf32, #tpu.memory_space<vmem>>) target(%dma_start3A_574 : memref<1024x128xf32, #tpu.memory_space<vmem_shared>>) offsets(%arg14 : memref<128xi32, #tpu.memory_space<vmem>>) semaphore(%run_scoped3A : memref<!tpu.dma_semaphore, #tpu.memory_space<semaphore_mem>>) {add = true}
      %dma_wait3A_575 = arith.constant 0 : i32
      %dma_wait3A_576 = arith.constant 0 : i32
      %dma_wait3A_577 = tpu.memref_slice %arg21[%dma_wait3A_575, %dma_wait3A_576] : memref<1024x128xf32, #tpu.memory_space<vmem_shared>> -> memref<1024x128xf32, #tpu.memory_space<vmem_shared>>
      tpu.wait_indirect_dma semaphore(%run_scoped3A : memref<!tpu.dma_semaphore, #tpu.memory_space<semaphore_mem>>) src(%arg12 : memref<128x128xf32, #tpu.memory_space<vmem>>) dst(%dma_wait3A_577 : memref<1024x128xf32, #tpu.memory_space<vmem_shared>>)
      tpu.yield
    }) : () -> ()
    "tpu.region"() ({
      %run_scoped3A = tpu.sem_alloc : memref<!tpu.dma_semaphore, #tpu.memory_space<semaphore_mem>>
      %dma_start3A_572 = arith.constant 0 : i32
      %dma_start3A_573 = arith.constant 0 : i32
      %dma_start3A_574 = tpu.memref_slice %arg22[%dma_start3A_572, %dma_start3A_573] : memref<1024x128xf32, #tpu.memory_space<vmem_shared>> -> memref<1024x128xf32, #tpu.memory_space<vmem_shared>>
      tpu.enqueue_indirect_dma source(%arg17 : memref<128x128xf32, #tpu.memory_space<vmem>>) target(%dma_start3A_574 : memref<1024x128xf32, #tpu.memory_space<vmem_shared>>) offsets(%arg14 : memref<128xi32, #tpu.memory_space<vmem>>) semaphore(%run_scoped3A : memref<!tpu.dma_semaphore, #tpu.memory_space<semaphore_mem>>) {add = true}
      %dma_wait3A_575 = arith.constant 0 : i32
      %dma_wait3A_576 = arith.constant 0 : i32
      %dma_wait3A_577 = tpu.memref_slice %arg22[%dma_wait3A_575, %dma_wait3A_576] : memref<1024x128xf32, #tpu.memory_space<vmem_shared>> -> memref<1024x128xf32, #tpu.memory_space<vmem_shared>>
      tpu.wait_indirect_dma semaphore(%run_scoped3A : memref<!tpu.dma_semaphore, #tpu.memory_space<semaphore_mem>>) src(%arg17 : memref<128x128xf32, #tpu.memory_space<vmem>>) dst(%dma_wait3A_577 : memref<1024x128xf32, #tpu.memory_space<vmem_shared>>)
      tpu.yield
    }) : () -> ()
    %add3A_472 = arith.constant 672 : i32
    %add3A_473 = arith.addi %add3A, %add3A_472 : i32
    %lt3A_474 = arith.constant 781 : i32
    %lt3A_475 = arith.cmpi slt, %add3A_473, %lt3A_474 : i32
    %jit3A_476 = arith.constant 0 : i32
    %select_n3A_477 = arith.select %lt3A_475, %add3A_473, %jit3A_476 : i32
    %mul3A_478 = arith.constant 128 : i32
    %mul3A_479 = arith.muli %select_n3A_477, %mul3A_478 : i32
    %multiple_of3A_480 = tpu.assume_multiple %mul3A_479, 128 : i32
    %dma_start3A_481 = arith.constant 0 : i32
    %dma_start3A_482 = tpu.memref_slice %arg2[%multiple_of3A_480, %dma_start3A_481] : memref<100000x128xf32, #tpu.memory_space<hbm>> -> memref<128x128xf32, #tpu.memory_space<hbm>>
    %dma_start3A_483 = arith.constant 0 : i32
    %dma_start3A_484 = tpu.memref_slice %arg2[%multiple_of3A_480, %dma_start3A_483] : memref<100000x128xf32, #tpu.memory_space<hbm>> -> memref<128x128xf32, #tpu.memory_space<hbm>>
    tpu.enqueue_dma source(%dma_start3A_484 : memref<128x128xf32, #tpu.memory_space<hbm>>) target(%arg12 : memref<128x128xf32, #tpu.memory_space<vmem>>) target_semaphore(%arg24 : memref<!tpu.dma_semaphore, #tpu.memory_space<semaphore_mem>>)
    %dma_start3A_485 = tpu.memref_slice %arg3[%multiple_of3A_480] : memref<100000xi32, #tpu.memory_space<hbm>> -> memref<128xi32, #tpu.memory_space<hbm>>
    %dma_start3A_486 = tpu.memref_slice %arg3[%multiple_of3A_480] : memref<100000xi32, #tpu.memory_space<hbm>> -> memref<128xi32, #tpu.memory_space<hbm>>
    tpu.enqueue_dma source(%dma_start3A_486 : memref<128xi32, #tpu.memory_space<hbm>>) target(%arg14 : memref<128xi32, #tpu.memory_space<vmem>>) target_semaphore(%arg24 : memref<!tpu.dma_semaphore, #tpu.memory_space<semaphore_mem>>)
    %dma_wait3A_487 = arith.constant 0 : i32
    %dma_wait3A_488 = tpu.memref_slice %arg2[%multiple_of3A_459, %dma_wait3A_487] : memref<100000x128xf32, #tpu.memory_space<hbm>> -> memref<128x128xf32, #tpu.memory_space<hbm>>
    %dma_wait3A_489 = arith.constant 0 : i32
    %dma_wait3A_490 = tpu.memref_slice %arg2[%multiple_of3A_459, %dma_wait3A_489] : memref<100000x128xf32, #tpu.memory_space<hbm>> -> memref<128x128xf32, #tpu.memory_space<hbm>>
    tpu.wait_dma2 semaphore(%arg23 : memref<!tpu.dma_semaphore, #tpu.memory_space<semaphore_mem>>) src(%dma_wait3A_490 : memref<128x128xf32, #tpu.memory_space<hbm>>) dst(%arg11 : memref<128x128xf32, #tpu.memory_space<vmem>>)
    %dma_wait3A_491 = tpu.memref_slice %arg3[%multiple_of3A_459] : memref<100000xi32, #tpu.memory_space<hbm>> -> memref<128xi32, #tpu.memory_space<hbm>>
    %dma_wait3A_492 = tpu.memref_slice %arg3[%multiple_of3A_459] : memref<100000xi32, #tpu.memory_space<hbm>> -> memref<128xi32, #tpu.memory_space<hbm>>
    tpu.wait_dma2 semaphore(%arg23 : memref<!tpu.dma_semaphore, #tpu.memory_space<semaphore_mem>>) src(%dma_wait3A_492 : memref<128xi32, #tpu.memory_space<hbm>>) dst(%arg13 : memref<128xi32, #tpu.memory_space<vmem>>)
    "tpu.region"() ({
      %run_scoped3A = tpu.sem_alloc : memref<!tpu.dma_semaphore, #tpu.memory_space<semaphore_mem>>
      %dma_start3A_572 = arith.constant 0 : i32
      %dma_start3A_573 = arith.constant 0 : i32
      %dma_start3A_574 = tpu.memref_slice %arg21[%dma_start3A_572, %dma_start3A_573] : memref<1024x128xf32, #tpu.memory_space<vmem_shared>> -> memref<1024x128xf32, #tpu.memory_space<vmem_shared>>
      tpu.enqueue_indirect_dma source(%arg11 : memref<128x128xf32, #tpu.memory_space<vmem>>) target(%dma_start3A_574 : memref<1024x128xf32, #tpu.memory_space<vmem_shared>>) offsets(%arg13 : memref<128xi32, #tpu.memory_space<vmem>>) semaphore(%run_scoped3A : memref<!tpu.dma_semaphore, #tpu.memory_space<semaphore_mem>>) {add = true}
      %dma_wait3A_575 = arith.constant 0 : i32
      %dma_wait3A_576 = arith.constant 0 : i32
      %dma_wait3A_577 = tpu.memref_slice %arg21[%dma_wait3A_575, %dma_wait3A_576] : memref<1024x128xf32, #tpu.memory_space<vmem_shared>> -> memref<1024x128xf32, #tpu.memory_space<vmem_shared>>
      tpu.wait_indirect_dma semaphore(%run_scoped3A : memref<!tpu.dma_semaphore, #tpu.memory_space<semaphore_mem>>) src(%arg11 : memref<128x128xf32, #tpu.memory_space<vmem>>) dst(%dma_wait3A_577 : memref<1024x128xf32, #tpu.memory_space<vmem_shared>>)
      tpu.yield
    }) : () -> ()
    "tpu.region"() ({
      %run_scoped3A = tpu.sem_alloc : memref<!tpu.dma_semaphore, #tpu.memory_space<semaphore_mem>>
      %dma_start3A_572 = arith.constant 0 : i32
      %dma_start3A_573 = arith.constant 0 : i32
      %dma_start3A_574 = tpu.memref_slice %arg22[%dma_start3A_572, %dma_start3A_573] : memref<1024x128xf32, #tpu.memory_space<vmem_shared>> -> memref<1024x128xf32, #tpu.memory_space<vmem_shared>>
      tpu.enqueue_indirect_dma source(%arg17 : memref<128x128xf32, #tpu.memory_space<vmem>>) target(%dma_start3A_574 : memref<1024x128xf32, #tpu.memory_space<vmem_shared>>) offsets(%arg13 : memref<128xi32, #tpu.memory_space<vmem>>) semaphore(%run_scoped3A : memref<!tpu.dma_semaphore, #tpu.memory_space<semaphore_mem>>) {add = true}
      %dma_wait3A_575 = arith.constant 0 : i32
      %dma_wait3A_576 = arith.constant 0 : i32
      %dma_wait3A_577 = tpu.memref_slice %arg22[%dma_wait3A_575, %dma_wait3A_576] : memref<1024x128xf32, #tpu.memory_space<vmem_shared>> -> memref<1024x128xf32, #tpu.memory_space<vmem_shared>>
      tpu.wait_indirect_dma semaphore(%run_scoped3A : memref<!tpu.dma_semaphore, #tpu.memory_space<semaphore_mem>>) src(%arg17 : memref<128x128xf32, #tpu.memory_space<vmem>>) dst(%dma_wait3A_577 : memref<1024x128xf32, #tpu.memory_space<vmem_shared>>)
      tpu.yield
    }) : () -> ()
    %add3A_493 = arith.constant 704 : i32
    %add3A_494 = arith.addi %add3A, %add3A_493 : i32
    %lt3A_495 = arith.constant 781 : i32
    %lt3A_496 = arith.cmpi slt, %add3A_494, %lt3A_495 : i32
    %jit3A_497 = arith.constant 0 : i32
    %select_n3A_498 = arith.select %lt3A_496, %add3A_494, %jit3A_497 : i32
    %mul3A_499 = arith.constant 128 : i32
    %mul3A_500 = arith.muli %select_n3A_498, %mul3A_499 : i32
    %multiple_of3A_501 = tpu.assume_multiple %mul3A_500, 128 : i32
    %dma_start3A_502 = arith.constant 0 : i32
    %dma_start3A_503 = tpu.memref_slice %arg2[%multiple_of3A_501, %dma_start3A_502] : memref<100000x128xf32, #tpu.memory_space<hbm>> -> memref<128x128xf32, #tpu.memory_space<hbm>>
    %dma_start3A_504 = arith.constant 0 : i32
    %dma_start3A_505 = tpu.memref_slice %arg2[%multiple_of3A_501, %dma_start3A_504] : memref<100000x128xf32, #tpu.memory_space<hbm>> -> memref<128x128xf32, #tpu.memory_space<hbm>>
    tpu.enqueue_dma source(%dma_start3A_505 : memref<128x128xf32, #tpu.memory_space<hbm>>) target(%arg11 : memref<128x128xf32, #tpu.memory_space<vmem>>) target_semaphore(%arg23 : memref<!tpu.dma_semaphore, #tpu.memory_space<semaphore_mem>>)
    %dma_start3A_506 = tpu.memref_slice %arg3[%multiple_of3A_501] : memref<100000xi32, #tpu.memory_space<hbm>> -> memref<128xi32, #tpu.memory_space<hbm>>
    %dma_start3A_507 = tpu.memref_slice %arg3[%multiple_of3A_501] : memref<100000xi32, #tpu.memory_space<hbm>> -> memref<128xi32, #tpu.memory_space<hbm>>
    tpu.enqueue_dma source(%dma_start3A_507 : memref<128xi32, #tpu.memory_space<hbm>>) target(%arg13 : memref<128xi32, #tpu.memory_space<vmem>>) target_semaphore(%arg23 : memref<!tpu.dma_semaphore, #tpu.memory_space<semaphore_mem>>)
    %dma_wait3A_508 = arith.constant 0 : i32
    %dma_wait3A_509 = tpu.memref_slice %arg2[%multiple_of3A_480, %dma_wait3A_508] : memref<100000x128xf32, #tpu.memory_space<hbm>> -> memref<128x128xf32, #tpu.memory_space<hbm>>
    %dma_wait3A_510 = arith.constant 0 : i32
    %dma_wait3A_511 = tpu.memref_slice %arg2[%multiple_of3A_480, %dma_wait3A_510] : memref<100000x128xf32, #tpu.memory_space<hbm>> -> memref<128x128xf32, #tpu.memory_space<hbm>>
    tpu.wait_dma2 semaphore(%arg24 : memref<!tpu.dma_semaphore, #tpu.memory_space<semaphore_mem>>) src(%dma_wait3A_511 : memref<128x128xf32, #tpu.memory_space<hbm>>) dst(%arg12 : memref<128x128xf32, #tpu.memory_space<vmem>>)
    %dma_wait3A_512 = tpu.memref_slice %arg3[%multiple_of3A_480] : memref<100000xi32, #tpu.memory_space<hbm>> -> memref<128xi32, #tpu.memory_space<hbm>>
    %dma_wait3A_513 = tpu.memref_slice %arg3[%multiple_of3A_480] : memref<100000xi32, #tpu.memory_space<hbm>> -> memref<128xi32, #tpu.memory_space<hbm>>
    tpu.wait_dma2 semaphore(%arg24 : memref<!tpu.dma_semaphore, #tpu.memory_space<semaphore_mem>>) src(%dma_wait3A_513 : memref<128xi32, #tpu.memory_space<hbm>>) dst(%arg14 : memref<128xi32, #tpu.memory_space<vmem>>)
    "tpu.region"() ({
      %run_scoped3A = tpu.sem_alloc : memref<!tpu.dma_semaphore, #tpu.memory_space<semaphore_mem>>
      %dma_start3A_572 = arith.constant 0 : i32
      %dma_start3A_573 = arith.constant 0 : i32
      %dma_start3A_574 = tpu.memref_slice %arg21[%dma_start3A_572, %dma_start3A_573] : memref<1024x128xf32, #tpu.memory_space<vmem_shared>> -> memref<1024x128xf32, #tpu.memory_space<vmem_shared>>
      tpu.enqueue_indirect_dma source(%arg12 : memref<128x128xf32, #tpu.memory_space<vmem>>) target(%dma_start3A_574 : memref<1024x128xf32, #tpu.memory_space<vmem_shared>>) offsets(%arg14 : memref<128xi32, #tpu.memory_space<vmem>>) semaphore(%run_scoped3A : memref<!tpu.dma_semaphore, #tpu.memory_space<semaphore_mem>>) {add = true}
      %dma_wait3A_575 = arith.constant 0 : i32
      %dma_wait3A_576 = arith.constant 0 : i32
      %dma_wait3A_577 = tpu.memref_slice %arg21[%dma_wait3A_575, %dma_wait3A_576] : memref<1024x128xf32, #tpu.memory_space<vmem_shared>> -> memref<1024x128xf32, #tpu.memory_space<vmem_shared>>
      tpu.wait_indirect_dma semaphore(%run_scoped3A : memref<!tpu.dma_semaphore, #tpu.memory_space<semaphore_mem>>) src(%arg12 : memref<128x128xf32, #tpu.memory_space<vmem>>) dst(%dma_wait3A_577 : memref<1024x128xf32, #tpu.memory_space<vmem_shared>>)
      tpu.yield
    }) : () -> ()
    "tpu.region"() ({
      %run_scoped3A = tpu.sem_alloc : memref<!tpu.dma_semaphore, #tpu.memory_space<semaphore_mem>>
      %dma_start3A_572 = arith.constant 0 : i32
      %dma_start3A_573 = arith.constant 0 : i32
      %dma_start3A_574 = tpu.memref_slice %arg22[%dma_start3A_572, %dma_start3A_573] : memref<1024x128xf32, #tpu.memory_space<vmem_shared>> -> memref<1024x128xf32, #tpu.memory_space<vmem_shared>>
      tpu.enqueue_indirect_dma source(%arg17 : memref<128x128xf32, #tpu.memory_space<vmem>>) target(%dma_start3A_574 : memref<1024x128xf32, #tpu.memory_space<vmem_shared>>) offsets(%arg14 : memref<128xi32, #tpu.memory_space<vmem>>) semaphore(%run_scoped3A : memref<!tpu.dma_semaphore, #tpu.memory_space<semaphore_mem>>) {add = true}
      %dma_wait3A_575 = arith.constant 0 : i32
      %dma_wait3A_576 = arith.constant 0 : i32
      %dma_wait3A_577 = tpu.memref_slice %arg22[%dma_wait3A_575, %dma_wait3A_576] : memref<1024x128xf32, #tpu.memory_space<vmem_shared>> -> memref<1024x128xf32, #tpu.memory_space<vmem_shared>>
      tpu.wait_indirect_dma semaphore(%run_scoped3A : memref<!tpu.dma_semaphore, #tpu.memory_space<semaphore_mem>>) src(%arg17 : memref<128x128xf32, #tpu.memory_space<vmem>>) dst(%dma_wait3A_577 : memref<1024x128xf32, #tpu.memory_space<vmem_shared>>)
      tpu.yield
    }) : () -> ()
    %add3A_514 = arith.constant 736 : i32
    %add3A_515 = arith.addi %add3A, %add3A_514 : i32
    %lt3A_516 = arith.constant 781 : i32
    %lt3A_517 = arith.cmpi slt, %add3A_515, %lt3A_516 : i32
    %jit3A_518 = arith.constant 0 : i32
    %select_n3A_519 = arith.select %lt3A_517, %add3A_515, %jit3A_518 : i32
    %mul3A_520 = arith.constant 128 : i32
    %mul3A_521 = arith.muli %select_n3A_519, %mul3A_520 : i32
    %multiple_of3A_522 = tpu.assume_multiple %mul3A_521, 128 : i32
    %dma_start3A_523 = arith.constant 0 : i32
    %dma_start3A_524 = tpu.memref_slice %arg2[%multiple_of3A_522, %dma_start3A_523] : memref<100000x128xf32, #tpu.memory_space<hbm>> -> memref<128x128xf32, #tpu.memory_space<hbm>>
    %dma_start3A_525 = arith.constant 0 : i32
    %dma_start3A_526 = tpu.memref_slice %arg2[%multiple_of3A_522, %dma_start3A_525] : memref<100000x128xf32, #tpu.memory_space<hbm>> -> memref<128x128xf32, #tpu.memory_space<hbm>>
    tpu.enqueue_dma source(%dma_start3A_526 : memref<128x128xf32, #tpu.memory_space<hbm>>) target(%arg12 : memref<128x128xf32, #tpu.memory_space<vmem>>) target_semaphore(%arg24 : memref<!tpu.dma_semaphore, #tpu.memory_space<semaphore_mem>>)
    %dma_start3A_527 = tpu.memref_slice %arg3[%multiple_of3A_522] : memref<100000xi32, #tpu.memory_space<hbm>> -> memref<128xi32, #tpu.memory_space<hbm>>
    %dma_start3A_528 = tpu.memref_slice %arg3[%multiple_of3A_522] : memref<100000xi32, #tpu.memory_space<hbm>> -> memref<128xi32, #tpu.memory_space<hbm>>
    tpu.enqueue_dma source(%dma_start3A_528 : memref<128xi32, #tpu.memory_space<hbm>>) target(%arg14 : memref<128xi32, #tpu.memory_space<vmem>>) target_semaphore(%arg24 : memref<!tpu.dma_semaphore, #tpu.memory_space<semaphore_mem>>)
    %dma_wait3A_529 = arith.constant 0 : i32
    %dma_wait3A_530 = tpu.memref_slice %arg2[%multiple_of3A_501, %dma_wait3A_529] : memref<100000x128xf32, #tpu.memory_space<hbm>> -> memref<128x128xf32, #tpu.memory_space<hbm>>
    %dma_wait3A_531 = arith.constant 0 : i32
    %dma_wait3A_532 = tpu.memref_slice %arg2[%multiple_of3A_501, %dma_wait3A_531] : memref<100000x128xf32, #tpu.memory_space<hbm>> -> memref<128x128xf32, #tpu.memory_space<hbm>>
    tpu.wait_dma2 semaphore(%arg23 : memref<!tpu.dma_semaphore, #tpu.memory_space<semaphore_mem>>) src(%dma_wait3A_532 : memref<128x128xf32, #tpu.memory_space<hbm>>) dst(%arg11 : memref<128x128xf32, #tpu.memory_space<vmem>>)
    %dma_wait3A_533 = tpu.memref_slice %arg3[%multiple_of3A_501] : memref<100000xi32, #tpu.memory_space<hbm>> -> memref<128xi32, #tpu.memory_space<hbm>>
    %dma_wait3A_534 = tpu.memref_slice %arg3[%multiple_of3A_501] : memref<100000xi32, #tpu.memory_space<hbm>> -> memref<128xi32, #tpu.memory_space<hbm>>
    tpu.wait_dma2 semaphore(%arg23 : memref<!tpu.dma_semaphore, #tpu.memory_space<semaphore_mem>>) src(%dma_wait3A_534 : memref<128xi32, #tpu.memory_space<hbm>>) dst(%arg13 : memref<128xi32, #tpu.memory_space<vmem>>)
    "tpu.region"() ({
      %run_scoped3A = tpu.sem_alloc : memref<!tpu.dma_semaphore, #tpu.memory_space<semaphore_mem>>
      %dma_start3A_572 = arith.constant 0 : i32
      %dma_start3A_573 = arith.constant 0 : i32
      %dma_start3A_574 = tpu.memref_slice %arg21[%dma_start3A_572, %dma_start3A_573] : memref<1024x128xf32, #tpu.memory_space<vmem_shared>> -> memref<1024x128xf32, #tpu.memory_space<vmem_shared>>
      tpu.enqueue_indirect_dma source(%arg11 : memref<128x128xf32, #tpu.memory_space<vmem>>) target(%dma_start3A_574 : memref<1024x128xf32, #tpu.memory_space<vmem_shared>>) offsets(%arg13 : memref<128xi32, #tpu.memory_space<vmem>>) semaphore(%run_scoped3A : memref<!tpu.dma_semaphore, #tpu.memory_space<semaphore_mem>>) {add = true}
      %dma_wait3A_575 = arith.constant 0 : i32
      %dma_wait3A_576 = arith.constant 0 : i32
      %dma_wait3A_577 = tpu.memref_slice %arg21[%dma_wait3A_575, %dma_wait3A_576] : memref<1024x128xf32, #tpu.memory_space<vmem_shared>> -> memref<1024x128xf32, #tpu.memory_space<vmem_shared>>
      tpu.wait_indirect_dma semaphore(%run_scoped3A : memref<!tpu.dma_semaphore, #tpu.memory_space<semaphore_mem>>) src(%arg11 : memref<128x128xf32, #tpu.memory_space<vmem>>) dst(%dma_wait3A_577 : memref<1024x128xf32, #tpu.memory_space<vmem_shared>>)
      tpu.yield
    }) : () -> ()
    "tpu.region"() ({
      %run_scoped3A = tpu.sem_alloc : memref<!tpu.dma_semaphore, #tpu.memory_space<semaphore_mem>>
      %dma_start3A_572 = arith.constant 0 : i32
      %dma_start3A_573 = arith.constant 0 : i32
      %dma_start3A_574 = tpu.memref_slice %arg22[%dma_start3A_572, %dma_start3A_573] : memref<1024x128xf32, #tpu.memory_space<vmem_shared>> -> memref<1024x128xf32, #tpu.memory_space<vmem_shared>>
      tpu.enqueue_indirect_dma source(%arg17 : memref<128x128xf32, #tpu.memory_space<vmem>>) target(%dma_start3A_574 : memref<1024x128xf32, #tpu.memory_space<vmem_shared>>) offsets(%arg13 : memref<128xi32, #tpu.memory_space<vmem>>) semaphore(%run_scoped3A : memref<!tpu.dma_semaphore, #tpu.memory_space<semaphore_mem>>) {add = true}
      %dma_wait3A_575 = arith.constant 0 : i32
      %dma_wait3A_576 = arith.constant 0 : i32
      %dma_wait3A_577 = tpu.memref_slice %arg22[%dma_wait3A_575, %dma_wait3A_576] : memref<1024x128xf32, #tpu.memory_space<vmem_shared>> -> memref<1024x128xf32, #tpu.memory_space<vmem_shared>>
      tpu.wait_indirect_dma semaphore(%run_scoped3A : memref<!tpu.dma_semaphore, #tpu.memory_space<semaphore_mem>>) src(%arg17 : memref<128x128xf32, #tpu.memory_space<vmem>>) dst(%dma_wait3A_577 : memref<1024x128xf32, #tpu.memory_space<vmem_shared>>)
      tpu.yield
    }) : () -> ()
    %add3A_535 = arith.constant 768 : i32
    %add3A_536 = arith.addi %add3A, %add3A_535 : i32
    %lt3A_537 = arith.constant 781 : i32
    %lt3A_538 = arith.cmpi slt, %add3A_536, %lt3A_537 : i32
    %jit3A_539 = arith.constant 0 : i32
    %select_n3A_540 = arith.select %lt3A_538, %add3A_536, %jit3A_539 : i32
    %mul3A_541 = arith.constant 128 : i32
    %mul3A_542 = arith.muli %select_n3A_540, %mul3A_541 : i32
    %multiple_of3A_543 = tpu.assume_multiple %mul3A_542, 128 : i32
    %dma_start3A_544 = arith.constant 0 : i32
    %dma_start3A_545 = tpu.memref_slice %arg2[%multiple_of3A_543, %dma_start3A_544] : memref<100000x128xf32, #tpu.memory_space<hbm>> -> memref<128x128xf32, #tpu.memory_space<hbm>>
    %dma_start3A_546 = arith.constant 0 : i32
    %dma_start3A_547 = tpu.memref_slice %arg2[%multiple_of3A_543, %dma_start3A_546] : memref<100000x128xf32, #tpu.memory_space<hbm>> -> memref<128x128xf32, #tpu.memory_space<hbm>>
    tpu.enqueue_dma source(%dma_start3A_547 : memref<128x128xf32, #tpu.memory_space<hbm>>) target(%arg11 : memref<128x128xf32, #tpu.memory_space<vmem>>) target_semaphore(%arg23 : memref<!tpu.dma_semaphore, #tpu.memory_space<semaphore_mem>>)
    %dma_start3A_548 = tpu.memref_slice %arg3[%multiple_of3A_543] : memref<100000xi32, #tpu.memory_space<hbm>> -> memref<128xi32, #tpu.memory_space<hbm>>
    %dma_start3A_549 = tpu.memref_slice %arg3[%multiple_of3A_543] : memref<100000xi32, #tpu.memory_space<hbm>> -> memref<128xi32, #tpu.memory_space<hbm>>
    tpu.enqueue_dma source(%dma_start3A_549 : memref<128xi32, #tpu.memory_space<hbm>>) target(%arg13 : memref<128xi32, #tpu.memory_space<vmem>>) target_semaphore(%arg23 : memref<!tpu.dma_semaphore, #tpu.memory_space<semaphore_mem>>)
    %dma_wait3A_550 = arith.constant 0 : i32
    %dma_wait3A_551 = tpu.memref_slice %arg2[%multiple_of3A_522, %dma_wait3A_550] : memref<100000x128xf32, #tpu.memory_space<hbm>> -> memref<128x128xf32, #tpu.memory_space<hbm>>
    %dma_wait3A_552 = arith.constant 0 : i32
    %dma_wait3A_553 = tpu.memref_slice %arg2[%multiple_of3A_522, %dma_wait3A_552] : memref<100000x128xf32, #tpu.memory_space<hbm>> -> memref<128x128xf32, #tpu.memory_space<hbm>>
    tpu.wait_dma2 semaphore(%arg24 : memref<!tpu.dma_semaphore, #tpu.memory_space<semaphore_mem>>) src(%dma_wait3A_553 : memref<128x128xf32, #tpu.memory_space<hbm>>) dst(%arg12 : memref<128x128xf32, #tpu.memory_space<vmem>>)
    %dma_wait3A_554 = tpu.memref_slice %arg3[%multiple_of3A_522] : memref<100000xi32, #tpu.memory_space<hbm>> -> memref<128xi32, #tpu.memory_space<hbm>>
    %dma_wait3A_555 = tpu.memref_slice %arg3[%multiple_of3A_522] : memref<100000xi32, #tpu.memory_space<hbm>> -> memref<128xi32, #tpu.memory_space<hbm>>
    tpu.wait_dma2 semaphore(%arg24 : memref<!tpu.dma_semaphore, #tpu.memory_space<semaphore_mem>>) src(%dma_wait3A_555 : memref<128xi32, #tpu.memory_space<hbm>>) dst(%arg14 : memref<128xi32, #tpu.memory_space<vmem>>)
    "tpu.region"() ({
      %run_scoped3A = tpu.sem_alloc : memref<!tpu.dma_semaphore, #tpu.memory_space<semaphore_mem>>
      %dma_start3A_572 = arith.constant 0 : i32
      %dma_start3A_573 = arith.constant 0 : i32
      %dma_start3A_574 = tpu.memref_slice %arg21[%dma_start3A_572, %dma_start3A_573] : memref<1024x128xf32, #tpu.memory_space<vmem_shared>> -> memref<1024x128xf32, #tpu.memory_space<vmem_shared>>
      tpu.enqueue_indirect_dma source(%arg12 : memref<128x128xf32, #tpu.memory_space<vmem>>) target(%dma_start3A_574 : memref<1024x128xf32, #tpu.memory_space<vmem_shared>>) offsets(%arg14 : memref<128xi32, #tpu.memory_space<vmem>>) semaphore(%run_scoped3A : memref<!tpu.dma_semaphore, #tpu.memory_space<semaphore_mem>>) {add = true}
      %dma_wait3A_575 = arith.constant 0 : i32
      %dma_wait3A_576 = arith.constant 0 : i32
      %dma_wait3A_577 = tpu.memref_slice %arg21[%dma_wait3A_575, %dma_wait3A_576] : memref<1024x128xf32, #tpu.memory_space<vmem_shared>> -> memref<1024x128xf32, #tpu.memory_space<vmem_shared>>
      tpu.wait_indirect_dma semaphore(%run_scoped3A : memref<!tpu.dma_semaphore, #tpu.memory_space<semaphore_mem>>) src(%arg12 : memref<128x128xf32, #tpu.memory_space<vmem>>) dst(%dma_wait3A_577 : memref<1024x128xf32, #tpu.memory_space<vmem_shared>>)
      tpu.yield
    }) : () -> ()
    "tpu.region"() ({
      %run_scoped3A = tpu.sem_alloc : memref<!tpu.dma_semaphore, #tpu.memory_space<semaphore_mem>>
      %dma_start3A_572 = arith.constant 0 : i32
      %dma_start3A_573 = arith.constant 0 : i32
      %dma_start3A_574 = tpu.memref_slice %arg22[%dma_start3A_572, %dma_start3A_573] : memref<1024x128xf32, #tpu.memory_space<vmem_shared>> -> memref<1024x128xf32, #tpu.memory_space<vmem_shared>>
      tpu.enqueue_indirect_dma source(%arg17 : memref<128x128xf32, #tpu.memory_space<vmem>>) target(%dma_start3A_574 : memref<1024x128xf32, #tpu.memory_space<vmem_shared>>) offsets(%arg14 : memref<128xi32, #tpu.memory_space<vmem>>) semaphore(%run_scoped3A : memref<!tpu.dma_semaphore, #tpu.memory_space<semaphore_mem>>) {add = true}
      %dma_wait3A_575 = arith.constant 0 : i32
      %dma_wait3A_576 = arith.constant 0 : i32
      %dma_wait3A_577 = tpu.memref_slice %arg22[%dma_wait3A_575, %dma_wait3A_576] : memref<1024x128xf32, #tpu.memory_space<vmem_shared>> -> memref<1024x128xf32, #tpu.memory_space<vmem_shared>>
      tpu.wait_indirect_dma semaphore(%run_scoped3A : memref<!tpu.dma_semaphore, #tpu.memory_space<semaphore_mem>>) src(%arg17 : memref<128x128xf32, #tpu.memory_space<vmem>>) dst(%dma_wait3A_577 : memref<1024x128xf32, #tpu.memory_space<vmem_shared>>)
      tpu.yield
    }) : () -> ()
    %dma_wait3A_556 = arith.constant 0 : i32
    %dma_wait3A_557 = tpu.memref_slice %arg2[%multiple_of3A_543, %dma_wait3A_556] : memref<100000x128xf32, #tpu.memory_space<hbm>> -> memref<128x128xf32, #tpu.memory_space<hbm>>
    %dma_wait3A_558 = arith.constant 0 : i32
    %dma_wait3A_559 = tpu.memref_slice %arg2[%multiple_of3A_543, %dma_wait3A_558] : memref<100000x128xf32, #tpu.memory_space<hbm>> -> memref<128x128xf32, #tpu.memory_space<hbm>>
    tpu.wait_dma2 semaphore(%arg23 : memref<!tpu.dma_semaphore, #tpu.memory_space<semaphore_mem>>) src(%dma_wait3A_559 : memref<128x128xf32, #tpu.memory_space<hbm>>) dst(%arg11 : memref<128x128xf32, #tpu.memory_space<vmem>>)
    %dma_wait3A_560 = tpu.memref_slice %arg3[%multiple_of3A_543] : memref<100000xi32, #tpu.memory_space<hbm>> -> memref<128xi32, #tpu.memory_space<hbm>>
    %dma_wait3A_561 = tpu.memref_slice %arg3[%multiple_of3A_543] : memref<100000xi32, #tpu.memory_space<hbm>> -> memref<128xi32, #tpu.memory_space<hbm>>
    tpu.wait_dma2 semaphore(%arg23 : memref<!tpu.dma_semaphore, #tpu.memory_space<semaphore_mem>>) src(%dma_wait3A_561 : memref<128xi32, #tpu.memory_space<hbm>>) dst(%arg13 : memref<128xi32, #tpu.memory_space<vmem>>)
    %add3A_562 = arith.constant 768 : i32
    %add3A_563 = arith.addi %add3A, %add3A_562 : i32
    %lt3A_564 = arith.constant 781 : i32
    %lt3A_565 = arith.cmpi slt, %add3A_563, %lt3A_564 : i32
    %convert_element_type3A = arith.extui %lt3A_565 : i1 to i32
    %cond3A = arith.constant 0 : i32
    %cond3A_566 = arith.cmpi ne, %convert_element_type3A, %cond3A : i32
    scf.if %cond3A_566 {
      "tpu.region"() ({
        %run_scoped3A = tpu.sem_alloc : memref<!tpu.dma_semaphore, #tpu.memory_space<semaphore_mem>>
        %dma_start3A_572 = arith.constant 0 : i32
        %dma_start3A_573 = arith.constant 0 : i32
        %dma_start3A_574 = tpu.memref_slice %arg21[%dma_start3A_572, %dma_start3A_573] : memref<1024x128xf32, #tpu.memory_space<vmem_shared>> -> memref<1024x128xf32, #tpu.memory_space<vmem_shared>>
        tpu.enqueue_indirect_dma source(%arg11 : memref<128x128xf32, #tpu.memory_space<vmem>>) target(%dma_start3A_574 : memref<1024x128xf32, #tpu.memory_space<vmem_shared>>) offsets(%arg13 : memref<128xi32, #tpu.memory_space<vmem>>) semaphore(%run_scoped3A : memref<!tpu.dma_semaphore, #tpu.memory_space<semaphore_mem>>) {add = true}
        %dma_wait3A_575 = arith.constant 0 : i32
        %dma_wait3A_576 = arith.constant 0 : i32
        %dma_wait3A_577 = tpu.memref_slice %arg21[%dma_wait3A_575, %dma_wait3A_576] : memref<1024x128xf32, #tpu.memory_space<vmem_shared>> -> memref<1024x128xf32, #tpu.memory_space<vmem_shared>>
        tpu.wait_indirect_dma semaphore(%run_scoped3A : memref<!tpu.dma_semaphore, #tpu.memory_space<semaphore_mem>>) src(%arg11 : memref<128x128xf32, #tpu.memory_space<vmem>>) dst(%dma_wait3A_577 : memref<1024x128xf32, #tpu.memory_space<vmem_shared>>)
        tpu.yield
      }) : () -> ()
      "tpu.region"() ({
        %run_scoped3A = tpu.sem_alloc : memref<!tpu.dma_semaphore, #tpu.memory_space<semaphore_mem>>
        %dma_start3A_572 = arith.constant 0 : i32
        %dma_start3A_573 = arith.constant 0 : i32
        %dma_start3A_574 = tpu.memref_slice %arg22[%dma_start3A_572, %dma_start3A_573] : memref<1024x128xf32, #tpu.memory_space<vmem_shared>> -> memref<1024x128xf32, #tpu.memory_space<vmem_shared>>
        tpu.enqueue_indirect_dma source(%arg17 : memref<128x128xf32, #tpu.memory_space<vmem>>) target(%dma_start3A_574 : memref<1024x128xf32, #tpu.memory_space<vmem_shared>>) offsets(%arg13 : memref<128xi32, #tpu.memory_space<vmem>>) semaphore(%run_scoped3A : memref<!tpu.dma_semaphore, #tpu.memory_space<semaphore_mem>>) {add = true}
        %dma_wait3A_575 = arith.constant 0 : i32
        %dma_wait3A_576 = arith.constant 0 : i32
        %dma_wait3A_577 = tpu.memref_slice %arg22[%dma_wait3A_575, %dma_wait3A_576] : memref<1024x128xf32, #tpu.memory_space<vmem_shared>> -> memref<1024x128xf32, #tpu.memory_space<vmem_shared>>
        tpu.wait_indirect_dma semaphore(%run_scoped3A : memref<!tpu.dma_semaphore, #tpu.memory_space<semaphore_mem>>) src(%arg17 : memref<128x128xf32, #tpu.memory_space<vmem>>) dst(%dma_wait3A_577 : memref<1024x128xf32, #tpu.memory_space<vmem_shared>>)
        tpu.yield
      }) : () -> ()
    } else {
    }
    %eq3A = arith.constant 31 : i32
    %eq3A_567 = arith.cmpi eq, %add3A, %eq3A : i32
    %convert_element_type3A_568 = arith.extui %eq3A_567 : i1 to i32
    %cond3A_569 = arith.constant 0 : i32
    %cond3A_570 = arith.cmpi ne, %convert_element_type3A_568, %cond3A_569 : i32
    scf.if %cond3A_570 {
      "tpu.region"() ({
        %run_scoped3A = tpu.sem_alloc : memref<!tpu.dma_semaphore, #tpu.memory_space<semaphore_mem>>
        %dma_start3A_572 = arith.constant 99968 : i32
        %dma_start3A_573 = arith.constant 0 : i32
        %dma_start3A_574 = tpu.memref_slice %arg2[%dma_start3A_572, %dma_start3A_573] : memref<100000x128xf32, #tpu.memory_space<hbm>> -> memref<32x128xf32, #tpu.memory_space<hbm>>
        %dma_start3A_575 = arith.constant 99968 : i32
        %dma_start3A_576 = arith.constant 0 : i32
        %dma_start3A_577 = tpu.memref_slice %arg2[%dma_start3A_575, %dma_start3A_576] : memref<100000x128xf32, #tpu.memory_space<hbm>> -> memref<32x128xf32, #tpu.memory_space<hbm>>
        tpu.enqueue_dma source(%dma_start3A_577 : memref<32x128xf32, #tpu.memory_space<hbm>>) target(%arg15 : memref<32x128xf32, #tpu.memory_space<vmem>>) target_semaphore(%run_scoped3A : memref<!tpu.dma_semaphore, #tpu.memory_space<semaphore_mem>>)
        %dma_wait3A_578 = arith.constant 99968 : i32
        %dma_wait3A_579 = arith.constant 0 : i32
        %dma_wait3A_580 = tpu.memref_slice %arg2[%dma_wait3A_578, %dma_wait3A_579] : memref<100000x128xf32, #tpu.memory_space<hbm>> -> memref<32x128xf32, #tpu.memory_space<hbm>>
        %dma_wait3A_581 = arith.constant 99968 : i32
        %dma_wait3A_582 = arith.constant 0 : i32
        %dma_wait3A_583 = tpu.memref_slice %arg2[%dma_wait3A_581, %dma_wait3A_582] : memref<100000x128xf32, #tpu.memory_space<hbm>> -> memref<32x128xf32, #tpu.memory_space<hbm>>
        tpu.wait_dma2 semaphore(%run_scoped3A : memref<!tpu.dma_semaphore, #tpu.memory_space<semaphore_mem>>) src(%dma_wait3A_583 : memref<32x128xf32, #tpu.memory_space<hbm>>) dst(%arg15 : memref<32x128xf32, #tpu.memory_space<vmem>>)
        tpu.yield
      }) : () -> ()
      "tpu.region"() ({
        %run_scoped3A = tpu.sem_alloc : memref<!tpu.dma_semaphore, #tpu.memory_space<semaphore_mem>>
        %dma_start3A_572 = arith.constant 99968 : i32
        %dma_start3A_573 = tpu.memref_slice %arg3[%dma_start3A_572] : memref<100000xi32, #tpu.memory_space<hbm>> -> memref<32xi32, #tpu.memory_space<hbm>>
        %dma_start3A_574 = arith.constant 99968 : i32
        %dma_start3A_575 = tpu.memref_slice %arg3[%dma_start3A_574] : memref<100000xi32, #tpu.memory_space<hbm>> -> memref<32xi32, #tpu.memory_space<hbm>>
        tpu.enqueue_dma source(%dma_start3A_575 : memref<32xi32, #tpu.memory_space<hbm>>) target(%arg16 : memref<32xi32, #tpu.memory_space<vmem>>) target_semaphore(%run_scoped3A : memref<!tpu.dma_semaphore, #tpu.memory_space<semaphore_mem>>)
        %dma_wait3A_576 = arith.constant 99968 : i32
        %dma_wait3A_577 = tpu.memref_slice %arg3[%dma_wait3A_576] : memref<100000xi32, #tpu.memory_space<hbm>> -> memref<32xi32, #tpu.memory_space<hbm>>
        %dma_wait3A_578 = arith.constant 99968 : i32
        %dma_wait3A_579 = tpu.memref_slice %arg3[%dma_wait3A_578] : memref<100000xi32, #tpu.memory_space<hbm>> -> memref<32xi32, #tpu.memory_space<hbm>>
        tpu.wait_dma2 semaphore(%run_scoped3A : memref<!tpu.dma_semaphore, #tpu.memory_space<semaphore_mem>>) src(%dma_wait3A_579 : memref<32xi32, #tpu.memory_space<hbm>>) dst(%arg16 : memref<32xi32, #tpu.memory_space<vmem>>)
        tpu.yield
      }) : () -> ()
      "tpu.region"() ({
        %run_scoped3A = tpu.sem_alloc : memref<!tpu.dma_semaphore, #tpu.memory_space<semaphore_mem>>
        %dma_start3A_572 = arith.constant 0 : i32
        %dma_start3A_573 = arith.constant 0 : i32
        %dma_start3A_574 = tpu.memref_slice %arg21[%dma_start3A_572, %dma_start3A_573] : memref<1024x128xf32, #tpu.memory_space<vmem_shared>> -> memref<1024x128xf32, #tpu.memory_space<vmem_shared>>
        tpu.enqueue_indirect_dma source(%arg15 : memref<32x128xf32, #tpu.memory_space<vmem>>) target(%dma_start3A_574 : memref<1024x128xf32, #tpu.memory_space<vmem_shared>>) offsets(%arg16 : memref<32xi32, #tpu.memory_space<vmem>>) semaphore(%run_scoped3A : memref<!tpu.dma_semaphore, #tpu.memory_space<semaphore_mem>>) {add = true}
        %dma_wait3A_575 = arith.constant 0 : i32
        %dma_wait3A_576 = arith.constant 0 : i32
        %dma_wait3A_577 = tpu.memref_slice %arg21[%dma_wait3A_575, %dma_wait3A_576] : memref<1024x128xf32, #tpu.memory_space<vmem_shared>> -> memref<1024x128xf32, #tpu.memory_space<vmem_shared>>
        tpu.wait_indirect_dma semaphore(%run_scoped3A : memref<!tpu.dma_semaphore, #tpu.memory_space<semaphore_mem>>) src(%arg15 : memref<32x128xf32, #tpu.memory_space<vmem>>) dst(%dma_wait3A_577 : memref<1024x128xf32, #tpu.memory_space<vmem_shared>>)
        tpu.yield
      }) : () -> ()
      "tpu.region"() ({
        %run_scoped3A = tpu.sem_alloc : memref<!tpu.dma_semaphore, #tpu.memory_space<semaphore_mem>>
        %dma_start3A_572 = arith.constant 0 : i32
        %dma_start3A_573 = arith.constant 0 : i32
        %dma_start3A_574 = tpu.memref_slice %arg22[%dma_start3A_572, %dma_start3A_573] : memref<1024x128xf32, #tpu.memory_space<vmem_shared>> -> memref<1024x128xf32, #tpu.memory_space<vmem_shared>>
        tpu.enqueue_indirect_dma source(%arg18 : memref<32x128xf32, #tpu.memory_space<vmem>>) target(%dma_start3A_574 : memref<1024x128xf32, #tpu.memory_space<vmem_shared>>) offsets(%arg16 : memref<32xi32, #tpu.memory_space<vmem>>) semaphore(%run_scoped3A : memref<!tpu.dma_semaphore, #tpu.memory_space<semaphore_mem>>) {add = true}
        %dma_wait3A_575 = arith.constant 0 : i32
        %dma_wait3A_576 = arith.constant 0 : i32
        %dma_wait3A_577 = tpu.memref_slice %arg22[%dma_wait3A_575, %dma_wait3A_576] : memref<1024x128xf32, #tpu.memory_space<vmem_shared>> -> memref<1024x128xf32, #tpu.memory_space<vmem_shared>>
        tpu.wait_indirect_dma semaphore(%run_scoped3A : memref<!tpu.dma_semaphore, #tpu.memory_space<semaphore_mem>>) src(%arg18 : memref<32x128xf32, #tpu.memory_space<vmem>>) dst(%dma_wait3A_577 : memref<1024x128xf32, #tpu.memory_space<vmem_shared>>)
        tpu.yield
      }) : () -> ()
    } else {
    }
    %barrier3A_571 = arith.constant 0 : index
    tpu.barrier barrier_id(%barrier3A_571)
    "tpu.region"() ({
      %run_scoped3A = tpu.sem_alloc : memref<!tpu.dma_semaphore, #tpu.memory_space<semaphore_mem>>
      %dma_start3A_572 = arith.constant 0 : i32
      %dma_start3A_573 = tpu.memref_slice %arg8[%arg0, %mul3A_51, %dma_start3A_572] : memref<2x1024x128xf32, #tpu.memory_space<hbm>> -> memref<1x64x128xf32, #tpu.memory_space<hbm>>
      %dma_start3A_574 = tpu.memref_squeeze %dma_start3A_573 : memref<1x64x128xf32, #tpu.memory_space<hbm>> -> memref<64x128xf32, #tpu.memory_space<hbm>>
      %dma_start3A_575 = arith.constant 0 : i32
      %dma_start3A_576 = tpu.memref_slice %arg21[%mul3A_51, %dma_start3A_575] : memref<1024x128xf32, #tpu.memory_space<vmem_shared>> -> memref<64x128xf32, #tpu.memory_space<vmem_shared>>
      tpu.enqueue_dma source(%dma_start3A_576 : memref<64x128xf32, #tpu.memory_space<vmem_shared>>) target(%dma_start3A_574 : memref<64x128xf32, #tpu.memory_space<hbm>>) target_semaphore(%run_scoped3A : memref<!tpu.dma_semaphore, #tpu.memory_space<semaphore_mem>>)
      %dma_wait3A_577 = arith.constant 0 : i32
      %dma_wait3A_578 = tpu.memref_slice %arg8[%arg0, %mul3A_51, %dma_wait3A_577] : memref<2x1024x128xf32, #tpu.memory_space<hbm>> -> memref<1x64x128xf32, #tpu.memory_space<hbm>>
      %dma_wait3A_579 = tpu.memref_squeeze %dma_wait3A_578 : memref<1x64x128xf32, #tpu.memory_space<hbm>> -> memref<64x128xf32, #tpu.memory_space<hbm>>
      %dma_wait3A_580 = arith.constant 0 : i32
      %dma_wait3A_581 = tpu.memref_slice %arg21[%mul3A_51, %dma_wait3A_580] : memref<1024x128xf32, #tpu.memory_space<vmem_shared>> -> memref<64x128xf32, #tpu.memory_space<vmem_shared>>
      tpu.wait_dma2 semaphore(%run_scoped3A : memref<!tpu.dma_semaphore, #tpu.memory_space<semaphore_mem>>) src(%dma_wait3A_581 : memref<64x128xf32, #tpu.memory_space<vmem_shared>>) dst(%dma_wait3A_579 : memref<64x128xf32, #tpu.memory_space<hbm>>)
      tpu.yield
    }) : () -> ()
    "tpu.region"() ({
      %run_scoped3A = tpu.sem_alloc : memref<!tpu.dma_semaphore, #tpu.memory_space<semaphore_mem>>
      %dma_start3A_572 = arith.constant 0 : i32
      %dma_start3A_573 = tpu.memref_slice %arg9[%arg0, %mul3A_51, %dma_start3A_572] : memref<2x1024x128xf32, #tpu.memory_space<hbm>> -> memref<1x64x128xf32, #tpu.memory_space<hbm>>
      %dma_start3A_574 = tpu.memref_squeeze %dma_start3A_573 : memref<1x64x128xf32, #tpu.memory_space<hbm>> -> memref<64x128xf32, #tpu.memory_space<hbm>>
      %dma_start3A_575 = arith.constant 0 : i32
      %dma_start3A_576 = tpu.memref_slice %arg22[%mul3A_51, %dma_start3A_575] : memref<1024x128xf32, #tpu.memory_space<vmem_shared>> -> memref<64x128xf32, #tpu.memory_space<vmem_shared>>
      tpu.enqueue_dma source(%dma_start3A_576 : memref<64x128xf32, #tpu.memory_space<vmem_shared>>) target(%dma_start3A_574 : memref<64x128xf32, #tpu.memory_space<hbm>>) target_semaphore(%run_scoped3A : memref<!tpu.dma_semaphore, #tpu.memory_space<semaphore_mem>>)
      %dma_wait3A_577 = arith.constant 0 : i32
      %dma_wait3A_578 = tpu.memref_slice %arg9[%arg0, %mul3A_51, %dma_wait3A_577] : memref<2x1024x128xf32, #tpu.memory_space<hbm>> -> memref<1x64x128xf32, #tpu.memory_space<hbm>>
      %dma_wait3A_579 = tpu.memref_squeeze %dma_wait3A_578 : memref<1x64x128xf32, #tpu.memory_space<hbm>> -> memref<64x128xf32, #tpu.memory_space<hbm>>
      %dma_wait3A_580 = arith.constant 0 : i32
      %dma_wait3A_581 = tpu.memref_slice %arg22[%mul3A_51, %dma_wait3A_580] : memref<1024x128xf32, #tpu.memory_space<vmem_shared>> -> memref<64x128xf32, #tpu.memory_space<vmem_shared>>
      tpu.wait_dma2 semaphore(%run_scoped3A : memref<!tpu.dma_semaphore, #tpu.memory_space<semaphore_mem>>) src(%dma_wait3A_581 : memref<64x128xf32, #tpu.memory_space<vmem_shared>>) dst(%dma_wait3A_579 : memref<64x128xf32, #tpu.memory_space<hbm>>)
      tpu.yield
    }) : () -> ()
    return
  }
}

module attributes {stable_mosaic.version = 14 : i64} {
  func.func @_tc_loss_body(%arg0: memref<1024x128xf32, #tpu.memory_space<vmem>>, %arg1: memref<2x1024x128xf32, #tpu.memory_space<vmem>>, %arg2: memref<2x1024x128xf32, #tpu.memory_space<vmem>>, %arg3: memref<1024x128xi32, #tpu.memory_space<vmem>>, %arg4: memref<1024x1xi32, #tpu.memory_space<vmem>>, %arg5: memref<1x1xf32, #tpu.memory_space<vmem>>) attributes {dimension_semantics = [], scalar_prefetch = 0 : i64, scratch_operands = 0 : i64, tpu.core_type = #tpu.core_type<tc>} {
    %get3A = arith.constant 0 : index
    %get3A_0 = arith.constant 0 : index
    %get3A_1 = vector.load %arg0[%get3A, %get3A_0] : memref<1024x128xf32, #tpu.memory_space<vmem>>, vector<1024x128xf32>
    %mul3A = arith.mulf %get3A_1, %get3A_1 : vector<1024x128xf32>
    %reduce_sum3A = arith.constant dense<0.000000e+00> : vector<1024xf32>
    %reduce_sum3A_2 = vector.multi_reduction <add>, %mul3A, %reduce_sum3A [1] : vector<1024x128xf32> to vector<1024xf32>
    %broadcast_in_dim3A = vector.shape_cast %reduce_sum3A_2 : vector<1024xf32> to vector<1024x1xf32>
    %sqrt3A = math.sqrt %broadcast_in_dim3A : vector<1024x1xf32>
    %jit3A = arith.constant 9.99999996E-13 : f32
    %max3A = vector.broadcast %jit3A : f32 to vector<1024x1xf32>
    %max3A_3 = arith.maximumf %max3A, %sqrt3A : vector<1024x1xf32>
    %div3A = vector.broadcast %max3A_3 : vector<1024x1xf32> to vector<1024x128xf32>
    %div3A_4 = arith.divf %get3A_1, %div3A : vector<1024x128xf32>
    %get3A_5 = arith.constant 0 : index
    %get3A_6 = arith.constant 0 : index
    %get3A_7 = arith.constant 0 : index
    %get3A_8 = vector.load %arg1[%get3A_5, %get3A_6, %get3A_7] : memref<2x1024x128xf32, #tpu.memory_space<vmem>>, vector<1x1024x128xf32>
    %get3A_9 = vector.shape_cast %get3A_8 : vector<1x1024x128xf32> to vector<1024x128xf32>
    %get3A_10 = arith.constant 1 : index
    %get3A_11 = arith.constant 0 : index
    %get3A_12 = arith.constant 0 : index
    %get3A_13 = vector.load %arg1[%get3A_10, %get3A_11, %get3A_12] : memref<2x1024x128xf32, #tpu.memory_space<vmem>>, vector<1x1024x128xf32>
    %get3A_14 = vector.shape_cast %get3A_13 : vector<1x1024x128xf32> to vector<1024x128xf32>
    %add3A = arith.addf %get3A_9, %get3A_14 : vector<1024x128xf32>
    %get3A_15 = arith.constant 0 : index
    %get3A_16 = arith.constant 0 : index
    %get3A_17 = arith.constant 0 : index
    %get3A_18 = vector.load %arg2[%get3A_15, %get3A_16, %get3A_17] : memref<2x1024x128xf32, #tpu.memory_space<vmem>>, vector<1x1024x1xf32>
    %get3A_19 = vector.shape_cast %get3A_18 : vector<1x1024x1xf32> to vector<1024x1xf32>
    %get3A_20 = arith.constant 1 : index
    %get3A_21 = arith.constant 0 : index
    %get3A_22 = arith.constant 0 : index
    %get3A_23 = vector.load %arg2[%get3A_20, %get3A_21, %get3A_22] : memref<2x1024x128xf32, #tpu.memory_space<vmem>>, vector<1x1024x1xf32>
    %get3A_24 = vector.shape_cast %get3A_23 : vector<1x1024x1xf32> to vector<1024x1xf32>
    %add3A_25 = arith.addf %get3A_19, %get3A_24 : vector<1024x1xf32>
    %dot_general3A = arith.constant dense<0.000000e+00> : vector<1024x1024xf32>
    %dot_general3A_26 = tpu.matmul %add3A, %div3A_4, %dot_general3A {dimension_numbers = #tpu.dot_dimension_numbers<[1], [1], [0], [0], [0, 0, 1, 0], [], []>, precision = #tpu.contract_precision<fp32>, transpose_lhs_hint = false} : vector<1024x128xf32>, vector<1024x128xf32>, vector<1024x1024xf32> -> vector<1024x1024xf32>
    %iota3A = tpu.iota {dimensions = array<i32: 0>} : vector<1024x1xi32>
    %lt3A = arith.constant 1000 : i32
    %lt3A_27 = vector.broadcast %lt3A : i32 to vector<1024x1xi32>
    %lt3A_28 = arith.cmpi slt, %iota3A, %lt3A_27 : vector<1024x1xi32>
    %gt3A = arith.constant 0.000000e+00 : f32
    %gt3A_29 = vector.broadcast %gt3A : f32 to vector<1024x1xf32>
    %gt3A_30 = arith.cmpf ogt, %add3A_25, %gt3A_29 : vector<1024x1xf32>
    %and3A = arith.andi %gt3A_30, %lt3A_28 : vector<1024x1xi1>
    %convert_element_type3A = arith.extui %and3A : vector<1024x1xi1> to vector<1024x1xi32>
    %convert_element_type3A_31 = arith.sitofp %convert_element_type3A : vector<1024x1xi32> to vector<1024x1xf32>
    %mul3A_32 = arith.mulf %convert_element_type3A_31, %add3A_25 : vector<1024x1xf32>
    %sub3A = arith.constant 1.000000e+00 : f32
    %sub3A_33 = vector.broadcast %sub3A : f32 to vector<1024x1xf32>
    %sub3A_34 = arith.subf %sub3A_33, %convert_element_type3A_31 : vector<1024x1xf32>
    %add3A_35 = arith.addf %mul3A_32, %sub3A_34 : vector<1024x1xf32>
    %div3A_36 = arith.constant 5.000000e-02 : f32
    %div3A_37 = vector.broadcast %div3A_36 : f32 to vector<1024x1024xf32>
    %div3A_38 = arith.divf %dot_general3A_26, %div3A_37 : vector<1024x1024xf32>
    %div3A_39 = vector.broadcast %add3A_35 : vector<1024x1xf32> to vector<1024x1024xf32>
    %div3A_40 = arith.divf %div3A_38, %div3A_39 : vector<1024x1024xf32>
    %gt3A_41 = arith.constant 0.000000e+00 : f32
    %gt3A_42 = vector.broadcast %gt3A_41 : f32 to vector<1024x1xf32>
    %gt3A_43 = arith.cmpf ogt, %convert_element_type3A_31, %gt3A_42 : vector<1024x1xf32>
    %jit3A_44 = arith.constant 0.000000e+00 : f32
    %broadcast_in_dim3A_45 = vector.shape_cast %gt3A_43 : vector<1024x1xi1> to vector<1024x1xi1>
    %broadcast_in_dim3A_46 = vector.broadcast %broadcast_in_dim3A_45 : vector<1024x1xi1> to vector<1024x1024xi1>
    %broadcast_in_dim3A_47 = vector.broadcast %jit3A_44 : f32 to vector<1024x1024xf32>
    %select_n3A = arith.select %broadcast_in_dim3A_46, %div3A_40, %broadcast_in_dim3A_47 : vector<1024x1024xi1>, vector<1024x1024xf32>
    %exp3A = math.exp %select_n3A : vector<1024x1024xf32>
    %mul3A_48 = vector.broadcast %convert_element_type3A_31 : vector<1024x1xf32> to vector<1024x1024xf32>
    %mul3A_49 = arith.mulf %exp3A, %mul3A_48 : vector<1024x1024xf32>
    %reduce_sum3A_50 = arith.constant dense<0.000000e+00> : vector<1024xf32>
    %reduce_sum3A_51 = vector.multi_reduction <add>, %mul3A_49, %reduce_sum3A_50 [0] : vector<1024x1024xf32> to vector<1024xf32>
    %broadcast_in_dim3A_52 = vector.shape_cast %reduce_sum3A_51 : vector<1024xf32> to vector<1x1024xf32>
    %add3A_53 = arith.constant 9.99999997E-7 : f32
    %add3A_54 = vector.broadcast %add3A_53 : f32 to vector<1x1024xf32>
    %add3A_55 = arith.addf %broadcast_in_dim3A_52, %add3A_54 : vector<1x1024xf32>
    %div3A_56 = vector.broadcast %add3A_55 : vector<1x1024xf32> to vector<1024x1024xf32>
    %div3A_57 = arith.divf %mul3A_49, %div3A_56 : vector<1024x1024xf32>
    %add3A_58 = arith.constant 9.99999997E-7 : f32
    %add3A_59 = vector.broadcast %add3A_58 : f32 to vector<1024x1024xf32>
    %add3A_60 = arith.addf %div3A_57, %add3A_59 : vector<1024x1024xf32>
    %log3A = math.log %add3A_60 : vector<1024x1024xf32>
    %get3A_61 = arith.constant 0 : index
    %get3A_62 = arith.constant 0 : index
    %get3A_63 = vector.load %arg4[%get3A_61, %get3A_62] : memref<1024x1xi32, #tpu.memory_space<vmem>>, vector<1024x1xi32>
    %and3A_64 = arith.constant 127 : i32
    %and3A_65 = vector.broadcast %and3A_64 : i32 to vector<1024x1xi32>
    %and3A_66 = arith.andi %get3A_63, %and3A_65 : vector<1024x1xi32>
    %iota3A_67 = tpu.iota {dimensions = array<i32: 1>} : vector<1024x128xi32>
    %eq3A = vector.broadcast %and3A_66 : vector<1024x1xi32> to vector<1024x128xi32>
    %eq3A_68 = arith.cmpi eq, %iota3A_67, %eq3A : vector<1024x128xi32>
    %get3A_69 = arith.constant 0 : index
    %get3A_70 = arith.constant 0 : index
    %get3A_71 = vector.load %arg3[%get3A_69, %get3A_70] : memref<1024x128xi32, #tpu.memory_space<vmem>>, vector<1024x128xi32>
    %jit3A_72 = arith.constant 0 : i32
    %broadcast_in_dim3A_73 = vector.broadcast %jit3A_72 : i32 to vector<1024x128xi32>
    %select_n3A_74 = arith.select %eq3A_68, %get3A_71, %broadcast_in_dim3A_73 : vector<1024x128xi1>, vector<1024x128xi32>
    %reduce_sum3A_75 = arith.constant dense<0> : vector<1024xi32>
    %reduce_sum3A_76 = vector.multi_reduction <add>, %select_n3A_74, %reduce_sum3A_75 [1] : vector<1024x128xi32> to vector<1024xi32>
    %broadcast_in_dim3A_77 = vector.shape_cast %reduce_sum3A_76 : vector<1024xi32> to vector<1024x1xi32>
    %convert_element_type3A_78 = arith.sitofp %broadcast_in_dim3A_77 : vector<1024x1xi32> to vector<1024x1xf32>
    %iota3A_79 = tpu.iota {dimensions = array<i32: 0>} : vector<1024x1024xi32>
    %iota3A_80 = tpu.iota {dimensions = array<i32: 1>} : vector<1024x1024xi32>
    %eq3A_81 = arith.cmpi eq, %iota3A_79, %iota3A_80 : vector<1024x1024xi32>
    %convert_element_type3A_82 = arith.extui %eq3A_81 : vector<1024x1024xi1> to vector<1024x1024xi32>
    %convert_element_type3A_83 = arith.sitofp %convert_element_type3A_82 : vector<1024x1024xi32> to vector<1024x1024xf32>
    %dot_general3A_84 = arith.constant dense<0.000000e+00> : vector<1x1024xf32>
    %dot_general3A_85 = tpu.matmul %convert_element_type3A_78, %convert_element_type3A_83, %dot_general3A_84 {dimension_numbers = #tpu.dot_dimension_numbers<[0], [0], [1], [1], [0, 1, 1, 1], [], []>, precision = #tpu.contract_precision<fp32>, transpose_lhs_hint = false} : vector<1024x1xf32>, vector<1024x1024xf32>, vector<1x1024xf32> -> vector<1x1024xf32>
    %iota3A_86 = tpu.iota {dimensions = array<i32: 0>} : vector<1024x1024xi32>
    %convert_element_type3A_87 = arith.fptosi %dot_general3A_85 : vector<1x1024xf32> to vector<1x1024xi32>
    %eq3A_88 = vector.broadcast %convert_element_type3A_87 : vector<1x1024xi32> to vector<1024x1024xi32>
    %eq3A_89 = arith.cmpi eq, %iota3A_86, %eq3A_88 : vector<1024x1024xi32>
    %jit3A_90 = arith.constant 0.000000e+00 : f32
    %broadcast_in_dim3A_91 = vector.broadcast %jit3A_90 : f32 to vector<1024x1024xf32>
    %select_n3A_92 = arith.select %eq3A_89, %log3A, %broadcast_in_dim3A_91 : vector<1024x1024xi1>, vector<1024x1024xf32>
    %reduce_sum3A_93 = vector.shape_cast %select_n3A_92 : vector<1024x1024xf32> to vector<1x1024x1024xf32>
    %reduce_sum3A_94 = arith.constant dense<0.000000e+00> : vector<1xf32>
    %reduce_sum3A_95 = vector.multi_reduction <add>, %reduce_sum3A_93, %reduce_sum3A_94 [1, 2] : vector<1x1024x1024xf32> to vector<1xf32>
    %reduce_sum3A_96 = vector.shape_cast %reduce_sum3A_95 : vector<1xf32> to vector<1x1x1xf32>
    %reduce_sum3A_97 = vector.extract %reduce_sum3A_96[0, 0, 0] : f32 from vector<1x1x1xf32>
    %neg3A = arith.constant 0.000000e+00 : f32
    %neg3A_98 = arith.subf %neg3A, %reduce_sum3A_97 : f32
    %div3A_99 = arith.constant 1.024000e+03 : f32
    %div3A_100 = arith.divf %neg3A_98, %div3A_99 : f32
    %reshape3A = vector.broadcast %div3A_100 : f32 to vector<1x1xf32>
    %swap3A = arith.constant 0 : index
    %swap3A_101 = arith.constant 0 : index
    %swap3A_102 = vector.load %arg5[%swap3A, %swap3A_101] : memref<1x1xf32, #tpu.memory_space<vmem>>, vector<1x1xf32>
    tpu.vector_store %arg5[%swap3A, %swap3A_101], %reshape3A {strides = array<i32>} : memref<1x1xf32, #tpu.memory_space<vmem>>, vector<1x1xf32>,
    return
  }
}

</mosaic_0001>

<sc_bundles>
// kernel: kernel.4.cloned.1.call-start
scs
__scs_entry_jumppad:
0x0: {  	(pc) =	sbr.rel $0x88, $3  }
0x1: {  	(tag) =	ssettag $0x0;
	lr =	simm.s32 $0x1  }
0x2: {  	[smem:$0x3F9D] =	sst lr;
	_ =	strace $0xD0000000  }
0x3: {  	_ = 	snop  }
0x4: {  	_ = 	snop  }
0x5: {  	_ = 	snop  }
0x6: {  	_ = 	snop  }
0x7: {  	_ = 	snop  }
__scs_overlays_trampoline_lowered:
0x8: {  	[smem:$0x3FAC] =	sst s0  }
0x9: {  	[smem:$0x3FAD] =	sst s1  }
0xa: {  	[smem:$0x3FAE] =	sst s2  }
0xb: {  	[smem:$0x3FAF] =	sst s3  }
0xc: {  	[smem:$0x3FB0] =	sst s4  }
0xd: {  	[smem:$0x3FB1] =	sst s5  }
0xe: {  	[smem:$0x3FB2] =	sst s6  }
0xf: {  	[smem:$0x3FB3] =	sst s7  }
0x10: {  	[smem:$0x3FB4] =	sst s8  }
0x11: {  	[smem:$0x3FB5] =	sst s9;
	s0 =	simm.s32 @!p0 $0x0  }
0x12: {  	s1 =	sld [smem:$0x3F9B];
	s0 =	simm.s32 @p0 $0x1  }
0x13: {  	[smem:$0x3FB6] =	sst s0;
	s0 =	simm.s32 @!p1 $0x0  }
0x14: {  	s2 =	sld [smem:$0x3F9A];
	s0 =	simm.s32 @p1 $0x1  }
0x15: {  	[smem:$0x3FB7] =	sst s0;
	s0 =	simm.s32 @!p2 $0x0  }
0x16: {  	s3 =	sld [smem:$0x3FDB];
	s0 =	simm.s32 @p2 $0x1  }
0x17: {  	s4 =	simm.s32 $0x1BF5;
	[smem:$0x3FB9] =	sst s0  }
0x18: {  	s0 =	sld [smem:$0x3F9C];
	_ =	swait.ge [sflag:s4], $0x0  }
0x19: {  	s7 =	sld [smem:$0x3F9D]  }
0x1a: {  	s8 =	sadd.s32 $0xFFFFE003, lr  }
0x1b: {  	s9 =	sadd.s32 $0xFFFFFEF7, lr;
	s5 =	simm.s32 $0xFFFFFFFF;
	p2 =	slt.u32 s8, $0xFFFFF086  }
0x1c: {  	p1 =	slt.u32 s9, $0xF7A;
	s5 =	simm.s32 @!p2 $0x0  }
0x1d: {  	s5 =	simm.s32 @p1 $0x1;
	p0 =	seq.s32 s7, s2  }
0x1e: {  	s7 =	smul.u32 @!p0 $0xF7A, s2;
	p2 =	seq.s32 @!p0 s5, $0x0  }
0x1f: {  	s9 =	smul.u32 $0xF7A, s1;
	s8 =	simm.s32 @!p0 $0x1BF5;
	p2 =	por !p2, p0  }
0x20: {  	[sflag:s8] =	ssyncset.s32 @!p0 $0xFFFFF086;
	s6 =	sadd.s32 @!p0 s3, s7;
	s7 =	simm.s32 @!p0 $0x108  }
0x21: {  	s3 =	sadd.s32 s3, s9;
	s6 =	sadd.s32 @!p0 $0x88, s6;
	s7 =	simm.s32 @p2 $0x1082  }
0x22: {  	[simem:s7], [sflag:s8] =	dma.local @!p0 [hbm:s6], $0xF7A  }
0x23: {  	s9 =	sor.u32 $0xD0000000, s2;
	s6 =	simm.s32 $0x108;
	_ =	swait.ge @!p0 [sflag:s8], $0x0  }
0x24: {  	s3 =	sadd.s32 $0x88, s3;
	s6 =	simm.s32 @!p1 $0x1082;
	[sflag:s4] =	ssyncset.s32 $0xFFFFF086  }
0x25: {  	[simem:s6], [sflag:s4] =	dma.local [hbm:s3], $0xF7A  }
0x26: {  	[smem:$0x3F9D] =	sst s1;
	(tag) =	ssettag s2;
	_ =	strace s9  }
0x27: {  	s1 =	sld [smem:$0x3FAD]  }
0x28: {  	s2 =	sld [smem:$0x3FAE]  }
0x29: {  	s4 =	sld [smem:$0x3FB0]  }
0x2a: {  	p0 =	seq.s32 s5, $0x0;
	s5 =	sld [smem:$0x3FB1]  }
0x2b: {  	s6 =	sld [smem:$0x3FB2]  }
0x2c: {  	s7 =	sld [smem:$0x3FB3]  }
0x2d: {  	s3 =	simm.s32 $0x108;
	s8 =	sld [smem:$0x3FB4]  }
0x2e: {  	s3 =	simm.s32 @!p0 $0x1082;
	s9 =	sld [smem:$0x3FB5]  }
0x2f: {  	lr =	sadd.s32 s0, s3;
	s0 =	sld [smem:$0x3FAC]  }
0x30: {  	s3 =	sld [smem:$0x3FAF]  }
0x31: {  	[smem:$0x3FB8] =	sst s10  }
0x32: {  	s10 =	sld [smem:$0x3FB6];
	_ =	sdelay $0x3  }
0x33: {  	p0 =	seq.s32 s10, $0x1;
	s10 =	sld [smem:$0x3FB8];
	_ =	sdelay $0x3  }
0x34: {  	[smem:$0x3FB8] =	sst s10  }
0x35: {  	s10 =	sld [smem:$0x3FB7];
	_ =	sdelay $0x3  }
0x36: {  	p1 =	seq.s32 s10, $0x1;
	s10 =	sld [smem:$0x3FB8];
	_ =	sdelay $0x3  }
0x37: {  	[smem:$0x3FB8] =	sst s10  }
0x38: {  	s10 =	sld [smem:$0x3FB9]  }
0x39: {  	_ = 	snop;
	(pc) =	sbr.ind lr, $3  }
0x3a: {  	_ = 	snop  }
0x3b: {  	_ = 	snop  }
0x3c: {  	p2 =	seq.s32 s10, $0x1;
	s10 =	sld [smem:$0x3FB8]  }
0x3d: {  	_ =	shalt  }
0x3e: {  	_ =	shalt  }
0x3f: {  	_ =	shalt  }
0x40: {  	_ =	shalt  }
0x41: {  	_ =	shalt  }
0x42: {  	_ =	shalt  }
0x43: {  	_ =	shalt  }
0x44: {  	_ =	shalt  }
0x45: {  	_ =	shalt  }
0x46: {  	_ =	shalt  }
0x47: {  	_ =	shalt  }
0x48: {  	_ =	shalt  }
0x49: {  	_ =	shalt  }
0x4a: {  	_ =	shalt  }
0x4b: {  	_ =	shalt  }
0x4c: {  	_ =	shalt  }
0x4d: {  	_ =	shalt  }
0x4e: {  	_ =	shalt  }
0x4f: {  	_ =	shalt  }
0x50: {  	_ =	shalt  }
0x51: {  	_ =	shalt  }
0x52: {  	_ =	shalt  }
0x53: {  	_ =	shalt  }
0x54: {  	_ =	shalt  }
0x55: {  	_ =	shalt  }
0x56: {  	_ =	shalt  }
0x57: {  	_ =	shalt  }
0x58: {  	_ =	shalt  }
0x59: {  	_ =	shalt  }
0x5a: {  	_ =	shalt  }
0x5b: {  	_ =	shalt  }
0x5c: {  	_ =	shalt  }
0x5d: {  	_ =	shalt  }
0x5e: {  	_ =	shalt  }
0x5f: {  	_ =	shalt  }
0x60: {  	_ =	shalt  }
0x61: {  	_ =	shalt  }
0x62: {  	_ =	shalt  }
0x63: {  	_ =	shalt  }
0x64: {  	_ =	shalt  }
0x65: {  	_ =	shalt  }
0x66: {  	_ =	shalt  }
0x67: {  	_ =	shalt  }
0x68: {  	_ =	shalt  }
0x69: {  	_ =	shalt  }
0x6a: {  	_ =	shalt  }
0x6b: {  	_ =	shalt  }
0x6c: {  	_ =	shalt  }
0x6d: {  	_ =	shalt  }
0x6e: {  	_ =	shalt  }
0x6f: {  	_ =	shalt  }
0x70: {  	_ =	shalt  }
0x71: {  	_ =	shalt  }
0x72: {  	_ =	shalt  }
0x73: {  	_ =	shalt  }
0x74: {  	_ =	shalt  }
0x75: {  	_ =	shalt  }
0x76: {  	_ =	shalt  }
0x77: {  	_ =	shalt  }
0x78: {  	_ =	shalt  }
0x79: {  	_ =	shalt  }
0x7a: {  	_ =	shalt  }
0x7b: {  	_ =	shalt  }
0x7c: {  	_ =	shalt  }
0x7d: {  	_ =	shalt  }
0x7e: {  	_ =	shalt  }
0x7f: {  	_ =	shalt  }
0x80: {  	_ =	shalt  }
0x81: {  	_ =	shalt  }
0x82: {  	_ =	shalt  }
0x83: {  	_ =	shalt  }
0x84: {  	_ =	shalt  }
0x85: {  	_ =	shalt  }
0x86: {  	_ =	shalt  }
0x87: {  	_ =	shalt  }
.Lfunc_end0:
.L_simem_size_0:
called_computation_lowered:
.L_overlay_start_0:
0x88: {  	s2 =	sld [smem:$0x3FD9]  }
0x89: {  	s3 =	sld [smem:$0x3FFE];
	_ =	sdelay $0x1  }
0x8a: {  	s1 =	srdreg.scid  }
0x8b: {  	s0 =	sand.u32 $0x1, s1  }
0x8c: {  	s17 =	sshll.u32 s0, $0xA;
	s2 =	sadd.s32 s3, s2  }
0x8d: {  	s2 =	sadd.s32 s2, s17  }
0x8e: {  	[smem:$0x3FC4] =	sst s2  }
0x8f: {  	_ = 	snop  }
0x90: {  	s2 =	sld [smem:$0x3FC8]  }
0x91: {  	s18 =	sld [smem:$0x3FC7]  }
0x92: {  	s4 =	sld [smem:$0x3FC6];
	(tm) =	ssettm $0x1  }
0x93: {  	s5 =	sld [smem:$0x3FFB];
	_ =	sdelay $0x3  }
0x94: {  	_ =	strace s5  }
0x95: {  	s5 =	sld [smem:$0x3FFC];
	_ =	sdelay $0x3  }
0x96: {  	_ =	strace s5  }
0x97: {  	s5 =	sld [smem:$0x3FFD];
	_ =	sdelay $0x3  }
0x98: {  	_ =	strace s5  }
0x99: {  	_ =	strace $0x8FFFFFFF  }
0x9a: {  	s19 =	sld [smem:$0x3FDB];
	_ =	sdelay $0x1  }
0x9b: {  	s6 =	simm.s32 $_scs_section_size  }
0x9c: {  	s7 =	simm.s32 $_size__tile_overlayer_lowered;
	s8 =	simm.s32 $_tile_overlayer_lowered  }
0x9d: {  	s22 =	simm.s32 $0x1BFF;
	s21 =	sshll.u32 s8, $0x1;
	s5 =	sadd.s32 s6, s19  }
0x9e: {  	s9 =	simm.s32 $0x0;
	s20 =	sshll.u32 s7, $0x1;
	s7 =	sadd.s32 s21, s5  }
0x9f: {  	[timem:s9], [sflag:s22] =	dma.local [hbm:s7], s20  }
0xa0: {  	_ =	swait.ge [sflag:s22], s20  }
0xa1: {  	s6 =	ssub.s32 $0x0, s20;
	[sflag:s22] =	ssyncset.done $0x0  }
0xa2: {  	[sflag:s22] =	ssyncadd.s32 s6;
	_ =	sdelay $0x1  }
0xa3: {  	s23 =	simm.s32 $0x1B8B  }
0xa4: {  	_ =	swait.ge [sflag:s23], $0x1  }
0xa5: {  	[sflag:s23] =	ssyncset.done $0x0  }
0xa6: {  	s25 =	simm.s32 $0x1B8E;
	s24 =	sld [smem:$0x3FFE];
	[sflag:s23] =	ssyncadd.s32 $0xFFFFFFFF  }
0xa7: {  	s26 =	simm.s32 $execute0_lowered;
	[smem:$0x3FD2] =	sst s25  }
0xa8: {  	s7 =	sshll.u32 s26, $0x1;
	_ =	strace $0x80000046;
	[dreg:$0x1] =	wrdreg $0xFFFFFFFF  }
0xa9: {  	s28 =	simm.s32 $_size_execute0_lowered;
	s5 =	sadd.s32 s5, s7;
	[dreg:$0x0] =	wrdreg $0x0  }
0xaa: {  	s7 =	sshll.u32 s28, $0x1;
	[dreg:$0x2] =	wrdreg s5  }
0xab: {  	[dreg:$0x3] =	wrdreg s7  }
0xac: {  	[dreg:$0x4] =	wrdreg $0xC0  }
0xad: {  	_ =	task [dreg:s9], $0x5FFFF  }
0xae: {  	[dreg:$0x1] =	wrdreg $0xFFFFFFFF  }
0xaf: {  	[dreg:$0x0] =	wrdreg $0x60  }
0xb0: {  	[dreg:$0x2] =	wrdreg s2  }
0xb1: {  	[dreg:$0x3] =	wrdreg s4  }
0xb2: {  	[dreg:$0x4] =	wrdreg s24  }
0xb3: {  	[dreg:$0x5] =	wrdreg s18  }
0xb4: {  	[dreg:$0x6] =	wrdreg $0xF2000  }
0xb5: {  	[dreg:$0x7] =	wrdreg $0x112000  }
0xb6: {  	[dreg:$0x8] =	wrdreg $0x9  }
0xb7: {  	_ =	task.clear_ibuf [dreg:s9], $0x9FFFF;
	_ =	strace $0x90000046  }
0xb8: {  	s29 =	simm.s32 $0x9;
	_ =	strace $0x80000048  }
0xb9: {  	_ =	swait.ge [sflag:s29], $0x1  }
0xba: {  	[sflag:s29] =	ssyncadd.s32 $0xFFFFFFFF  }
0xbb: {  	_ =	strace $0x90000048  }
0xbc: {  	_ =	sfence  }
0xbd: {  	s30 =	sld [smem:$0x0];
	_ =	sdelay $0x2  }
0xbe: {  	s31 =	sshll.u32 s1, $0xD;
	s1 =	sshrl.u32 s1, $0x2  }
0xbf: {  	s3 =	sand.u32 $0x4000, s31;
	s1 =	sadd.s32 s1, s30  }
0xc0: {  	s0 =	sor.u32 s3, s0;
	s1 =	sshll.u32 s1, $0x11  }
0xc1: {  	s0 =	sor.u32 s1, s0  }
0xc2: {  	s0 =	sadd.s32 $0x8F2B, s0  }
0xc3: {  	[sflag:s0] =	ssyncadd.remote.s32 $0x1  }
0xc4: {  	_ =	sfence.sel $0xFFFF  }
0xc5: {  	[dreg:$0x0] =	wrdreg $0xFFFFFFFF;
	(pc) =	sbr.abs _section_cstart, $3  }
0xc6: {  	[dreg:$0x1] =	wrdreg $0xFFFFFFFF  }
0xc7: {  	_ =	task.clear_ibuf [dreg:s9], $0x2FFFF;
	_ =	strace $0x9FFFFFFF  }
0xc8: {  	(tm) =	ssettm $0x7FFFFFFF  }
0xc9: {  	_ =	shalt  }
tec
execute0_lowered:
.L_overlay_start_1:
0x0: {  	(tag) =	ssettag $0x1  }
0x1: {  	s9 =	rddreg [dreg:$0x0]  }
0x2: {  	s8 =	rddreg [dreg:$0x1]  }
0x3: {  	s10 =	rddreg [dreg:$0x2]  }
0x4: {  	s5 =	rddreg [dreg:$0x3]  }
0x5: {  	s1 =	rddreg [dreg:$0x4]  }
0x6: {  	s2 =	rddreg [dreg:$0x5];
	s3 =	srdreg.scid  }
0x7: {  	s0 =	rddreg [dreg:$0x6];
	s11 =	sand.u32 $0x1, s3  }
0x8: {  	s4 =	simm.s32 $0x0;
	s3 =	stileid.u32;
	s6 =	sshll.u32 s11, $0x4  }
0x9: {  	[smem:$0x7FF] =	sst s4;
	s17 =	sor.u32 s3, s6  }
0xa: {  	_ =	strace $0x80000047;
	s6 =	sshll.u32 s17, $0xB;
	s7 =	sshll.u32 s17, $0x9  }
0xb: {  	s12 =	sshll.u32 s17, $0x4;
	s13 =	sshll.u32 s17, $0x2;
	s6 =	sadd.s32 s9, s6  }
0xc: {  	p0 =	slt.u32 s17, $0xD;
	s12 =	sadd.s32 s8, s12;
	[dreg:$0x7] =	wrdreg s6  }
0xd: {  	s7 =	sadd.s32 s7, s10;
	s5 =	sadd.s32 s5, s13;
	[dreg:$0x8] =	wrdreg s12  }
0xe: {  	s13 =	sshll.u32 s17, $0x7;
	s12 =	sshll.u32 s3, $0xD;
	[dreg:$0x9] =	wrdreg s5  }
0xf: {  	s14 =	sadd.s32 $0x15000, s7;
	s18 =	sor.u32 $0x1000, s13;
	s20 =	sor.u32 $0x2000, s13  }
0x10: {  	s26 =	sor.u32 $0x3000, s13;
	s29 =	sor.u32 $0x4000, s13;
	[dreg:$0xa] =	wrdreg s14  }
0x11: {  	s15 =	sadd.s32 s12, s1;
	s16 =	sadd.s32 s12, s2;
	s19 =	sshll.u32 s18, $0x4  }
0x12: {  	s6 =	sshrl.u32 s18, $0x3;
	s22 =	sshll.u32 s20, $0x4;
	s24 =	sshrl.u32 s20, $0x3  }
0x13: {  	s28 =	sshll.u32 s26, $0x4;
	s31 =	sshll.u32 s29, $0x4;
	[dreg:$0xb] =	wrdreg s15  }
0x14: {  	s18 =	sor.u32 $0x5000, s13;
	s20 =	sor.u32 $0x6000, s13;
	[dreg:$0xc] =	wrdreg s16  }
0x15: {  	s5 =	sadd.s32 s9, s19;
	s21 =	sadd.s32 s8, s6;
	s23 =	sadd.s32 s9, s22  }
0x16: {  	s25 =	sadd.s32 s8, s24;
	s6 =	sshrl.u32 s26, $0x3;
	s14 =	sadd.s32 s9, s31  }
0x17: {  	s15 =	sshrl.u32 s29, $0x3;
	s19 =	sshll.u32 s18, $0x4;
	[dreg:$0xd] =	wrdreg s5  }
0x18: {  	s22 =	sshll.u32 s20, $0x4;
	s24 =	sshrl.u32 s20, $0x3;
	[dreg:$0xe] =	wrdreg s21  }
0x19: {  	s26 =	sor.u32 $0x7000, s13;
	s29 =	sor.u32 $0x8000, s13;
	[dreg:$0xf] =	wrdreg s23  }
0x1a: {  	s20 =	sor.u32 $0xA000, s13;
	[dreg:$0x10] =	wrdreg s25;
	s5 =	sadd.s32 s9, s28  }
0x1b: {  	s30 =	sadd.s32 s8, s6;
	[dreg:$0x13] =	wrdreg s14;
	s16 =	sadd.s32 s8, s15  }
0x1c: {  	s6 =	sshrl.u32 s18, $0x3;
	s23 =	sadd.s32 s9, s22;
	s25 =	sadd.s32 s8, s24  }
0x1d: {  	s28 =	sshll.u32 s26, $0x4;
	s31 =	sshll.u32 s29, $0x4;
	[dreg:$0x11] =	wrdreg s5  }
0x1e: {  	s15 =	sshrl.u32 s29, $0x3;
	s18 =	sor.u32 $0x9000, s13;
	[dreg:$0x12] =	wrdreg s30  }
0x1f: {  	s22 =	sshll.u32 s20, $0x4;
	s24 =	sshrl.u32 s20, $0x3;
	[dreg:$0x14] =	wrdreg s16  }
0x20: {  	s29 =	sor.u32 $0xC000, s13;
	s20 =	sor.u32 $0xE000, s13;
	[dreg:$0x17] =	wrdreg s23  }
0x21: {  	s5 =	sadd.s32 s9, s19;
	s21 =	sadd.s32 s8, s6;
	[dreg:$0x18] =	wrdreg s25  }
0x22: {  	s6 =	sshrl.u32 s26, $0x3;
	s14 =	sadd.s32 s9, s31;
	[dreg:$0x15] =	wrdreg s5  }
0x23: {  	s16 =	sadd.s32 s8, s15;
	s19 =	sshll.u32 s18, $0x4;
	[dreg:$0x16] =	wrdreg s21  }
0x24: {  	s23 =	sadd.s32 s9, s22;
	s25 =	sadd.s32 s8, s24;
	[dreg:$0x1b] =	wrdreg s14  }
0x25: {  	s26 =	sor.u32 $0xB000, s13;
	s31 =	sshll.u32 s29, $0x4;
	[dreg:$0x1c] =	wrdreg s16  }
0x26: {  	s15 =	sshrl.u32 s29, $0x3;
	s22 =	sshll.u32 s20, $0x4;
	[dreg:$0x1f] =	wrdreg s23  }
0x27: {  	s24 =	sshrl.u32 s20, $0x3;
	s5 =	sadd.s32 s9, s28;
	[smem:$0x7DA] =	sst s25  }
0x28: {  	s29 =	sor.u32 $0x10000, s13;
	s30 =	sadd.s32 s8, s6;
	[dreg:$0x19] =	wrdreg s5  }
0x29: {  	s6 =	sshrl.u32 s18, $0x3;
	s14 =	sadd.s32 s9, s31;
	[dreg:$0x1a] =	wrdreg s30  }
0x2a: {  	s28 =	sshll.u32 s26, $0x4;
	s16 =	sadd.s32 s8, s15;
	[smem:$0x7DD] =	sst s14  }
0x2b: {  	s18 =	sor.u32 $0xD000, s13;
	s23 =	sadd.s32 s9, s22;
	[smem:$0x7DE] =	sst s16  }
0x2c: {  	s25 =	sadd.s32 s8, s24;
	s31 =	sshll.u32 s29, $0x4;
	[smem:$0x7E1] =	sst s23  }
0x2d: {  	s7 =	sshrl.u32 s29, $0x3;
	s5 =	sadd.s32 s9, s19;
	[smem:$0x7E2] =	sst s25  }
0x2e: {  	s21 =	sadd.s32 s8, s6;
	s6 =	sshrl.u32 s26, $0x3;
	[dreg:$0x1d] =	wrdreg s5  }
0x2f: {  	s19 =	sshll.u32 s18, $0x4;
	[dreg:$0x1e] =	wrdreg s21;
	s5 =	sadd.s32 s9, s28  }
0x30: {  	s26 =	sor.u32 $0xF000, s13;
	s30 =	sadd.s32 s8, s6;
	[smem:$0x7DB] =	sst s5  }
0x31: {  	s6 =	sshrl.u32 s18, $0x3;
	[smem:$0x7DC] =	sst s30;
	s5 =	sadd.s32 s9, s19  }
0x32: {  	s28 =	sshll.u32 s26, $0x4;
	s21 =	sadd.s32 s8, s6;
	[smem:$0x7DF] =	sst s5  }
0x33: {  	s6 =	sshrl.u32 s26, $0x3;
	[smem:$0x7E0] =	sst s21;
	s5 =	sadd.s32 s9, s28  }
0x34: {  	s14 =	sor.u32 $0x11000, s13;
	s30 =	sadd.s32 s8, s6;
	[smem:$0x7E3] =	sst s5  }
0x35: {  	s15 =	sshll.u32 s14, $0x4;
	s6 =	sadd.s32 s9, s31;
	[smem:$0x7E4] =	sst s30  }
0x36: {  	s21 =	sor.u32 $0x13000, s13;
	s28 =	sor.u32 $0x15000, s13;
	[smem:$0x7E5] =	sst s6  }
0x37: {  	s6 =	sadd.s32 s8, s7;
	s5 =	sadd.s32 $0x1200, s10;
	s7 =	sshrl.u32 s14, $0x3  }
0x38: {  	s14 =	sor.u32 $0x12000, s13;
	s22 =	sshll.u32 s21, $0x4;
	s29 =	sshll.u32 s28, $0x4  }
0x39: {  	[smem:$0x7E6] =	sst s6;
	s6 =	sadd.s32 s9, s15;
	s16 =	sadd.s32 s8, s7  }
0x3a: {  	s18 =	sshll.u32 s14, $0x4;
	s20 =	sshrl.u32 s14, $0x3;
	s14 =	sshrl.u32 s21, $0x3  }
0x3b: {  	s15 =	sor.u32 $0x14000, s13;
	s21 =	sor.u32 $0x17000, s13;
	[smem:$0x7E7] =	sst s6  }
0x3c: {  	[smem:$0x7E8] =	sst s16;
	s19 =	sadd.s32 s9, s18;
	s7 =	sadd.s32 s8, s20  }
0x3d: {  	s6 =	sadd.s32 $0x4C00, s10;
	s23 =	sadd.s32 s8, s14;
	s24 =	sshll.u32 s15, $0x4  }
0x3e: {  	s26 =	sshrl.u32 s15, $0x3;
	s15 =	sshrl.u32 s28, $0x3;
	[smem:$0x7E9] =	sst s19  }
0x3f: {  	s16 =	sor.u32 $0x16000, s13;
	s13 =	sor.u32 $0x18000, s13;
	[smem:$0x7EA] =	sst s7  }
0x40: {  	s7 =	sadd.s32 s9, s22;
	[smem:$0x7EC] =	sst s23;
	s25 =	sadd.s32 s9, s24  }
0x41: {  	s14 =	sadd.s32 s8, s26;
	s30 =	sadd.s32 s8, s15;
	s31 =	sshll.u32 s16, $0x4  }
0x42: {  	s18 =	sshrl.u32 s16, $0x3;
	s19 =	sshll.u32 s11, $0x11;
	s22 =	sshll.u32 s21, $0x4  }
0x43: {  	s13 =	simm.s32 @!p0 $0x0;
	s11 =	ssub.s32 $0x2, s11;
	[smem:$0x7EB] =	sst s7  }
0x44: {  	p0 =	sgt.u32 s17, $0xC;
	s16 =	simm.s32 $0x1;
	[smem:$0x7ED] =	sst s25  }
0x45: {  	s7 =	sadd.s32 $0x4400, s10;
	[smem:$0x7EE] =	sst s14;
	s14 =	sadd.s32 s9, s29  }
0x46: {  	[smem:$0x7F0] =	sst s30;
	s15 =	sadd.s32 s9, s31;
	s20 =	sadd.s32 s8, s18  }
0x47: {  	s12 =	sor.u32 s12, s19;
	s23 =	sshll.u32 s13, $0x4;
	[smem:$0x7EF] =	sst s14  }
0x48: {  	s13 =	sshrl.u32 s13, $0x3;
	s25 =	sshrl.u32 s11, $0x1;
	[smem:$0x7F1] =	sst s15  }
0x49: {  	s29 =	simm.s32 $0xE180;
	s30 =	simm.s32 $0xEA00;
	[smem:$0x7F2] =	sst s20  }
0x4a: {  	s31 =	simm.s32 $0xD180;
	p1 =	sne.s32 @p0 s17, $0x1F;
	[smem:$0x7FB] =	sst s29  }
0x4b: {  	s17 =	simm.s32 $0x80;
	s18 =	simm.s32 $0x2;
	[smem:$0x7FC] =	sst s30  }
0x4c: {  	s15 =	sadd.s32 s9, s22;
	s14 =	sshrl.u32 s21, $0x3;
	[smem:$0x7FD] =	sst s31  }
0x4d: {  	s24 =	sadd.s32 s9, s23;
	s12 =	sshrl.u32 s12, $0x3;
	[smem:$0x7F3] =	sst s15  }
0x4e: {  	s13 =	sadd.s32 s8, s13;
	s9 =	sadd.s32 $0x186800, s9;
	[smem:$0x7F5] =	sst s24  }
0x4f: {  	p1 =	por p1, !p0;
	s14 =	sadd.s32 s8, s14;
	[smem:$0x7F6] =	sst s13  }
0x50: {  	s10 =	sadd.s32 s12, s10;
	[smem:$0x7F7] =	sst s9;
	s8 =	sadd.s32 $0x30D0, s8  }
0x51: {  	s9 =	ssub.s32 s11, s25;
	s11 =	simm.s32 $0xE200;
	s12 =	simm.s32 $0x4  }
0x52: {  	s13 =	simm.s32 $0x9180;
	s15 =	simm.s32 $0x8080;
	[smem:$0x7F4] =	sst s14  }
0x53: {  	[smem:$0x7F8] =	sst s8;
	s26 =	sadd.s32 $0x5000, s10;
	s28 =	sadd.s32 $0xD000, s10  }
0x54: {  	s8 =	smax.u32 s9, $0x1;
	s9 =	simm.s32 $0x8000;
	[smem:$0x7F9] =	sst s26  }
0x55: {  	vm0 =	vmmov $0xffff;
	s10 =	simm.s32 $0x3;
	s14 =	simm.s32 $0x4000;
	[smem:$0x7FA] =	sst s28  }
.LBB2_1:
0x56: {  	s19 =	rddreg [dreg:$0x7]  }
0x57: {  	s26 =	rddreg [dreg:$0x8]  }
0x58: {  	[tilespmem:s4], [sflag:$0x1] =	stream.linear.gather [hbm4b:s19+s4], $0x4000, $0x38;
	[tilespmem:$0x13200] =	vst v63  }
0x59: {  	s21 =	sld [smem:$0x7FB]  }
0x5a: {  	[tilespmem:s9], [sflag:$0x1] =	stream.linear.gather [hbm4b:s26+s4], $0x80, $0x38;
	[tilespmem:$0x13200] =	vst v63  }
0x5b: {  	s20 =	rddreg [dreg:$0x9]  }
0x5c: {  	[tilespmem:s21], [sflag:$0x3] =	stream.linear.gather [hbm4b:s20+s4], $0x20, $0x38;
	[tilespmem:$0x13200] =	vst v63  }
0x5d: {  	_ =	swait.ge [sflag:s10], $0x20  }
0x5e: {  	[sflag:s10] =	ssyncset.done $0x0  }
0x5f: {  	[sflag:s10] =	ssyncadd.s32 $0xFFFFFFE0  }
0x60: {  	v0 =	vld [tilespmem:$0xE180];
	_ =	sdelay $0x4  }
0x61: {  	v0 =	vshrl.u32 v0, $0x7;
	_ =	sdelay $0x4  }
0x62: {  	[tilespmem:s11], [sflag:$0x3] =	stream.indirect_vreg.gather [hbm4b:s5+s4], $0x80, v0, vm0, $0xb8;
	[tilespmem:$0x13200] =	vst v63  }
0x63: {  	_ =	swait.ge [sflag:s10], $0x800  }
0x64: {  	[sflag:s10] =	ssyncset.done $0x0  }
0x65: {  	[sflag:s10] =	ssyncadd.s32 $0xFFFFF800  }
0x66: {  	v63 =	vld [tilespmem:$0xE190];
	_ =	sdelay $0x4  }
0x67: {  	v0 =	vshrl.u32 v63, $0x7;
	_ =	sdelay $0x1  }
0x68: {  	s28 =	sld [smem:$0x7FC];
	_ =	sdelay $0x2  }
0x69: {  	[tilespmem:s28], [sflag:$0x3] =	stream.indirect_vreg.gather [hbm4b:s5+s4], $0x80, v0, vm0, $0xb8;
	[tilespmem:$0x13200] =	vst v63  }
0x6a: {  	_ =	swait.ge [sflag:s10], $0x800  }
0x6b: {  	[sflag:s10] =	ssyncset.done $0x0  }
0x6c: {  	s29 =	rddreg [dreg:$0xa];
	[sflag:s10] =	ssyncadd.s32 $0xFFFFF800  }
0x6d: {  	[hbm4b:s29+s4] =	stream.linear.scatter [tilespmem:s11], [sflag:$0x4], $0x1000, $0x38;
	[tilespmem:$0x13200] =	vst v63  }
0x6e: {  	_ =	swait.ge [sflag:s12], $0x1000  }
0x6f: {  	[sflag:s12] =	ssyncset.done $0x0  }
0x70: {  	[sflag:s12] =	ssyncadd.s32 $0xFFFFF000  }
0x71: {  	[tilespmem:s13], [sflag:$0x4] =	stream.linear.gather [hbm4b:s7+s4], $0x4000, $0x38;
	[tilespmem:$0x13200] =	vst v63  }
0x72: {  	_ =	swait.ge [sflag:s12], $0x4000  }
0x73: {  	s30 =	sld [smem:$0x7FD]  }
0x74: {  	[sflag:s12] =	ssyncset.done $0x0  }
0x75: {  	[sflag:s12] =	ssyncadd.s32 $0xFFFFC000  }
0x76: {  	[tilespmem:s30], [sflag:$0x4] =	stream.linear.gather [hbm4b:s7+s4], $0x1000, $0x38;
	[tilespmem:$0x13200] =	vst v63  }
0x77: {  	_ =	swait.ge [sflag:s12], $0x1000  }
0x78: {  	s21 =	sshll.u32 s3, $0x6;
	s31 =	rddreg [dreg:$0xb];
	[sflag:s12] =	ssyncset.done $0x0  }
0x79: {  	s19 =	sor.u32 $0x1C04, s21;
	[sflag:s12] =	ssyncadd.s32 $0xFFFFF000;
	s20 =	sshrl.u32 s31, $0x3  }
0x7a: {  	[spmem:s20], [sflag:s19] =	dma.local [hbm:s6], $0x400  }
0x7b: {  	_ =	swait.ge [sflag:s12], $0x400  }
0x7c: {  	s22 =	rddreg [dreg:$0xc];
	[sflag:s12] =	ssyncset.done $0x0  }
0x7d: {  	[sflag:s12] =	ssyncadd.s32 $0xFFFFFC00;
	s21 =	sshrl.u32 s22, $0x3  }
0x7e: {  	[spmem:s21], [sflag:s19] =	dma.local [hbm:s6], $0x400  }
0x7f: {  	_ =	swait.ge [sflag:s12], $0x400  }
0x80: {  	[sflag:s12] =	ssyncset.done $0x0  }
0x81: {  	[sflag:s12] =	ssyncadd.s32 $0xFFFFFC00  }
0x82: {  	[bflag:$0x0] =	sbarrier.arrive $0xFFFF  }
0x83: {  	s22 =	rddreg [dreg:$0xd]  }
0x84: {  	[tilespmem:s14], [sflag:$0x2] =	stream.linear.gather [hbm4b:s22+s4], $0x4000, $0x38;
	[tilespmem:$0x13200] =	vst v63  }
0x85: {  	s23 =	rddreg [dreg:$0xe]  }
0x86: {  	[tilespmem:s15], [sflag:$0x2] =	stream.linear.gather [hbm4b:s23+s4], $0x80, $0x38;
	[tilespmem:$0x13200] =	vst v63  }
0x87: {  	_ =	swait.ge [sflag:s16], $0x4000  }
0x88: {  	[sflag:s16] =	ssyncset.done $0x0  }
0x89: {  	[sflag:s16] =	ssyncadd.s32 $0xFFFFC000  }
0x8a: {  	_ =	swait.ge [sflag:s16], $0x80  }
0x8b: {  	[sflag:s16] =	ssyncset.done $0x0  }
0x8c: {  	[sflag:s16] =	ssyncadd.s32 $0xFFFFFF80  }
0x8d: {  	[spmem:s1] =	stream.indirect.scatter.add.f32 [tilespmem:s4], [sflag:$0x4], $0x80, s9, s17, $0xb8;
	[tilespmem:$0x13200] =	vst v63  }
0x8e: {  	_ =	swait.ge [sflag:s12], $0x4000  }
0x8f: {  	[sflag:s12] =	ssyncset.done $0x0  }
0x90: {  	[sflag:s12] =	ssyncadd.s32 $0xFFFFC000  }
0x91: {  	[spmem:s2] =	stream.indirect.scatter.add.f32 [tilespmem:s13], [sflag:$0x4], $0x80, s9, s17, $0xb8;
	[tilespmem:$0x13200] =	vst v63  }
0x92: {  	_ =	swait.ge [sflag:s12], $0x4000  }
0x93: {  	[sflag:s12] =	ssyncset.done $0x0  }
0x94: {  	s23 =	rddreg [dreg:$0xf];
	[sflag:s12] =	ssyncadd.s32 $0xFFFFC000  }
0x95: {  	[tilespmem:s4], [sflag:$0x1] =	stream.linear.gather [hbm4b:s23+s4], $0x4000, $0x38;
	[tilespmem:$0x13200] =	vst v63  }
0x96: {  	s24 =	rddreg [dreg:$0x10]  }
0x97: {  	[tilespmem:s9], [sflag:$0x1] =	stream.linear.gather [hbm4b:s24+s4], $0x80, $0x38;
	[tilespmem:$0x13200] =	vst v63  }
0x98: {  	_ =	swait.ge [sflag:s18], $0x4000  }
0x99: {  	[sflag:s18] =	ssyncset.done $0x0  }
0x9a: {  	[sflag:s18] =	ssyncadd.s32 $0xFFFFC000  }
0x9b: {  	_ =	swait.ge [sflag:s18], $0x80  }
0x9c: {  	[sflag:s18] =	ssyncset.done $0x0  }
0x9d: {  	[sflag:s18] =	ssyncadd.s32 $0xFFFFFF80  }
0x9e: {  	[spmem:s1] =	stream.indirect.scatter.add.f32 [tilespmem:s14], [sflag:$0x4], $0x80, s15, s17, $0xb8;
	[tilespmem:$0x13200] =	vst v63  }
0x9f: {  	_ =	swait.ge [sflag:s12], $0x4000  }
0xa0: {  	[sflag:s12] =	ssyncset.done $0x0  }
0xa1: {  	[sflag:s12] =	ssyncadd.s32 $0xFFFFC000  }
0xa2: {  	[spmem:s2] =	stream.indirect.scatter.add.f32 [tilespmem:s13], [sflag:$0x4], $0x80, s15, s17, $0xb8;
	[tilespmem:$0x13200] =	vst v63  }
0xa3: {  	_ =	swait.ge [sflag:s12], $0x4000  }
0xa4: {  	[sflag:s12] =	ssyncset.done $0x0  }
0xa5: {  	s25 =	rddreg [dreg:$0x11];
	[sflag:s12] =	ssyncadd.s32 $0xFFFFC000  }
0xa6: {  	[tilespmem:s14], [sflag:$0x2] =	stream.linear.gather [hbm4b:s25+s4], $0x4000, $0x38;
	[tilespmem:$0x13200] =	vst v63  }
0xa7: {  	s26 =	rddreg [dreg:$0x12]  }
0xa8: {  	[tilespmem:s15], [sflag:$0x2] =	stream.linear.gather [hbm4b:s26+s4], $0x80, $0x38;
	[tilespmem:$0x13200] =	vst v63  }
0xa9: {  	_ =	swait.ge [sflag:s16], $0x4000  }
0xaa: {  	[sflag:s16] =	ssyncset.done $0x0  }
0xab: {  	[sflag:s16] =	ssyncadd.s32 $0xFFFFC000  }
0xac: {  	_ =	swait.ge [sflag:s16], $0x80  }
0xad: {  	[sflag:s16] =	ssyncset.done $0x0  }
0xae: {  	[sflag:s16] =	ssyncadd.s32 $0xFFFFFF80  }
0xaf: {  	[spmem:s1] =	stream.indirect.scatter.add.f32 [tilespmem:s4], [sflag:$0x4], $0x80, s9, s17, $0xb8;
	[tilespmem:$0x13200] =	vst v63  }
0xb0: {  	_ =	swait.ge [sflag:s12], $0x4000  }
0xb1: {  	[sflag:s12] =	ssyncset.done $0x0  }
0xb2: {  	[sflag:s12] =	ssyncadd.s32 $0xFFFFC000  }
0xb3: {  	[spmem:s2] =	stream.indirect.scatter.add.f32 [tilespmem:s13], [sflag:$0x4], $0x80, s9, s17, $0xb8;
	[tilespmem:$0x13200] =	vst v63  }
0xb4: {  	_ =	swait.ge [sflag:s12], $0x4000  }
0xb5: {  	[sflag:s12] =	ssyncset.done $0x0  }
0xb6: {  	s28 =	rddreg [dreg:$0x13];
	[sflag:s12] =	ssyncadd.s32 $0xFFFFC000  }
0xb7: {  	[tilespmem:s4], [sflag:$0x1] =	stream.linear.gather [hbm4b:s28+s4], $0x4000, $0x38;
	[tilespmem:$0x13200] =	vst v63  }
0xb8: {  	s29 =	rddreg [dreg:$0x14]  }
0xb9: {  	[tilespmem:s9], [sflag:$0x1] =	stream.linear.gather [hbm4b:s29+s4], $0x80, $0x38;
	[tilespmem:$0x13200] =	vst v63  }
0xba: {  	_ =	swait.ge [sflag:s18], $0x4000  }
0xbb: {  	[sflag:s18] =	ssyncset.done $0x0  }
0xbc: {  	[sflag:s18] =	ssyncadd.s32 $0xFFFFC000  }
0xbd: {  	_ =	swait.ge [sflag:s18], $0x80  }
0xbe: {  	[sflag:s18] =	ssyncset.done $0x0  }
0xbf: {  	[sflag:s18] =	ssyncadd.s32 $0xFFFFFF80  }
0xc0: {  	[spmem:s1] =	stream.indirect.scatter.add.f32 [tilespmem:s14], [sflag:$0x4], $0x80, s15, s17, $0xb8;
	[tilespmem:$0x13200] =	vst v63  }
0xc1: {  	_ =	swait.ge [sflag:s12], $0x4000  }
0xc2: {  	[sflag:s12] =	ssyncset.done $0x0  }
0xc3: {  	[sflag:s12] =	ssyncadd.s32 $0xFFFFC000  }
0xc4: {  	[spmem:s2] =	stream.indirect.scatter.add.f32 [tilespmem:s13], [sflag:$0x4], $0x80, s15, s17, $0xb8;
	[tilespmem:$0x13200] =	vst v63  }
0xc5: {  	_ =	swait.ge [sflag:s12], $0x4000  }
0xc6: {  	[sflag:s12] =	ssyncset.done $0x0  }
0xc7: {  	s30 =	rddreg [dreg:$0x15];
	[sflag:s12] =	ssyncadd.s32 $0xFFFFC000  }
0xc8: {  	[tilespmem:s14], [sflag:$0x2] =	stream.linear.gather [hbm4b:s30+s4], $0x4000, $0x38;
	[tilespmem:$0x13200] =	vst v63  }
0xc9: {  	s31 =	rddreg [dreg:$0x16]  }
0xca: {  	[tilespmem:s15], [sflag:$0x2] =	stream.linear.gather [hbm4b:s31+s4], $0x80, $0x38;
	[tilespmem:$0x13200] =	vst v63  }
0xcb: {  	_ =	swait.ge [sflag:s16], $0x4000  }
0xcc: {  	[sflag:s16] =	ssyncset.done $0x0  }
0xcd: {  	[sflag:s16] =	ssyncadd.s32 $0xFFFFC000  }
0xce: {  	_ =	swait.ge [sflag:s16], $0x80  }
0xcf: {  	[sflag:s16] =	ssyncset.done $0x0  }
0xd0: {  	[sflag:s16] =	ssyncadd.s32 $0xFFFFFF80  }
0xd1: {  	[spmem:s1] =	stream.indirect.scatter.add.f32 [tilespmem:s4], [sflag:$0x4], $0x80, s9, s17, $0xb8;
	[tilespmem:$0x13200] =	vst v63  }
0xd2: {  	_ =	swait.ge [sflag:s12], $0x4000  }
0xd3: {  	[sflag:s12] =	ssyncset.done $0x0  }
0xd4: {  	[sflag:s12] =	ssyncadd.s32 $0xFFFFC000  }
0xd5: {  	[spmem:s2] =	stream.indirect.scatter.add.f32 [tilespmem:s13], [sflag:$0x4], $0x80, s9, s17, $0xb8;
	[tilespmem:$0x13200] =	vst v63  }
0xd6: {  	_ =	swait.ge [sflag:s12], $0x4000  }
0xd7: {  	[sflag:s12] =	ssyncset.done $0x0  }
0xd8: {  	s23 =	rddreg [dreg:$0x17];
	[sflag:s12] =	ssyncadd.s32 $0xFFFFC000  }
0xd9: {  	[tilespmem:s4], [sflag:$0x1] =	stream.linear.gather [hbm4b:s23+s4], $0x4000, $0x38;
	[tilespmem:$0x13200] =	vst v63  }
0xda: {  	s24 =	rddreg [dreg:$0x18]  }
0xdb: {  	[tilespmem:s9], [sflag:$0x1] =	stream.linear.gather [hbm4b:s24+s4], $0x80, $0x38;
	[tilespmem:$0x13200] =	vst v63  }
0xdc: {  	_ =	swait.ge [sflag:s18], $0x4000  }
0xdd: {  	[sflag:s18] =	ssyncset.done $0x0  }
0xde: {  	[sflag:s18] =	ssyncadd.s32 $0xFFFFC000  }
0xdf: {  	_ =	swait.ge [sflag:s18], $0x80  }
0xe0: {  	[sflag:s18] =	ssyncset.done $0x0  }
0xe1: {  	[sflag:s18] =	ssyncadd.s32 $0xFFFFFF80  }
0xe2: {  	[spmem:s1] =	stream.indirect.scatter.add.f32 [tilespmem:s14], [sflag:$0x4], $0x80, s15, s17, $0xb8;
	[tilespmem:$0x13200] =	vst v63  }
0xe3: {  	_ =	swait.ge [sflag:s12], $0x4000  }
0xe4: {  	[sflag:s12] =	ssyncset.done $0x0  }
0xe5: {  	[sflag:s12] =	ssyncadd.s32 $0xFFFFC000  }
0xe6: {  	[spmem:s2] =	stream.indirect.scatter.add.f32 [tilespmem:s13], [sflag:$0x4], $0x80, s15, s17, $0xb8;
	[tilespmem:$0x13200] =	vst v63  }
0xe7: {  	_ =	swait.ge [sflag:s12], $0x4000  }
0xe8: {  	[sflag:s12] =	ssyncset.done $0x0  }
0xe9: {  	s25 =	rddreg [dreg:$0x19];
	[sflag:s12] =	ssyncadd.s32 $0xFFFFC000  }
0xea: {  	[tilespmem:s14], [sflag:$0x2] =	stream.linear.gather [hbm4b:s25+s4], $0x4000, $0x38;
	[tilespmem:$0x13200] =	vst v63  }
0xeb: {  	s26 =	rddreg [dreg:$0x1a]  }
0xec: {  	[tilespmem:s15], [sflag:$0x2] =	stream.linear.gather [hbm4b:s26+s4], $0x80, $0x38;
	[tilespmem:$0x13200] =	vst v63  }
0xed: {  	_ =	swait.ge [sflag:s16], $0x4000  }
0xee: {  	[sflag:s16] =	ssyncset.done $0x0  }
0xef: {  	[sflag:s16] =	ssyncadd.s32 $0xFFFFC000  }
0xf0: {  	_ =	swait.ge [sflag:s16], $0x80  }
0xf1: {  	[sflag:s16] =	ssyncset.done $0x0  }
0xf2: {  	[sflag:s16] =	ssyncadd.s32 $0xFFFFFF80  }
0xf3: {  	[spmem:s1] =	stream.indirect.scatter.add.f32 [tilespmem:s4], [sflag:$0x4], $0x80, s9, s17, $0xb8;
	[tilespmem:$0x13200] =	vst v63  }
0xf4: {  	_ =	swait.ge [sflag:s12], $0x4000  }
0xf5: {  	[sflag:s12] =	ssyncset.done $0x0  }
0xf6: {  	[sflag:s12] =	ssyncadd.s32 $0xFFFFC000  }
0xf7: {  	[spmem:s2] =	stream.indirect.scatter.add.f32 [tilespmem:s13], [sflag:$0x4], $0x80, s9, s17, $0xb8;
	[tilespmem:$0x13200] =	vst v63  }
0xf8: {  	_ =	swait.ge [sflag:s12], $0x4000  }
0xf9: {  	[sflag:s12] =	ssyncset.done $0x0  }
0xfa: {  	s28 =	rddreg [dreg:$0x1b];
	[sflag:s12] =	ssyncadd.s32 $0xFFFFC000  }
0xfb: {  	[tilespmem:s4], [sflag:$0x1] =	stream.linear.gather [hbm4b:s28+s4], $0x4000, $0x38;
	[tilespmem:$0x13200] =	vst v63  }
0xfc: {  	s29 =	rddreg [dreg:$0x1c]  }
0xfd: {  	[tilespmem:s9], [sflag:$0x1] =	stream.linear.gather [hbm4b:s29+s4], $0x80, $0x38;
	[tilespmem:$0x13200] =	vst v63  }
0xfe: {  	_ =	swait.ge [sflag:s18], $0x4000  }
0xff: {  	[sflag:s18] =	ssyncset.done $0x0  }
0x100: {  	[sflag:s18] =	ssyncadd.s32 $0xFFFFC000  }
0x101: {  	_ =	swait.ge [sflag:s18], $0x80  }
0x102: {  	[sflag:s18] =	ssyncset.done $0x0  }
0x103: {  	[sflag:s18] =	ssyncadd.s32 $0xFFFFFF80  }
0x104: {  	[spmem:s1] =	stream.indirect.scatter.add.f32 [tilespmem:s14], [sflag:$0x4], $0x80, s15, s17, $0xb8;
	[tilespmem:$0x13200] =	vst v63  }
0x105: {  	_ =	swait.ge [sflag:s12], $0x4000  }
0x106: {  	[sflag:s12] =	ssyncset.done $0x0  }
0x107: {  	[sflag:s12] =	ssyncadd.s32 $0xFFFFC000  }
0x108: {  	[spmem:s2] =	stream.indirect.scatter.add.f32 [tilespmem:s13], [sflag:$0x4], $0x80, s15, s17, $0xb8;
	[tilespmem:$0x13200] =	vst v63  }
0x109: {  	_ =	swait.ge [sflag:s12], $0x4000  }
0x10a: {  	[sflag:s12] =	ssyncset.done $0x0  }
0x10b: {  	s30 =	rddreg [dreg:$0x1d];
	[sflag:s12] =	ssyncadd.s32 $0xFFFFC000  }
0x10c: {  	[tilespmem:s14], [sflag:$0x2] =	stream.linear.gather [hbm4b:s30+s4], $0x4000, $0x38;
	[tilespmem:$0x13200] =	vst v63  }
0x10d: {  	s31 =	rddreg [dreg:$0x1e]  }
0x10e: {  	[tilespmem:s15], [sflag:$0x2] =	stream.linear.gather [hbm4b:s31+s4], $0x80, $0x38;
	[tilespmem:$0x13200] =	vst v63  }
0x10f: {  	_ =	swait.ge [sflag:s16], $0x4000  }
0x110: {  	[sflag:s16] =	ssyncset.done $0x0  }
0x111: {  	[sflag:s16] =	ssyncadd.s32 $0xFFFFC000  }
0x112: {  	_ =	swait.ge [sflag:s16], $0x80  }
0x113: {  	[sflag:s16] =	ssyncset.done $0x0  }
0x114: {  	[sflag:s16] =	ssyncadd.s32 $0xFFFFFF80  }
0x115: {  	[spmem:s1] =	stream.indirect.scatter.add.f32 [tilespmem:s4], [sflag:$0x4], $0x80, s9, s17, $0xb8;
	[tilespmem:$0x13200] =	vst v63  }
0x116: {  	_ =	swait.ge [sflag:s12], $0x4000  }
0x117: {  	[sflag:s12] =	ssyncset.done $0x0  }
0x118: {  	[sflag:s12] =	ssyncadd.s32 $0xFFFFC000  }
0x119: {  	[spmem:s2] =	stream.indirect.scatter.add.f32 [tilespmem:s13], [sflag:$0x4], $0x80, s9, s17, $0xb8;
	[tilespmem:$0x13200] =	vst v63  }
0x11a: {  	_ =	swait.ge [sflag:s12], $0x4000  }
0x11b: {  	s23 =	rddreg [dreg:$0x1f];
	[sflag:s12] =	ssyncset.done $0x0  }
0x11c: {  	s24 =	sld [smem:$0x7DA];
	[sflag:s12] =	ssyncadd.s32 $0xFFFFC000  }
0x11d: {  	[tilespmem:s4], [sflag:$0x1] =	stream.linear.gather [hbm4b:s23+s4], $0x4000, $0x38;
	[tilespmem:$0x13200] =	vst v63  }
0x11e: {  	_ = 	snop  }
0x11f: {  	[tilespmem:s9], [sflag:$0x1] =	stream.linear.gather [hbm4b:s24+s4], $0x80, $0x38;
	[tilespmem:$0x13200] =	vst v63  }
0x120: {  	_ =	swait.ge [sflag:s18], $0x4000  }
0x121: {  	[sflag:s18] =	ssyncset.done $0x0  }
0x122: {  	[sflag:s18] =	ssyncadd.s32 $0xFFFFC000  }
0x123: {  	_ =	swait.ge [sflag:s18], $0x80  }
0x124: {  	[sflag:s18] =	ssyncset.done $0x0  }
0x125: {  	[sflag:s18] =	ssyncadd.s32 $0xFFFFFF80  }
0x126: {  	[spmem:s1] =	stream.indirect.scatter.add.f32 [tilespmem:s14], [sflag:$0x4], $0x80, s15, s17, $0xb8;
	[tilespmem:$0x13200] =	vst v63  }
0x127: {  	_ =	swait.ge [sflag:s12], $0x4000  }
0x128: {  	[sflag:s12] =	ssyncset.done $0x0  }
0x129: {  	[sflag:s12] =	ssyncadd.s32 $0xFFFFC000  }
0x12a: {  	[spmem:s2] =	stream.indirect.scatter.add.f32 [tilespmem:s13], [sflag:$0x4], $0x80, s15, s17, $0xb8;
	[tilespmem:$0x13200] =	vst v63  }
0x12b: {  	_ =	swait.ge [sflag:s12], $0x4000  }
0x12c: {  	s25 =	sld [smem:$0x7DB]  }
0x12d: {  	[sflag:s12] =	ssyncset.done $0x0  }
0x12e: {  	s26 =	sld [smem:$0x7DC];
	[sflag:s12] =	ssyncadd.s32 $0xFFFFC000  }
0x12f: {  	[tilespmem:s14], [sflag:$0x2] =	stream.linear.gather [hbm4b:s25+s4], $0x4000, $0x38;
	[tilespmem:$0x13200] =	vst v63  }
0x130: {  	_ = 	snop  }
0x131: {  	[tilespmem:s15], [sflag:$0x2] =	stream.linear.gather [hbm4b:s26+s4], $0x80, $0x38;
	[tilespmem:$0x13200] =	vst v63  }
0x132: {  	_ =	swait.ge [sflag:s16], $0x4000  }
0x133: {  	[sflag:s16] =	ssyncset.done $0x0  }
0x134: {  	[sflag:s16] =	ssyncadd.s32 $0xFFFFC000  }
0x135: {  	_ =	swait.ge [sflag:s16], $0x80  }
0x136: {  	[sflag:s16] =	ssyncset.done $0x0  }
0x137: {  	[sflag:s16] =	ssyncadd.s32 $0xFFFFFF80  }
0x138: {  	[spmem:s1] =	stream.indirect.scatter.add.f32 [tilespmem:s4], [sflag:$0x4], $0x80, s9, s17, $0xb8;
	[tilespmem:$0x13200] =	vst v63  }
0x139: {  	_ =	swait.ge [sflag:s12], $0x4000  }
0x13a: {  	[sflag:s12] =	ssyncset.done $0x0  }
0x13b: {  	[sflag:s12] =	ssyncadd.s32 $0xFFFFC000  }
0x13c: {  	[spmem:s2] =	stream.indirect.scatter.add.f32 [tilespmem:s13], [sflag:$0x4], $0x80, s9, s17, $0xb8;
	[tilespmem:$0x13200] =	vst v63  }
0x13d: {  	_ =	swait.ge [sflag:s12], $0x4000  }
0x13e: {  	s28 =	sld [smem:$0x7DD]  }
0x13f: {  	[sflag:s12] =	ssyncset.done $0x0  }
0x140: {  	s29 =	sld [smem:$0x7DE];
	[sflag:s12] =	ssyncadd.s32 $0xFFFFC000  }
0x141: {  	[tilespmem:s4], [sflag:$0x1] =	stream.linear.gather [hbm4b:s28+s4], $0x4000, $0x38;
	[tilespmem:$0x13200] =	vst v63  }
0x142: {  	_ = 	snop  }
0x143: {  	[tilespmem:s9], [sflag:$0x1] =	stream.linear.gather [hbm4b:s29+s4], $0x80, $0x38;
	[tilespmem:$0x13200] =	vst v63  }
0x144: {  	_ =	swait.ge [sflag:s18], $0x4000  }
0x145: {  	[sflag:s18] =	ssyncset.done $0x0  }
0x146: {  	[sflag:s18] =	ssyncadd.s32 $0xFFFFC000  }
0x147: {  	_ =	swait.ge [sflag:s18], $0x80  }
0x148: {  	[sflag:s18] =	ssyncset.done $0x0  }
0x149: {  	[sflag:s18] =	ssyncadd.s32 $0xFFFFFF80  }
0x14a: {  	[spmem:s1] =	stream.indirect.scatter.add.f32 [tilespmem:s14], [sflag:$0x4], $0x80, s15, s17, $0xb8;
	[tilespmem:$0x13200] =	vst v63  }
0x14b: {  	_ =	swait.ge [sflag:s12], $0x4000  }
0x14c: {  	[sflag:s12] =	ssyncset.done $0x0  }
0x14d: {  	[sflag:s12] =	ssyncadd.s32 $0xFFFFC000  }
0x14e: {  	[spmem:s2] =	stream.indirect.scatter.add.f32 [tilespmem:s13], [sflag:$0x4], $0x80, s15, s17, $0xb8;
	[tilespmem:$0x13200] =	vst v63  }
0x14f: {  	_ =	swait.ge [sflag:s12], $0x4000  }
0x150: {  	s30 =	sld [smem:$0x7DF]  }
0x151: {  	[sflag:s12] =	ssyncset.done $0x0  }
0x152: {  	s31 =	sld [smem:$0x7E0];
	[sflag:s12] =	ssyncadd.s32 $0xFFFFC000  }
0x153: {  	[tilespmem:s14], [sflag:$0x2] =	stream.linear.gather [hbm4b:s30+s4], $0x4000, $0x38;
	[tilespmem:$0x13200] =	vst v63  }
0x154: {  	_ = 	snop  }
0x155: {  	[tilespmem:s15], [sflag:$0x2] =	stream.linear.gather [hbm4b:s31+s4], $0x80, $0x38;
	[tilespmem:$0x13200] =	vst v63  }
0x156: {  	_ =	swait.ge [sflag:s16], $0x4000  }
0x157: {  	[sflag:s16] =	ssyncset.done $0x0  }
0x158: {  	[sflag:s16] =	ssyncadd.s32 $0xFFFFC000  }
0x159: {  	_ =	swait.ge [sflag:s16], $0x80  }
0x15a: {  	[sflag:s16] =	ssyncset.done $0x0  }
0x15b: {  	[sflag:s16] =	ssyncadd.s32 $0xFFFFFF80  }
0x15c: {  	[spmem:s1] =	stream.indirect.scatter.add.f32 [tilespmem:s4], [sflag:$0x4], $0x80, s9, s17, $0xb8;
	[tilespmem:$0x13200] =	vst v63  }
0x15d: {  	_ =	swait.ge [sflag:s12], $0x4000  }
0x15e: {  	[sflag:s12] =	ssyncset.done $0x0  }
0x15f: {  	[sflag:s12] =	ssyncadd.s32 $0xFFFFC000  }
0x160: {  	[spmem:s2] =	stream.indirect.scatter.add.f32 [tilespmem:s13], [sflag:$0x4], $0x80, s9, s17, $0xb8;
	[tilespmem:$0x13200] =	vst v63  }
0x161: {  	_ =	swait.ge [sflag:s12], $0x4000  }
0x162: {  	s23 =	sld [smem:$0x7E1]  }
0x163: {  	[sflag:s12] =	ssyncset.done $0x0  }
0x164: {  	s24 =	sld [smem:$0x7E2];
	[sflag:s12] =	ssyncadd.s32 $0xFFFFC000  }
0x165: {  	[tilespmem:s4], [sflag:$0x1] =	stream.linear.gather [hbm4b:s23+s4], $0x4000, $0x38;
	[tilespmem:$0x13200] =	vst v63  }
0x166: {  	_ = 	snop  }
0x167: {  	[tilespmem:s9], [sflag:$0x1] =	stream.linear.gather [hbm4b:s24+s4], $0x80, $0x38;
	[tilespmem:$0x13200] =	vst v63  }
0x168: {  	_ =	swait.ge [sflag:s18], $0x4000  }
0x169: {  	[sflag:s18] =	ssyncset.done $0x0  }
0x16a: {  	[sflag:s18] =	ssyncadd.s32 $0xFFFFC000  }
0x16b: {  	_ =	swait.ge [sflag:s18], $0x80  }
0x16c: {  	[sflag:s18] =	ssyncset.done $0x0  }
0x16d: {  	[sflag:s18] =	ssyncadd.s32 $0xFFFFFF80  }
0x16e: {  	[spmem:s1] =	stream.indirect.scatter.add.f32 [tilespmem:s14], [sflag:$0x4], $0x80, s15, s17, $0xb8;
	[tilespmem:$0x13200] =	vst v63  }
0x16f: {  	_ =	swait.ge [sflag:s12], $0x4000  }
0x170: {  	[sflag:s12] =	ssyncset.done $0x0  }
0x171: {  	[sflag:s12] =	ssyncadd.s32 $0xFFFFC000  }
0x172: {  	[spmem:s2] =	stream.indirect.scatter.add.f32 [tilespmem:s13], [sflag:$0x4], $0x80, s15, s17, $0xb8;
	[tilespmem:$0x13200] =	vst v63  }
0x173: {  	_ =	swait.ge [sflag:s12], $0x4000  }
0x174: {  	s25 =	sld [smem:$0x7E3]  }
0x175: {  	[sflag:s12] =	ssyncset.done $0x0  }
0x176: {  	s26 =	sld [smem:$0x7E4];
	[sflag:s12] =	ssyncadd.s32 $0xFFFFC000  }
0x177: {  	[tilespmem:s14], [sflag:$0x2] =	stream.linear.gather [hbm4b:s25+s4], $0x4000, $0x38;
	[tilespmem:$0x13200] =	vst v63  }
0x178: {  	_ = 	snop  }
0x179: {  	[tilespmem:s15], [sflag:$0x2] =	stream.linear.gather [hbm4b:s26+s4], $0x80, $0x38;
	[tilespmem:$0x13200] =	vst v63  }
0x17a: {  	_ =	swait.ge [sflag:s16], $0x4000  }
0x17b: {  	[sflag:s16] =	ssyncset.done $0x0  }
0x17c: {  	[sflag:s16] =	ssyncadd.s32 $0xFFFFC000  }
0x17d: {  	_ =	swait.ge [sflag:s16], $0x80  }
0x17e: {  	[sflag:s16] =	ssyncset.done $0x0  }
0x17f: {  	[sflag:s16] =	ssyncadd.s32 $0xFFFFFF80  }
0x180: {  	[spmem:s1] =	stream.indirect.scatter.add.f32 [tilespmem:s4], [sflag:$0x4], $0x80, s9, s17, $0xb8;
	[tilespmem:$0x13200] =	vst v63  }
0x181: {  	_ =	swait.ge [sflag:s12], $0x4000  }
0x182: {  	[sflag:s12] =	ssyncset.done $0x0  }
0x183: {  	[sflag:s12] =	ssyncadd.s32 $0xFFFFC000  }
0x184: {  	[spmem:s2] =	stream.indirect.scatter.add.f32 [tilespmem:s13], [sflag:$0x4], $0x80, s9, s17, $0xb8;
	[tilespmem:$0x13200] =	vst v63  }
0x185: {  	_ =	swait.ge [sflag:s12], $0x4000  }
0x186: {  	s28 =	sld [smem:$0x7E5]  }
0x187: {  	[sflag:s12] =	ssyncset.done $0x0  }
0x188: {  	s29 =	sld [smem:$0x7E6];
	[sflag:s12] =	ssyncadd.s32 $0xFFFFC000  }
0x189: {  	[tilespmem:s4], [sflag:$0x1] =	stream.linear.gather [hbm4b:s28+s4], $0x4000, $0x38;
	[tilespmem:$0x13200] =	vst v63  }
0x18a: {  	_ = 	snop  }
0x18b: {  	[tilespmem:s9], [sflag:$0x1] =	stream.linear.gather [hbm4b:s29+s4], $0x80, $0x38;
	[tilespmem:$0x13200] =	vst v63  }
0x18c: {  	_ =	swait.ge [sflag:s18], $0x4000  }
0x18d: {  	[sflag:s18] =	ssyncset.done $0x0  }
0x18e: {  	[sflag:s18] =	ssyncadd.s32 $0xFFFFC000  }
0x18f: {  	_ =	swait.ge [sflag:s18], $0x80  }
0x190: {  	[sflag:s18] =	ssyncset.done $0x0  }
0x191: {  	[sflag:s18] =	ssyncadd.s32 $0xFFFFFF80  }
0x192: {  	[spmem:s1] =	stream.indirect.scatter.add.f32 [tilespmem:s14], [sflag:$0x4], $0x80, s15, s17, $0xb8;
	[tilespmem:$0x13200] =	vst v63  }
0x193: {  	_ =	swait.ge [sflag:s12], $0x4000  }
0x194: {  	[sflag:s12] =	ssyncset.done $0x0  }
0x195: {  	[sflag:s12] =	ssyncadd.s32 $0xFFFFC000  }
0x196: {  	[spmem:s2] =	stream.indirect.scatter.add.f32 [tilespmem:s13], [sflag:$0x4], $0x80, s15, s17, $0xb8;
	[tilespmem:$0x13200] =	vst v63  }
0x197: {  	_ =	swait.ge [sflag:s12], $0x4000  }
0x198: {  	s30 =	sld [smem:$0x7E7]  }
0x199: {  	[sflag:s12] =	ssyncset.done $0x0  }
0x19a: {  	s31 =	sld [smem:$0x7E8];
	[sflag:s12] =	ssyncadd.s32 $0xFFFFC000  }
0x19b: {  	[tilespmem:s14], [sflag:$0x2] =	stream.linear.gather [hbm4b:s30+s4], $0x4000, $0x38;
	[tilespmem:$0x13200] =	vst v63  }
0x19c: {  	_ = 	snop  }
0x19d: {  	[tilespmem:s15], [sflag:$0x2] =	stream.linear.gather [hbm4b:s31+s4], $0x80, $0x38;
	[tilespmem:$0x13200] =	vst v63  }
0x19e: {  	_ =	swait.ge [sflag:s16], $0x4000  }
0x19f: {  	[sflag:s16] =	ssyncset.done $0x0  }
0x1a0: {  	[sflag:s16] =	ssyncadd.s32 $0xFFFFC000  }
0x1a1: {  	_ =	swait.ge [sflag:s16], $0x80  }
0x1a2: {  	[sflag:s16] =	ssyncset.done $0x0  }
0x1a3: {  	[sflag:s16] =	ssyncadd.s32 $0xFFFFFF80  }
0x1a4: {  	[spmem:s1] =	stream.indirect.scatter.add.f32 [tilespmem:s4], [sflag:$0x4], $0x80, s9, s17, $0xb8;
	[tilespmem:$0x13200] =	vst v63  }
0x1a5: {  	_ =	swait.ge [sflag:s12], $0x4000  }
0x1a6: {  	[sflag:s12] =	ssyncset.done $0x0  }
0x1a7: {  	[sflag:s12] =	ssyncadd.s32 $0xFFFFC000  }
0x1a8: {  	[spmem:s2] =	stream.indirect.scatter.add.f32 [tilespmem:s13], [sflag:$0x4], $0x80, s9, s17, $0xb8;
	[tilespmem:$0x13200] =	vst v63  }
0x1a9: {  	_ =	swait.ge [sflag:s12], $0x4000  }
0x1aa: {  	s23 =	sld [smem:$0x7E9]  }
0x1ab: {  	[sflag:s12] =	ssyncset.done $0x0  }
0x1ac: {  	s24 =	sld [smem:$0x7EA];
	[sflag:s12] =	ssyncadd.s32 $0xFFFFC000  }
0x1ad: {  	[tilespmem:s4], [sflag:$0x1] =	stream.linear.gather [hbm4b:s23+s4], $0x4000, $0x38;
	[tilespmem:$0x13200] =	vst v63  }
0x1ae: {  	_ = 	snop  }
0x1af: {  	[tilespmem:s9], [sflag:$0x1] =	stream.linear.gather [hbm4b:s24+s4], $0x80, $0x38;
	[tilespmem:$0x13200] =	vst v63  }
0x1b0: {  	_ =	swait.ge [sflag:s18], $0x4000  }
0x1b1: {  	[sflag:s18] =	ssyncset.done $0x0  }
0x1b2: {  	[sflag:s18] =	ssyncadd.s32 $0xFFFFC000  }
0x1b3: {  	_ =	swait.ge [sflag:s18], $0x80  }
0x1b4: {  	[sflag:s18] =	ssyncset.done $0x0  }
0x1b5: {  	[sflag:s18] =	ssyncadd.s32 $0xFFFFFF80  }
0x1b6: {  	[spmem:s1] =	stream.indirect.scatter.add.f32 [tilespmem:s14], [sflag:$0x4], $0x80, s15, s17, $0xb8;
	[tilespmem:$0x13200] =	vst v63  }
0x1b7: {  	_ =	swait.ge [sflag:s12], $0x4000  }
0x1b8: {  	[sflag:s12] =	ssyncset.done $0x0  }
0x1b9: {  	[sflag:s12] =	ssyncadd.s32 $0xFFFFC000  }
0x1ba: {  	[spmem:s2] =	stream.indirect.scatter.add.f32 [tilespmem:s13], [sflag:$0x4], $0x80, s15, s17, $0xb8;
	[tilespmem:$0x13200] =	vst v63  }
0x1bb: {  	_ =	swait.ge [sflag:s12], $0x4000  }
0x1bc: {  	s25 =	sld [smem:$0x7EB]  }
0x1bd: {  	[sflag:s12] =	ssyncset.done $0x0  }
0x1be: {  	s26 =	sld [smem:$0x7EC];
	[sflag:s12] =	ssyncadd.s32 $0xFFFFC000  }
0x1bf: {  	[tilespmem:s14], [sflag:$0x2] =	stream.linear.gather [hbm4b:s25+s4], $0x4000, $0x38;
	[tilespmem:$0x13200] =	vst v63  }
0x1c0: {  	_ = 	snop  }
0x1c1: {  	[tilespmem:s15], [sflag:$0x2] =	stream.linear.gather [hbm4b:s26+s4], $0x80, $0x38;
	[tilespmem:$0x13200] =	vst v63  }
0x1c2: {  	_ =	swait.ge [sflag:s16], $0x4000  }
0x1c3: {  	[sflag:s16] =	ssyncset.done $0x0  }
0x1c4: {  	[sflag:s16] =	ssyncadd.s32 $0xFFFFC000  }
0x1c5: {  	_ =	swait.ge [sflag:s16], $0x80  }
0x1c6: {  	[sflag:s16] =	ssyncset.done $0x0  }
0x1c7: {  	[sflag:s16] =	ssyncadd.s32 $0xFFFFFF80  }
0x1c8: {  	[spmem:s1] =	stream.indirect.scatter.add.f32 [tilespmem:s4], [sflag:$0x4], $0x80, s9, s17, $0xb8;
	[tilespmem:$0x13200] =	vst v63  }
0x1c9: {  	_ =	swait.ge [sflag:s12], $0x4000  }
0x1ca: {  	[sflag:s12] =	ssyncset.done $0x0  }
0x1cb: {  	[sflag:s12] =	ssyncadd.s32 $0xFFFFC000  }
0x1cc: {  	[spmem:s2] =	stream.indirect.scatter.add.f32 [tilespmem:s13], [sflag:$0x4], $0x80, s9, s17, $0xb8;
	[tilespmem:$0x13200] =	vst v63  }
0x1cd: {  	_ =	swait.ge [sflag:s12], $0x4000  }
0x1ce: {  	s28 =	sld [smem:$0x7ED]  }
0x1cf: {  	[sflag:s12] =	ssyncset.done $0x0  }
0x1d0: {  	s29 =	sld [smem:$0x7EE];
	[sflag:s12] =	ssyncadd.s32 $0xFFFFC000  }
0x1d1: {  	[tilespmem:s4], [sflag:$0x1] =	stream.linear.gather [hbm4b:s28+s4], $0x4000, $0x38;
	[tilespmem:$0x13200] =	vst v63  }
0x1d2: {  	_ = 	snop  }
0x1d3: {  	[tilespmem:s9], [sflag:$0x1] =	stream.linear.gather [hbm4b:s29+s4], $0x80, $0x38;
	[tilespmem:$0x13200] =	vst v63  }
0x1d4: {  	_ =	swait.ge [sflag:s18], $0x4000  }
0x1d5: {  	[sflag:s18] =	ssyncset.done $0x0  }
0x1d6: {  	[sflag:s18] =	ssyncadd.s32 $0xFFFFC000  }
0x1d7: {  	_ =	swait.ge [sflag:s18], $0x80  }
0x1d8: {  	[sflag:s18] =	ssyncset.done $0x0  }
0x1d9: {  	[sflag:s18] =	ssyncadd.s32 $0xFFFFFF80  }
0x1da: {  	[spmem:s1] =	stream.indirect.scatter.add.f32 [tilespmem:s14], [sflag:$0x4], $0x80, s15, s17, $0xb8;
	[tilespmem:$0x13200] =	vst v63  }
0x1db: {  	_ =	swait.ge [sflag:s12], $0x4000  }
0x1dc: {  	[sflag:s12] =	ssyncset.done $0x0  }
0x1dd: {  	[sflag:s12] =	ssyncadd.s32 $0xFFFFC000  }
0x1de: {  	[spmem:s2] =	stream.indirect.scatter.add.f32 [tilespmem:s13], [sflag:$0x4], $0x80, s15, s17, $0xb8;
	[tilespmem:$0x13200] =	vst v63  }
0x1df: {  	_ =	swait.ge [sflag:s12], $0x4000  }
0x1e0: {  	s30 =	sld [smem:$0x7EF]  }
0x1e1: {  	[sflag:s12] =	ssyncset.done $0x0  }
0x1e2: {  	s31 =	sld [smem:$0x7F0];
	[sflag:s12] =	ssyncadd.s32 $0xFFFFC000  }
0x1e3: {  	[tilespmem:s14], [sflag:$0x2] =	stream.linear.gather [hbm4b:s30+s4], $0x4000, $0x38;
	[tilespmem:$0x13200] =	vst v63  }
0x1e4: {  	_ = 	snop  }
0x1e5: {  	[tilespmem:s15], [sflag:$0x2] =	stream.linear.gather [hbm4b:s31+s4], $0x80, $0x38;
	[tilespmem:$0x13200] =	vst v63  }
0x1e6: {  	_ =	swait.ge [sflag:s16], $0x4000  }
0x1e7: {  	[sflag:s16] =	ssyncset.done $0x0  }
0x1e8: {  	[sflag:s16] =	ssyncadd.s32 $0xFFFFC000  }
0x1e9: {  	_ =	swait.ge [sflag:s16], $0x80  }
0x1ea: {  	[sflag:s16] =	ssyncset.done $0x0  }
0x1eb: {  	[sflag:s16] =	ssyncadd.s32 $0xFFFFFF80  }
0x1ec: {  	[spmem:s1] =	stream.indirect.scatter.add.f32 [tilespmem:s4], [sflag:$0x4], $0x80, s9, s17, $0xb8;
	[tilespmem:$0x13200] =	vst v63  }
0x1ed: {  	_ =	swait.ge [sflag:s12], $0x4000  }
0x1ee: {  	[sflag:s12] =	ssyncset.done $0x0  }
0x1ef: {  	[sflag:s12] =	ssyncadd.s32 $0xFFFFC000  }
0x1f0: {  	[spmem:s2] =	stream.indirect.scatter.add.f32 [tilespmem:s13], [sflag:$0x4], $0x80, s9, s17, $0xb8;
	[tilespmem:$0x13200] =	vst v63  }
0x1f1: {  	_ =	swait.ge [sflag:s12], $0x4000  }
0x1f2: {  	s23 =	sld [smem:$0x7F1]  }
0x1f3: {  	[sflag:s12] =	ssyncset.done $0x0  }
0x1f4: {  	s24 =	sld [smem:$0x7F2];
	[sflag:s12] =	ssyncadd.s32 $0xFFFFC000  }
0x1f5: {  	[tilespmem:s4], [sflag:$0x1] =	stream.linear.gather [hbm4b:s23+s4], $0x4000, $0x38;
	[tilespmem:$0x13200] =	vst v63  }
0x1f6: {  	_ = 	snop  }
0x1f7: {  	[tilespmem:s9], [sflag:$0x1] =	stream.linear.gather [hbm4b:s24+s4], $0x80, $0x38;
	[tilespmem:$0x13200] =	vst v63  }
0x1f8: {  	_ =	swait.ge [sflag:s18], $0x4000  }
0x1f9: {  	[sflag:s18] =	ssyncset.done $0x0  }
0x1fa: {  	[sflag:s18] =	ssyncadd.s32 $0xFFFFC000  }
0x1fb: {  	_ =	swait.ge [sflag:s18], $0x80  }
0x1fc: {  	[sflag:s18] =	ssyncset.done $0x0  }
0x1fd: {  	[sflag:s18] =	ssyncadd.s32 $0xFFFFFF80  }
0x1fe: {  	[spmem:s1] =	stream.indirect.scatter.add.f32 [tilespmem:s14], [sflag:$0x4], $0x80, s15, s17, $0xb8;
	[tilespmem:$0x13200] =	vst v63  }
0x1ff: {  	_ =	swait.ge [sflag:s12], $0x4000  }
0x200: {  	[sflag:s12] =	ssyncset.done $0x0  }
0x201: {  	[sflag:s12] =	ssyncadd.s32 $0xFFFFC000  }
0x202: {  	[spmem:s2] =	stream.indirect.scatter.add.f32 [tilespmem:s13], [sflag:$0x4], $0x80, s15, s17, $0xb8;
	[tilespmem:$0x13200] =	vst v63  }
0x203: {  	_ =	swait.ge [sflag:s12], $0x4000  }
0x204: {  	s25 =	sld [smem:$0x7F3]  }
0x205: {  	[sflag:s12] =	ssyncset.done $0x0  }
0x206: {  	s26 =	sld [smem:$0x7F4];
	[sflag:s12] =	ssyncadd.s32 $0xFFFFC000  }
0x207: {  	[tilespmem:s14], [sflag:$0x2] =	stream.linear.gather [hbm4b:s25+s4], $0x4000, $0x38;
	[tilespmem:$0x13200] =	vst v63  }
0x208: {  	_ = 	snop  }
0x209: {  	[tilespmem:s15], [sflag:$0x2] =	stream.linear.gather [hbm4b:s26+s4], $0x80, $0x38;
	[tilespmem:$0x13200] =	vst v63  }
0x20a: {  	_ =	swait.ge [sflag:s16], $0x4000  }
0x20b: {  	[sflag:s16] =	ssyncset.done $0x0  }
0x20c: {  	[sflag:s16] =	ssyncadd.s32 $0xFFFFC000  }
0x20d: {  	_ =	swait.ge [sflag:s16], $0x80  }
0x20e: {  	[sflag:s16] =	ssyncset.done $0x0  }
0x20f: {  	[sflag:s16] =	ssyncadd.s32 $0xFFFFFF80  }
0x210: {  	[spmem:s1] =	stream.indirect.scatter.add.f32 [tilespmem:s4], [sflag:$0x4], $0x80, s9, s17, $0xb8;
	[tilespmem:$0x13200] =	vst v63  }
0x211: {  	_ =	swait.ge [sflag:s12], $0x4000  }
0x212: {  	[sflag:s12] =	ssyncset.done $0x0  }
0x213: {  	[sflag:s12] =	ssyncadd.s32 $0xFFFFC000  }
0x214: {  	[spmem:s2] =	stream.indirect.scatter.add.f32 [tilespmem:s13], [sflag:$0x4], $0x80, s9, s17, $0xb8;
	[tilespmem:$0x13200] =	vst v63  }
0x215: {  	_ =	swait.ge [sflag:s12], $0x4000  }
0x216: {  	s28 =	sld [smem:$0x7F5]  }
0x217: {  	[sflag:s12] =	ssyncset.done $0x0  }
0x218: {  	s29 =	sld [smem:$0x7F6];
	[sflag:s12] =	ssyncadd.s32 $0xFFFFC000  }
0x219: {  	[tilespmem:s4], [sflag:$0x1] =	stream.linear.gather [hbm4b:s28+s4], $0x4000, $0x38;
	[tilespmem:$0x13200] =	vst v63  }
0x21a: {  	_ = 	snop  }
0x21b: {  	[tilespmem:s9], [sflag:$0x1] =	stream.linear.gather [hbm4b:s29+s4], $0x80, $0x38;
	[tilespmem:$0x13200] =	vst v63  }
0x21c: {  	_ =	swait.ge [sflag:s18], $0x4000  }
0x21d: {  	[sflag:s18] =	ssyncset.done $0x0  }
0x21e: {  	[sflag:s18] =	ssyncadd.s32 $0xFFFFC000  }
0x21f: {  	_ =	swait.ge [sflag:s18], $0x80  }
0x220: {  	[sflag:s18] =	ssyncset.done $0x0  }
0x221: {  	[sflag:s18] =	ssyncadd.s32 $0xFFFFFF80  }
0x222: {  	[spmem:s1] =	stream.indirect.scatter.add.f32 [tilespmem:s14], [sflag:$0x4], $0x80, s15, s17, $0xb8;
	[tilespmem:$0x13200] =	vst v63  }
0x223: {  	_ =	swait.ge [sflag:s12], $0x4000  }
0x224: {  	[sflag:s12] =	ssyncset.done $0x0  }
0x225: {  	[sflag:s12] =	ssyncadd.s32 $0xFFFFC000  }
0x226: {  	[spmem:s2] =	stream.indirect.scatter.add.f32 [tilespmem:s13], [sflag:$0x4], $0x80, s15, s17, $0xb8;
	[tilespmem:$0x13200] =	vst v63  }
0x227: {  	_ =	swait.ge [sflag:s12], $0x4000  }
0x228: {  	[sflag:s12] =	ssyncset.done $0x0  }
0x229: {  	[sflag:s12] =	ssyncadd.s32 $0xFFFFC000  }
0x22a: {  	_ =	swait.ge [sflag:s16], $0x4000  }
0x22b: {  	[sflag:s16] =	ssyncset.done $0x0  }
0x22c: {  	[sflag:s16] =	ssyncadd.s32 $0xFFFFC000  }
0x22d: {  	_ =	swait.ge [sflag:s16], $0x80  }
0x22e: {  	s22 =	sld [smem:$0x7F7]  }
0x22f: {  	[sflag:s16] =	ssyncset.done $0x0  }
0x230: {  	s23 =	simm.s32 @!p1 $0x0;
	s24 =	simm.s32 @!p1 $0x8100;
	[sflag:s16] =	ssyncadd.s32 $0xFFFFFF80  }
0x231: {  	[tilespmem:s24], [sflag:$0x4] =	stream.linear.gather @!p1 [hbm4b:s22+s23], $0x1000, $0x38;
	[tilespmem:$0x13200] =	vst v63  }
0x232: {  	s22 =	simm.s32 @!p1 $0x4  }
0x233: {  	_ =	swait.ge @!p1 [sflag:s22], $0x1000  }
0x234: {  	s25 =	sld [smem:$0x7F8]  }
0x235: {  	[sflag:s22] =	ssyncset.done @!p1 $0x0  }
0x236: {  	s26 =	simm.s32 @!p1 $0x9100;
	[sflag:s22] =	ssyncadd.s32 @!p1 $0xFFFFF000  }
0x237: {  	[tilespmem:s26], [sflag:$0x4] =	stream.linear.gather @!p1 [hbm4b:s25+s23], $0x20, $0x38;
	[tilespmem:$0x13200] =	vst v63  }
0x238: {  	_ =	swait.ge @!p1 [sflag:s22], $0x20  }
0x239: {  	[sflag:s22] =	ssyncset.done @!p1 $0x0  }
0x23a: {  	s23 =	simm.s32 @!p1 $0x20;
	[sflag:s22] =	ssyncadd.s32 @!p1 $0xFFFFFFE0  }
0x23b: {  	[spmem:s1] =	stream.indirect.scatter.add.f32 @!p1 [tilespmem:s24], [sflag:$0x4], $0x80, s26, s23, $0xb8;
	[tilespmem:$0x13200] =	vst v63  }
0x23c: {  	_ =	swait.ge @!p1 [sflag:s22], $0x1000  }
0x23d: {  	[sflag:s22] =	ssyncset.done @!p1 $0x0  }
0x23e: {  	s24 =	simm.s32 @!p1 $0xD180;
	[sflag:s22] =	ssyncadd.s32 @!p1 $0xFFFFF000  }
0x23f: {  	[spmem:s2] =	stream.indirect.scatter.add.f32 @!p1 [tilespmem:s24], [sflag:$0x4], $0x80, s26, s23, $0xb8;
	[tilespmem:$0x13200] =	vst v63  }
0x240: {  	_ =	swait.ge @!p1 [sflag:s22], $0x1000  }
0x241: {  	s23 =	simm.s32 @!p0 $0x8000;
	[sflag:s22] =	ssyncset.done @!p1 $0x0  }
0x242: {  	s24 =	simm.s32 @!p0 $0x0;
	[sflag:s22] =	ssyncadd.s32 @!p1 $0xFFFFF000;
	s22 =	simm.s32 @!p0 $0x80  }
0x243: {  	[spmem:s1] =	stream.indirect.scatter.add.f32 @!p0 [tilespmem:s24], [sflag:$0x4], $0x80, s23, s22, $0xb8;
	[tilespmem:$0x13200] =	vst v63  }
0x244: {  	s24 =	simm.s32 @!p0 $0x4  }
0x245: {  	_ =	swait.ge @!p0 [sflag:s24], $0x4000  }
0x246: {  	[sflag:s24] =	ssyncset.done @!p0 $0x0  }
0x247: {  	s25 =	simm.s32 @!p0 $0x9180;
	[sflag:s24] =	ssyncadd.s32 @!p0 $0xFFFFC000  }
0x248: {  	[spmem:s2] =	stream.indirect.scatter.add.f32 @!p0 [tilespmem:s25], [sflag:$0x4], $0x80, s23, s22, $0xb8;
	[tilespmem:$0x13200] =	vst v63  }
0x249: {  	_ =	swait.ge @!p0 [sflag:s24], $0x4000  }
0x24a: {  	[sflag:s24] =	ssyncset.done @!p0 $0x0  }
0x24b: {  	[sflag:s24] =	ssyncadd.s32 @!p0 $0xFFFFC000  }
0x24c: {  	[bflag:$0x0] =	sbarrier.arrive $0xFFFF  }
0x24d: {  	s30 =	sld [smem:$0x7F9];
	_ =	sdelay $0x2  }
0x24e: {  	[hbm:s30], [sflag:s19] =	dma.local [spmem:s20], $0x400  }
0x24f: {  	_ =	swait.ge [sflag:s12], $0x400  }
0x250: {  	s8 =	sadd.s32 $0xFFFFFFFF, s8;
	s31 =	sld [smem:$0x7FA]  }
0x251: {  	p2 =	sne.s32 s8, $0x0;
	[sflag:s12] =	ssyncset.done $0x0  }
.Ltmp0:
0x252: {  	[sflag:s12] =	ssyncadd.s32 $0xFFFFFC00;
	(pc) =	sbr.rel @p2 .LBB2_1-.Ltmp0, $4  }
0x253: {  	[hbm:s31], [sflag:s19] =	dma.local [spmem:s21], $0x400  }
0x254: {  	_ =	swait.ge [sflag:s12], $0x400  }
0x255: {  	[sflag:s12] =	ssyncset.done $0x0  }
0x256: {  	[sflag:s12] =	ssyncadd.s32 $0xFFFFFC00  }
0x257: {  	_ =	sfence.sel $0x180000  }
0x258: {  	[bflag:$0x0] =	sbarrier.arrive $0xFFFF  }
0x259: {  	p0 =	sne.s32 s3, $0x0;
	_ =	strace $0x90000047  }
0x25a: {  	s0 =	sadd.s32 @!p0 $0x100000, s0;
	[bflag:$0x2] =	sbarrier.arrive $0xFFFF  }
0x25b: {  	[sflag:s0] =	ssyncadd.tile.s32 @!p0 $0x1;
	_ =	shalt  }
.Lfunc_end2:
_tile_overlayer_lowered:
.L_overlay_start_2:
0x25c: {  	(tag) =	ssettag $0x2  }
0x25d: {  	s0 =	rddreg [dreg:$0x0];
	s2 =	stileid.u32  }
0x25e: {  	s1 =	rddreg [dreg:$0x1];
	p0 =	sne.s32 s2, $0x0  }
0x25f: {  	s3 =	rddreg [dreg:$0x2];
	[bflag:$0x3] =	sbarrier.arrive $0xFFFF;
	s2 =	simm.s32 @!p0 $0x1C04  }
0x260: {  	[timem:s3], [sflag:s2] =	dma.local @!p0 [hbm:s0], s1  }
0x261: {  	s0 =	simm.s32 @!p0 $0x4  }
0x262: {  	_ =	swait.ge @!p0 [sflag:s0], s1  }
0x263: {  	s1 =	ssub.s32 @!p0 $0x0, s1;
	[sflag:s0] =	ssyncset.done @!p0 $0x0  }
0x264: {  	[sflag:s0] =	ssyncadd.s32 @!p0 s1  }
0x265: {  	[bflag:$0x3] =	sbarrier.arrive $0xFFFF  }
0x266: {  	_ =	shalt  }

</sc_bundles>
